<compile_context>
chip_gen: v7x
topology: tpu7x:2x2x1
jax: 0.10.2.dev20260603
libtpu: 0.0.44.dev20260713+nightly
codegen_flags: <defaults>
</compile_context>

<pallas_src>
import functools

import jax
import jax.numpy as jnp
from jax import lax
from jax.experimental import pallas as pl
from jax.experimental.pallas import tpu as pltpu
from jax.experimental.pallas import tpu_sc as plsc

HIDDEN = 1024
TROWS = 40
MASK_ID = 32
ZERO_ROW = 33
LN_EPS = 1e-12

_INFO = plsc.get_sparse_core_info()
NC, NS = _INFO.num_cores, _INFO.num_subcores
NW = NC * NS
CHUNK = 16
NBUF = 4
NREP = 16


def _make_prep(b_per_w):
    def prep(w_ref, g_ref, b_ref, ids_ref, mask_ref, t_ref, idx_ref):
        w = w_ref[...]
        mu = jnp.mean(w, axis=1, keepdims=True)
        var = jnp.mean((w - mu) ** 2, axis=1, keepdims=True)
        normed = (w - mu) * lax.rsqrt(var + LN_EPS) * g_ref[...] + b_ref[...]
        r = lax.broadcasted_iota(jnp.int32, (TROWS, HIDDEN), 0)
        t = jnp.where(r == MASK_ID, b_ref[...], normed)
        t_ref[...] = jnp.where(r >= ZERO_ROW, 0.0, t)
        idx = jnp.where(mask_ref[...] != 0.0, ids_ref[...], ZERO_ROW)
        shape = idx.shape
        flat = (
            lax.broadcasted_iota(jnp.int32, shape, 0) * shape[1]
            + lax.broadcasted_iota(jnp.int32, shape, 1)
        )
        idx_ref[...] = idx + ((flat // b_per_w) // 2) * TROWS

    return prep


def _make_gather(total):
    b_per_w = total // NW
    nchunk = b_per_w // CHUNK
    mesh = plsc.VectorSubcoreMesh(core_axis_name="c", subcore_axis_name="s")

    @functools.partial(
        pl.kernel,
        mesh=mesh,
        out_type=jax.ShapeDtypeStruct((total, HIDDEN), jnp.float32),
        scratch_types=(
            [
                pltpu.VMEM((b_per_w,), jnp.int32),
                pltpu.VMEM_SHARED((NREP * TROWS, HIDDEN), jnp.float32),
            ]
            + [pltpu.VMEM((CHUNK, HIDDEN), jnp.float32) for _ in range(NBUF)]
            + [pltpu.SemaphoreType.DMA for _ in range(2 * NBUF + 1)]
        ),
    )
    def gather(t_hbm, idx_hbm, out_hbm, idx_v, table_sh, *bufs):
        rows = bufs[:NBUF]
        gsem = bufs[NBUF : 2 * NBUF]
        ssem = bufs[2 * NBUF : 3 * NBUF]
        csem = bufs[3 * NBUF]
        wid = lax.axis_index("s") * NC + lax.axis_index("c")
        base = wid * b_per_w
        @pl.when(lax.axis_index("s") == 0)
        def _():
            pltpu.sync_copy(t_hbm, table_sh)

        pltpu.sync_copy(idx_hbm.at[pl.ds(base, b_per_w)], idx_v)
        plsc.subcore_barrier()

        def g_copy(k, b):
            return pltpu.make_async_copy(
                t_hbm.at[idx_v.at[pl.ds(k * CHUNK, CHUNK)]], rows[b],
                gsem[b],
            )

        def s_copy(k, b):
            return pltpu.make_async_copy(
                rows[b],
                out_hbm.at[pl.ds(base + k * CHUNK, CHUNK)],
                ssem[b],
            )

        def construct(k, b):
            def grp_body(g, carry):
                v = idx_v[pl.ds(k * CHUNK + g * 16, 16)]
                for t in range(16):
                    pltpu.async_copy(
                        table_sh.at[v[t]],
                        rows[b].at[g * 16 + t],
                        csem,
                    )
                for t in range(16):
                    pltpu.make_async_copy(
                        table_sh.at[v[t]],
                        rows[b].at[g * 16 + t],
                        csem,
                    ).wait()
                return carry

            lax.fori_loop(0, CHUNK // 16, grp_body, 0)

        g_copy(0, 0).start()
        g_copy(2, 2).start()

        def body(i, _):
            for b in range(NBUF):
                k = i * NBUF + b
                if b % 2 == 0:
                    g_copy(k, b).wait()
                    s_copy(k, b).start()
                else:
                    @pl.when(k + 3 < nchunk)
                    def _():
                        @pl.when(k >= 1)
                        def _():
                            s_copy(k - 1, b - 1).wait()

                        g_copy(k + 3, b - 1).start()

                    @pl.when(k >= NBUF)
                    def _():
                        s_copy(k - NBUF, b).wait()

                    construct(k, b)
                    s_copy(k, b).start()
            return 0

        lax.fori_loop(0, nchunk // NBUF, body, 0)
        for j in range(NBUF):
            k = nchunk - NBUF + j
            s_copy(k, k % NBUF).wait()

    return gather


def kernel(input_ids, attention_mask, W, gamma, beta):
    B, S = input_ids.shape
    total = B * S
    b_per_w = total // NW
    ids32 = input_ids.astype(jnp.int32)
    w_pad = jnp.zeros((TROWS, HIDDEN), jnp.float32).at[: W.shape[0]].set(W)

    table, idx = pl.pallas_call(
        _make_prep(b_per_w),
        out_shape=(
            jax.ShapeDtypeStruct((TROWS, HIDDEN), jnp.float32),
            jax.ShapeDtypeStruct((B, S), jnp.int32),
        ),
    )(w_pad, gamma.reshape(1, HIDDEN), beta.reshape(1, HIDDEN), ids32,
      attention_mask)

    table_rep = jnp.tile(table, (NREP, 1))
    out = _make_gather(total)(table_rep, idx.reshape(total))
    return out.reshape(B, S, HIDDEN)

# --- scband reference (transcript-rebuilt; emitter-appended) ---
"""Pipeline reference for scband-esm-embeddings-28724741276411 (READ-ONLY COPY).

The authoritative reference and input builder live on the scoring server;
editing this copy changes nothing except your own understanding.
"""

import jax, jax.numpy as jnp
import numpy as np

VOCAB = 33
HIDDEN = 1024
BATCH = 4
SEQ = 8192
MASK_TOKEN_ID = 32
LN_EPS = 1e-12


def setup_inputs(seed: int = 0) -> dict:
    key = jax.random.key(seed)
    k1, k2 = jax.random.split(key, 2)
    input_ids = jax.random.randint(k1, (BATCH, SEQ), 0, VOCAB, dtype=jnp.int64 if jax.config.read('jax_enable_x64') else jnp.int32)
    attention_mask = jnp.ones((BATCH, SEQ), dtype=jnp.float32)
    W = jax.random.normal(k2, (VOCAB, HIDDEN), dtype=jnp.float32) * 0.02
    W = W.at[1].set(0.0)  # padding_idx row initialized to zero, as in nn.Embedding
    gamma = jnp.ones((HIDDEN,), dtype=jnp.float32)
    beta = jnp.zeros((HIDDEN,), dtype=jnp.float32)
    return {"input_ids": input_ids, "attention_mask": attention_mask, "W": W, "gamma": gamma, "beta": beta}


def reference(input_ids, attention_mask, W, gamma, beta):
    # word embedding lookup (gather)
    embeddings = jnp.take(W, input_ids, axis=0)  # [B, S, H]
    # token dropout rescaling (ESM-specific)
    is_mask = (input_ids == MASK_TOKEN_ID)
    embeddings = jnp.where(is_mask[..., None], 0.0, embeddings)
    mask_ratio_train = 0.15 * 0.8
    src_lengths = attention_mask.sum(-1)  # [B]
    mask_ratio_observed = is_mask.sum(-1).astype(jnp.float32) / src_lengths  # [B]
    embeddings = embeddings * (1.0 - mask_ratio_train) / (1.0 - mask_ratio_observed)[:, None, None]
    # layer norm (emb_layer_norm_before=True)
    mu = embeddings.mean(-1, keepdims=True)
    var = ((embeddings - mu) ** 2).mean(-1, keepdims=True)
    embeddings = (embeddings - mu) / jnp.sqrt(var + LN_EPS) * gamma + beta
    # zero out padded positions
    embeddings = embeddings * attention_mask[..., None]
    return embeddings

if __name__ == "__main__":
    import jax
    _d = setup_inputs()
    print(jax.jit(kernel)(*tuple(_d.values())))

</pallas_src>

<mosaic_0001>
#map = affine_map<(d0, d1) -> (0, 0)>
#map1 = affine_map<(d0, d1) -> (0)>
module attributes {stable_mosaic.version = 14 : i64} {
  func.func @gather(%arg0: i32, %arg1: i32, %arg2: memref<640x1024xf32, #tpu.memory_space<hbm>>, %arg3: memref<32768xi32, #tpu.memory_space<hbm>>, %arg4: memref<32768x1024xf32, #tpu.memory_space<hbm>>, %arg5: memref<1024xi32, #tpu.memory_space<vmem>>, %arg6: memref<640x1024xf32, #tpu.memory_space<vmem_shared>>, %arg7: memref<16x1024xf32, #tpu.memory_space<vmem>>, %arg8: memref<16x1024xf32, #tpu.memory_space<vmem>>, %arg9: memref<16x1024xf32, #tpu.memory_space<vmem>>, %arg10: memref<16x1024xf32, #tpu.memory_space<vmem>>, %arg11: memref<!tpu.dma_semaphore, #tpu.memory_space<semaphore_mem>>, %arg12: memref<!tpu.dma_semaphore, #tpu.memory_space<semaphore_mem>>, %arg13: memref<!tpu.dma_semaphore, #tpu.memory_space<semaphore_mem>>, %arg14: memref<!tpu.dma_semaphore, #tpu.memory_space<semaphore_mem>>, %arg15: memref<!tpu.dma_semaphore, #tpu.memory_space<semaphore_mem>>, %arg16: memref<!tpu.dma_semaphore, #tpu.memory_space<semaphore_mem>>, %arg17: memref<!tpu.dma_semaphore, #tpu.memory_space<semaphore_mem>>, %arg18: memref<!tpu.dma_semaphore, #tpu.memory_space<semaphore_mem>>, %arg19: memref<!tpu.dma_semaphore, #tpu.memory_space<semaphore_mem>>) attributes {dimension_semantics = [#tpu.dimension_semantics<core_parallel>, #tpu.dimension_semantics<subcore_parallel>], iteration_bounds = array<i64: 2, 16>, scalar_prefetch = 0 : i64, scratch_operands = 15 : i64, tpu.core_type = #tpu.core_type<sc_vector_subcore>, window_params = [{transform_indices = #map}, {transform_indices = #map1}, {transform_indices = #map}]} {
    %mul3A = arith.constant 2 : i32
    %mul3A_0 = arith.muli %arg1, %mul3A : i32
    %add3A = arith.addi %mul3A_0, %arg0 : i32
    %mul3A_1 = arith.constant 1024 : i32
    %mul3A_2 = arith.muli %add3A, %mul3A_1 : i32
    %eq3A = arith.constant 0 : i32
    %eq3A_3 = arith.cmpi eq, %arg1, %eq3A : i32
    %convert_element_type3A = arith.extui %eq3A_3 : i1 to i32
    %cond3A = arith.constant 0 : i32
    %cond3A_4 = arith.cmpi ne, %convert_element_type3A, %cond3A : i32
    scf.if %cond3A_4 {
      "tpu.region"() ({
        %run_scoped3A = tpu.sem_alloc : memref<!tpu.dma_semaphore, #tpu.memory_space<semaphore_mem>>
        tpu.enqueue_dma source(%arg2 : memref<640x1024xf32, #tpu.memory_space<hbm>>) target(%arg6 : memref<640x1024xf32, #tpu.memory_space<vmem_shared>>) target_semaphore(%run_scoped3A : memref<!tpu.dma_semaphore, #tpu.memory_space<semaphore_mem>>)
        tpu.wait_dma2 semaphore(%run_scoped3A : memref<!tpu.dma_semaphore, #tpu.memory_space<semaphore_mem>>) src(%arg2 : memref<640x1024xf32, #tpu.memory_space<hbm>>) dst(%arg6 : memref<640x1024xf32, #tpu.memory_space<vmem_shared>>)
        tpu.yield
      }) : () -> ()
    } else {
    }
    "tpu.region"() ({
      %run_scoped3A = tpu.sem_alloc : memref<!tpu.dma_semaphore, #tpu.memory_space<semaphore_mem>>
      %dma_start3A_43 = tpu.memref_slice %arg3[%mul3A_2] : memref<32768xi32, #tpu.memory_space<hbm>> -> memref<1024xi32, #tpu.memory_space<hbm>>
      %dma_start3A_44 = tpu.memref_slice %arg3[%mul3A_2] : memref<32768xi32, #tpu.memory_space<hbm>> -> memref<1024xi32, #tpu.memory_space<hbm>>
      tpu.enqueue_dma source(%dma_start3A_44 : memref<1024xi32, #tpu.memory_space<hbm>>) target(%arg5 : memref<1024xi32, #tpu.memory_space<vmem>>) target_semaphore(%run_scoped3A : memref<!tpu.dma_semaphore, #tpu.memory_space<semaphore_mem>>)
      %dma_wait3A_45 = tpu.memref_slice %arg3[%mul3A_2] : memref<32768xi32, #tpu.memory_space<hbm>> -> memref<1024xi32, #tpu.memory_space<hbm>>
      %dma_wait3A_46 = tpu.memref_slice %arg3[%mul3A_2] : memref<32768xi32, #tpu.memory_space<hbm>> -> memref<1024xi32, #tpu.memory_space<hbm>>
      tpu.wait_dma2 semaphore(%run_scoped3A : memref<!tpu.dma_semaphore, #tpu.memory_space<semaphore_mem>>) src(%dma_wait3A_46 : memref<1024xi32, #tpu.memory_space<hbm>>) dst(%arg5 : memref<1024xi32, #tpu.memory_space<vmem>>)
      tpu.yield
    }) : () -> ()
    %barrier3A = arith.constant 0 : index
    tpu.barrier barrier_id(%barrier3A)
    %dma_start3A = arith.constant 0 : i32
    %dma_start3A_5 = tpu.memref_slice %arg5[%dma_start3A] : memref<1024xi32, #tpu.memory_space<vmem>> -> memref<16xi32, #tpu.memory_space<vmem>>
    %dma_start3A_6 = arith.constant 0 : i32
    %dma_start3A_7 = arith.constant 0 : i32
    %dma_start3A_8 = tpu.memref_slice %arg2[%dma_start3A_6, %dma_start3A_7] : memref<640x1024xf32, #tpu.memory_space<hbm>> -> memref<640x1024xf32, #tpu.memory_space<hbm>>
    tpu.enqueue_indirect_dma source(%dma_start3A_8 : memref<640x1024xf32, #tpu.memory_space<hbm>>) target(%arg7 : memref<16x1024xf32, #tpu.memory_space<vmem>>) offsets(%dma_start3A_5 : memref<16xi32, #tpu.memory_space<vmem>>) semaphore(%arg11 : memref<!tpu.dma_semaphore, #tpu.memory_space<semaphore_mem>>)
    %dma_start3A_9 = arith.constant 32 : i32
    %dma_start3A_10 = tpu.memref_slice %arg5[%dma_start3A_9] : memref<1024xi32, #tpu.memory_space<vmem>> -> memref<16xi32, #tpu.memory_space<vmem>>
    %dma_start3A_11 = arith.constant 0 : i32
    %dma_start3A_12 = arith.constant 0 : i32
    %dma_start3A_13 = tpu.memref_slice %arg2[%dma_start3A_11, %dma_start3A_12] : memref<640x1024xf32, #tpu.memory_space<hbm>> -> memref<640x1024xf32, #tpu.memory_space<hbm>>
    tpu.enqueue_indirect_dma source(%dma_start3A_13 : memref<640x1024xf32, #tpu.memory_space<hbm>>) target(%arg9 : memref<16x1024xf32, #tpu.memory_space<vmem>>) offsets(%dma_start3A_10 : memref<16xi32, #tpu.memory_space<vmem>>) semaphore(%arg13 : memref<!tpu.dma_semaphore, #tpu.memory_space<semaphore_mem>>)
    %scan3A = arith.constant 0 : i32
    %scan3A_14 = arith.constant 0 : i32
    %scan3A_15 = arith.constant 16 : i32
    %scan3A_16 = arith.addi %scan3A_14, %scan3A_15 : i32
    %scan3A_17 = arith.constant 1 : i32
    %scan3A_18 = scf.for %scan3A_43 = %scan3A_14 to %scan3A_16 step %scan3A_17 iter_args(%scan3A_44 = %scan3A) -> (i32)  : i32 {
      %mul3A_45 = arith.constant 4 : i32
      %mul3A_46 = arith.muli %scan3A_43, %mul3A_45 : i32
      %add3A_47 = arith.constant 0 : i32
      %add3A_48 = arith.addi %mul3A_46, %add3A_47 : i32
      %mul3A_49 = arith.constant 16 : i32
      %mul3A_50 = arith.muli %add3A_48, %mul3A_49 : i32
      %dma_wait3A_51 = tpu.memref_slice %arg5[%mul3A_50] : memref<1024xi32, #tpu.memory_space<vmem>> -> memref<16xi32, #tpu.memory_space<vmem>>
      %dma_wait3A_52 = arith.constant 0 : i32
      %dma_wait3A_53 = arith.constant 0 : i32
      %dma_wait3A_54 = tpu.memref_slice %arg2[%dma_wait3A_52, %dma_wait3A_53] : memref<640x1024xf32, #tpu.memory_space<hbm>> -> memref<640x1024xf32, #tpu.memory_space<hbm>>
      tpu.wait_indirect_dma semaphore(%arg11 : memref<!tpu.dma_semaphore, #tpu.memory_space<semaphore_mem>>) src(%dma_wait3A_54 : memref<640x1024xf32, #tpu.memory_space<hbm>>) dst(%arg7 : memref<16x1024xf32, #tpu.memory_space<vmem>>)
      %mul3A_55 = arith.constant 16 : i32
      %mul3A_56 = arith.muli %add3A_48, %mul3A_55 : i32
      %add3A_57 = arith.addi %mul3A_2, %mul3A_56 : i32
      %dma_start3A_58 = arith.constant 0 : i32
      %dma_start3A_59 = tpu.memref_slice %arg4[%add3A_57, %dma_start3A_58] : memref<32768x1024xf32, #tpu.memory_space<hbm>> -> memref<16x1024xf32, #tpu.memory_space<hbm>>
      %dma_start3A_60 = arith.constant 0 : i32
      %dma_start3A_61 = tpu.memref_slice %arg4[%add3A_57, %dma_start3A_60] : memref<32768x1024xf32, #tpu.memory_space<hbm>> -> memref<16x1024xf32, #tpu.memory_space<hbm>>
      tpu.enqueue_dma source(%arg7 : memref<16x1024xf32, #tpu.memory_space<vmem>>) target(%dma_start3A_61 : memref<16x1024xf32, #tpu.memory_space<hbm>>) target_semaphore(%arg15 : memref<!tpu.dma_semaphore, #tpu.memory_space<semaphore_mem>>)
      %mul3A_62 = arith.constant 4 : i32
      %mul3A_63 = arith.muli %scan3A_43, %mul3A_62 : i32
      %add3A_64 = arith.constant 1 : i32
      %add3A_65 = arith.addi %mul3A_63, %add3A_64 : i32
      %add3A_66 = arith.constant 3 : i32
      %add3A_67 = arith.addi %add3A_65, %add3A_66 : i32
      %lt3A = arith.constant 64 : i32
      %lt3A_68 = arith.cmpi slt, %add3A_67, %lt3A : i32
      %convert_element_type3A_69 = arith.extui %lt3A_68 : i1 to i32
      %cond3A_70 = arith.constant 0 : i32
      %cond3A_71 = arith.cmpi ne, %convert_element_type3A_69, %cond3A_70 : i32
      scf.if %cond3A_71 {
        %ge3A_1295 = arith.constant 1 : i32
        %ge3A_1296 = arith.cmpi sge, %add3A_65, %ge3A_1295 : i32
        %convert_element_type3A_1297 = arith.extui %ge3A_1296 : i1 to i32
        %cond3A_1298 = arith.constant 0 : i32
        %cond3A_1299 = arith.cmpi ne, %convert_element_type3A_1297, %cond3A_1298 : i32
        scf.if %cond3A_1299 {
          %sub3A = arith.constant 1 : i32
          %sub3A_1308 = arith.subi %add3A_65, %sub3A : i32
          %mul3A_1309 = arith.constant 16 : i32
          %mul3A_1310 = arith.muli %sub3A_1308, %mul3A_1309 : i32
          %add3A_1311 = arith.addi %mul3A_2, %mul3A_1310 : i32
          %dma_wait3A_1312 = arith.constant 0 : i32
          %dma_wait3A_1313 = tpu.memref_slice %arg4[%add3A_1311, %dma_wait3A_1312] : memref<32768x1024xf32, #tpu.memory_space<hbm>> -> memref<16x1024xf32, #tpu.memory_space<hbm>>
          %dma_wait3A_1314 = arith.constant 0 : i32
          %dma_wait3A_1315 = tpu.memref_slice %arg4[%add3A_1311, %dma_wait3A_1314] : memref<32768x1024xf32, #tpu.memory_space<hbm>> -> memref<16x1024xf32, #tpu.memory_space<hbm>>
          tpu.wait_dma2 semaphore(%arg15 : memref<!tpu.dma_semaphore, #tpu.memory_space<semaphore_mem>>) src(%arg7 : memref<16x1024xf32, #tpu.memory_space<vmem>>) dst(%dma_wait3A_1315 : memref<16x1024xf32, #tpu.memory_space<hbm>>)
        } else {
        }
        %add3A_1300 = arith.constant 3 : i32
        %add3A_1301 = arith.addi %add3A_65, %add3A_1300 : i32
        %mul3A_1302 = arith.constant 16 : i32
        %mul3A_1303 = arith.muli %add3A_1301, %mul3A_1302 : i32
        %dma_start3A_1304 = tpu.memref_slice %arg5[%mul3A_1303] : memref<1024xi32, #tpu.memory_space<vmem>> -> memref<16xi32, #tpu.memory_space<vmem>>
        %dma_start3A_1305 = arith.constant 0 : i32
        %dma_start3A_1306 = arith.constant 0 : i32
        %dma_start3A_1307 = tpu.memref_slice %arg2[%dma_start3A_1305, %dma_start3A_1306] : memref<640x1024xf32, #tpu.memory_space<hbm>> -> memref<640x1024xf32, #tpu.memory_space<hbm>>
        tpu.enqueue_indirect_dma source(%dma_start3A_1307 : memref<640x1024xf32, #tpu.memory_space<hbm>>) target(%arg7 : memref<16x1024xf32, #tpu.memory_space<vmem>>) offsets(%dma_start3A_1304 : memref<16xi32, #tpu.memory_space<vmem>>) semaphore(%arg11 : memref<!tpu.dma_semaphore, #tpu.memory_space<semaphore_mem>>)
      } else {
      }
      %ge3A = arith.constant 4 : i32
      %ge3A_72 = arith.cmpi sge, %add3A_65, %ge3A : i32
      %convert_element_type3A_73 = arith.extui %ge3A_72 : i1 to i32
      %cond3A_74 = arith.constant 0 : i32
      %cond3A_75 = arith.cmpi ne, %convert_element_type3A_73, %cond3A_74 : i32
      scf.if %cond3A_75 {
        %sub3A = arith.constant 4 : i32
        %sub3A_1295 = arith.subi %add3A_65, %sub3A : i32
        %mul3A_1296 = arith.constant 16 : i32
        %mul3A_1297 = arith.muli %sub3A_1295, %mul3A_1296 : i32
        %add3A_1298 = arith.addi %mul3A_2, %mul3A_1297 : i32
        %dma_wait3A_1299 = arith.constant 0 : i32
        %dma_wait3A_1300 = tpu.memref_slice %arg4[%add3A_1298, %dma_wait3A_1299] : memref<32768x1024xf32, #tpu.memory_space<hbm>> -> memref<16x1024xf32, #tpu.memory_space<hbm>>
        %dma_wait3A_1301 = arith.constant 0 : i32
        %dma_wait3A_1302 = tpu.memref_slice %arg4[%add3A_1298, %dma_wait3A_1301] : memref<32768x1024xf32, #tpu.memory_space<hbm>> -> memref<16x1024xf32, #tpu.memory_space<hbm>>
        tpu.wait_dma2 semaphore(%arg16 : memref<!tpu.dma_semaphore, #tpu.memory_space<semaphore_mem>>) src(%arg8 : memref<16x1024xf32, #tpu.memory_space<vmem>>) dst(%dma_wait3A_1302 : memref<16x1024xf32, #tpu.memory_space<hbm>>)
      } else {
      }
      %scan3A_76 = arith.constant 0 : i32
      %scan3A_77 = arith.constant 0 : i32
      %mul3A_78 = arith.constant 16 : i32
      %mul3A_79 = arith.muli %add3A_65, %mul3A_78 : i32
      %mul3A_80 = arith.constant 16 : i32
      %mul3A_81 = arith.muli %scan3A_77, %mul3A_80 : i32
      %add3A_82 = arith.addi %mul3A_79, %mul3A_81 : i32
      %get3A = arith.index_cast %add3A_82 : i32 to index
      %get3A_83 = tpu.vector_load %arg5[%get3A] {strides = array<i32>} : memref<1024xi32, #tpu.memory_space<vmem>>, vector<16xi32>,
      %get3A_84 = vector.shape_cast %get3A_83 : vector<16xi32> to vector<16xi32>
      %slice3A = vector.extract_strided_slice %get3A_84 {offsets = [0], sizes = [1], strides = [1]} : vector<16xi32> to vector<1xi32>
      %squeeze3A = vector.extract %slice3A[0] : i32 from vector<1xi32>
      %mul3A_85 = arith.constant 16 : i32
      %mul3A_86 = arith.muli %scan3A_77, %mul3A_85 : i32
      %add3A_87 = arith.constant 0 : i32
      %add3A_88 = arith.addi %mul3A_86, %add3A_87 : i32
      %dma_start3A_89 = arith.constant 0 : i32
      %dma_start3A_90 = tpu.memref_slice %arg8[%add3A_88, %dma_start3A_89] : memref<16x1024xf32, #tpu.memory_space<vmem>> -> memref<1x1024xf32, #tpu.memory_space<vmem>>
      %dma_start3A_91 = tpu.memref_squeeze %dma_start3A_90 : memref<1x1024xf32, #tpu.memory_space<vmem>> -> memref<1024xf32, #tpu.memory_space<vmem>>
      %dma_start3A_92 = arith.constant 0 : i32
      %dma_start3A_93 = tpu.memref_slice %arg6[%squeeze3A, %dma_start3A_92] : memref<640x1024xf32, #tpu.memory_space<vmem_shared>> -> memref<1x1024xf32, #tpu.memory_space<vmem_shared>>
      %dma_start3A_94 = tpu.memref_squeeze %dma_start3A_93 : memref<1x1024xf32, #tpu.memory_space<vmem_shared>> -> memref<1024xf32, #tpu.memory_space<vmem_shared>>
      %dma_start3A_95 = arith.constant 0 : i32
      %dma_start3A_96 = tpu.memref_slice %arg8[%add3A_88, %dma_start3A_95] : memref<16x1024xf32, #tpu.memory_space<vmem>> -> memref<1x1024xf32, #tpu.memory_space<vmem>>
      %dma_start3A_97 = tpu.memref_squeeze %dma_start3A_96 : memref<1x1024xf32, #tpu.memory_space<vmem>> -> memref<1024xf32, #tpu.memory_space<vmem>>
      %dma_start3A_98 = arith.constant 0 : i32
      %dma_start3A_99 = tpu.memref_slice %arg6[%squeeze3A, %dma_start3A_98] : memref<640x1024xf32, #tpu.memory_space<vmem_shared>> -> memref<1x1024xf32, #tpu.memory_space<vmem_shared>>
      %dma_start3A_100 = tpu.memref_squeeze %dma_start3A_99 : memref<1x1024xf32, #tpu.memory_space<vmem_shared>> -> memref<1024xf32, #tpu.memory_space<vmem_shared>>
      tpu.enqueue_dma source(%dma_start3A_100 : memref<1024xf32, #tpu.memory_space<vmem_shared>>) target(%dma_start3A_97 : memref<1024xf32, #tpu.memory_space<vmem>>) target_semaphore(%arg19 : memref<!tpu.dma_semaphore, #tpu.memory_space<semaphore_mem>>)
      %slice3A_101 = vector.extract_strided_slice %get3A_84 {offsets = [1], sizes = [1], strides = [1]} : vector<16xi32> to vector<1xi32>
      %squeeze3A_102 = vector.extract %slice3A_101[0] : i32 from vector<1xi32>
      %mul3A_103 = arith.constant 16 : i32
      %mul3A_104 = arith.muli %scan3A_77, %mul3A_103 : i32
      %add3A_105 = arith.constant 1 : i32
      %add3A_106 = arith.addi %mul3A_104, %add3A_105 : i32
      %dma_start3A_107 = arith.constant 0 : i32
      %dma_start3A_108 = tpu.memref_slice %arg8[%add3A_106, %dma_start3A_107] : memref<16x1024xf32, #tpu.memory_space<vmem>> -> memref<1x1024xf32, #tpu.memory_space<vmem>>
      %dma_start3A_109 = tpu.memref_squeeze %dma_start3A_108 : memref<1x1024xf32, #tpu.memory_space<vmem>> -> memref<1024xf32, #tpu.memory_space<vmem>>
      %dma_start3A_110 = arith.constant 0 : i32
      %dma_start3A_111 = tpu.memref_slice %arg6[%squeeze3A_102, %dma_start3A_110] : memref<640x1024xf32, #tpu.memory_space<vmem_shared>> -> memref<1x1024xf32, #tpu.memory_space<vmem_shared>>
      %dma_start3A_112 = tpu.memref_squeeze %dma_start3A_111 : memref<1x1024xf32, #tpu.memory_space<vmem_shared>> -> memref<1024xf32, #tpu.memory_space<vmem_shared>>
      %dma_start3A_113 = arith.constant 0 : i32
      %dma_start3A_114 = tpu.memref_slice %arg8[%add3A_106, %dma_start3A_113] : memref<16x1024xf32, #tpu.memory_space<vmem>> -> memref<1x1024xf32, #tpu.memory_space<vmem>>
      %dma_start3A_115 = tpu.memref_squeeze %dma_start3A_114 : memref<1x1024xf32, #tpu.memory_space<vmem>> -> memref<1024xf32, #tpu.memory_space<vmem>>
      %dma_start3A_116 = arith.constant 0 : i32
      %dma_start3A_117 = tpu.memref_slice %arg6[%squeeze3A_102, %dma_start3A_116] : memref<640x1024xf32, #tpu.memory_space<vmem_shared>> -> memref<1x1024xf32, #tpu.memory_space<vmem_shared>>
      %dma_start3A_118 = tpu.memref_squeeze %dma_start3A_117 : memref<1x1024xf32, #tpu.memory_space<vmem_shared>> -> memref<1024xf32, #tpu.memory_space<vmem_shared>>
      tpu.enqueue_dma source(%dma_start3A_118 : memref<1024xf32, #tpu.memory_space<vmem_shared>>) target(%dma_start3A_115 : memref<1024xf32, #tpu.memory_space<vmem>>) target_semaphore(%arg19 : memref<!tpu.dma_semaphore, #tpu.memory_space<semaphore_mem>>)
      %slice3A_119 = vector.extract_strided_slice %get3A_84 {offsets = [2], sizes = [1], strides = [1]} : vector<16xi32> to vector<1xi32>
      %squeeze3A_120 = vector.extract %slice3A_119[0] : i32 from vector<1xi32>
      %mul3A_121 = arith.constant 16 : i32
      %mul3A_122 = arith.muli %scan3A_77, %mul3A_121 : i32
      %add3A_123 = arith.constant 2 : i32
      %add3A_124 = arith.addi %mul3A_122, %add3A_123 : i32
      %dma_start3A_125 = arith.constant 0 : i32
      %dma_start3A_126 = tpu.memref_slice %arg8[%add3A_124, %dma_start3A_125] : memref<16x1024xf32, #tpu.memory_space<vmem>> -> memref<1x1024xf32, #tpu.memory_space<vmem>>
      %dma_start3A_127 = tpu.memref_squeeze %dma_start3A_126 : memref<1x1024xf32, #tpu.memory_space<vmem>> -> memref<1024xf32, #tpu.memory_space<vmem>>
      %dma_start3A_128 = arith.constant 0 : i32
      %dma_start3A_129 = tpu.memref_slice %arg6[%squeeze3A_120, %dma_start3A_128] : memref<640x1024xf32, #tpu.memory_space<vmem_shared>> -> memref<1x1024xf32, #tpu.memory_space<vmem_shared>>
      %dma_start3A_130 = tpu.memref_squeeze %dma_start3A_129 : memref<1x1024xf32, #tpu.memory_space<vmem_shared>> -> memref<1024xf32, #tpu.memory_space<vmem_shared>>
      %dma_start3A_131 = arith.constant 0 : i32
      %dma_start3A_132 = tpu.memref_slice %arg8[%add3A_124, %dma_start3A_131] : memref<16x1024xf32, #tpu.memory_space<vmem>> -> memref<1x1024xf32, #tpu.memory_space<vmem>>
      %dma_start3A_133 = tpu.memref_squeeze %dma_start3A_132 : memref<1x1024xf32, #tpu.memory_space<vmem>> -> memref<1024xf32, #tpu.memory_space<vmem>>
      %dma_start3A_134 = arith.constant 0 : i32
      %dma_start3A_135 = tpu.memref_slice %arg6[%squeeze3A_120, %dma_start3A_134] : memref<640x1024xf32, #tpu.memory_space<vmem_shared>> -> memref<1x1024xf32, #tpu.memory_space<vmem_shared>>
      %dma_start3A_136 = tpu.memref_squeeze %dma_start3A_135 : memref<1x1024xf32, #tpu.memory_space<vmem_shared>> -> memref<1024xf32, #tpu.memory_space<vmem_shared>>
      tpu.enqueue_dma source(%dma_start3A_136 : memref<1024xf32, #tpu.memory_space<vmem_shared>>) target(%dma_start3A_133 : memref<1024xf32, #tpu.memory_space<vmem>>) target_semaphore(%arg19 : memref<!tpu.dma_semaphore, #tpu.memory_space<semaphore_mem>>)
      %slice3A_137 = vector.extract_strided_slice %get3A_84 {offsets = [3], sizes = [1], strides = [1]} : vector<16xi32> to vector<1xi32>
      %squeeze3A_138 = vector.extract %slice3A_137[0] : i32 from vector<1xi32>
      %mul3A_139 = arith.constant 16 : i32
      %mul3A_140 = arith.muli %scan3A_77, %mul3A_139 : i32
      %add3A_141 = arith.constant 3 : i32
      %add3A_142 = arith.addi %mul3A_140, %add3A_141 : i32
      %dma_start3A_143 = arith.constant 0 : i32
      %dma_start3A_144 = tpu.memref_slice %arg8[%add3A_142, %dma_start3A_143] : memref<16x1024xf32, #tpu.memory_space<vmem>> -> memref<1x1024xf32, #tpu.memory_space<vmem>>
      %dma_start3A_145 = tpu.memref_squeeze %dma_start3A_144 : memref<1x1024xf32, #tpu.memory_space<vmem>> -> memref<1024xf32, #tpu.memory_space<vmem>>
      %dma_start3A_146 = arith.constant 0 : i32
      %dma_start3A_147 = tpu.memref_slice %arg6[%squeeze3A_138, %dma_start3A_146] : memref<640x1024xf32, #tpu.memory_space<vmem_shared>> -> memref<1x1024xf32, #tpu.memory_space<vmem_shared>>
      %dma_start3A_148 = tpu.memref_squeeze %dma_start3A_147 : memref<1x1024xf32, #tpu.memory_space<vmem_shared>> -> memref<1024xf32, #tpu.memory_space<vmem_shared>>
      %dma_start3A_149 = arith.constant 0 : i32
      %dma_start3A_150 = tpu.memref_slice %arg8[%add3A_142, %dma_start3A_149] : memref<16x1024xf32, #tpu.memory_space<vmem>> -> memref<1x1024xf32, #tpu.memory_space<vmem>>
      %dma_start3A_151 = tpu.memref_squeeze %dma_start3A_150 : memref<1x1024xf32, #tpu.memory_space<vmem>> -> memref<1024xf32, #tpu.memory_space<vmem>>
      %dma_start3A_152 = arith.constant 0 : i32
      %dma_start3A_153 = tpu.memref_slice %arg6[%squeeze3A_138, %dma_start3A_152] : memref<640x1024xf32, #tpu.memory_space<vmem_shared>> -> memref<1x1024xf32, #tpu.memory_space<vmem_shared>>
      %dma_start3A_154 = tpu.memref_squeeze %dma_start3A_153 : memref<1x1024xf32, #tpu.memory_space<vmem_shared>> -> memref<1024xf32, #tpu.memory_space<vmem_shared>>
      tpu.enqueue_dma source(%dma_start3A_154 : memref<1024xf32, #tpu.memory_space<vmem_shared>>) target(%dma_start3A_151 : memref<1024xf32, #tpu.memory_space<vmem>>) target_semaphore(%arg19 : memref<!tpu.dma_semaphore, #tpu.memory_space<semaphore_mem>>)
      %slice3A_155 = vector.extract_strided_slice %get3A_84 {offsets = [4], sizes = [1], strides = [1]} : vector<16xi32> to vector<1xi32>
      %squeeze3A_156 = vector.extract %slice3A_155[0] : i32 from vector<1xi32>
      %mul3A_157 = arith.constant 16 : i32
      %mul3A_158 = arith.muli %scan3A_77, %mul3A_157 : i32
      %add3A_159 = arith.constant 4 : i32
      %add3A_160 = arith.addi %mul3A_158, %add3A_159 : i32
      %dma_start3A_161 = arith.constant 0 : i32
      %dma_start3A_162 = tpu.memref_slice %arg8[%add3A_160, %dma_start3A_161] : memref<16x1024xf32, #tpu.memory_space<vmem>> -> memref<1x1024xf32, #tpu.memory_space<vmem>>
      %dma_start3A_163 = tpu.memref_squeeze %dma_start3A_162 : memref<1x1024xf32, #tpu.memory_space<vmem>> -> memref<1024xf32, #tpu.memory_space<vmem>>
      %dma_start3A_164 = arith.constant 0 : i32
      %dma_start3A_165 = tpu.memref_slice %arg6[%squeeze3A_156, %dma_start3A_164] : memref<640x1024xf32, #tpu.memory_space<vmem_shared>> -> memref<1x1024xf32, #tpu.memory_space<vmem_shared>>
      %dma_start3A_166 = tpu.memref_squeeze %dma_start3A_165 : memref<1x1024xf32, #tpu.memory_space<vmem_shared>> -> memref<1024xf32, #tpu.memory_space<vmem_shared>>
      %dma_start3A_167 = arith.constant 0 : i32
      %dma_start3A_168 = tpu.memref_slice %arg8[%add3A_160, %dma_start3A_167] : memref<16x1024xf32, #tpu.memory_space<vmem>> -> memref<1x1024xf32, #tpu.memory_space<vmem>>
      %dma_start3A_169 = tpu.memref_squeeze %dma_start3A_168 : memref<1x1024xf32, #tpu.memory_space<vmem>> -> memref<1024xf32, #tpu.memory_space<vmem>>
      %dma_start3A_170 = arith.constant 0 : i32
      %dma_start3A_171 = tpu.memref_slice %arg6[%squeeze3A_156, %dma_start3A_170] : memref<640x1024xf32, #tpu.memory_space<vmem_shared>> -> memref<1x1024xf32, #tpu.memory_space<vmem_shared>>
      %dma_start3A_172 = tpu.memref_squeeze %dma_start3A_171 : memref<1x1024xf32, #tpu.memory_space<vmem_shared>> -> memref<1024xf32, #tpu.memory_space<vmem_shared>>
      tpu.enqueue_dma source(%dma_start3A_172 : memref<1024xf32, #tpu.memory_space<vmem_shared>>) target(%dma_start3A_169 : memref<1024xf32, #tpu.memory_space<vmem>>) target_semaphore(%arg19 : memref<!tpu.dma_semaphore, #tpu.memory_space<semaphore_mem>>)
      %slice3A_173 = vector.extract_strided_slice %get3A_84 {offsets = [5], sizes = [1], strides = [1]} : vector<16xi32> to vector<1xi32>
      %squeeze3A_174 = vector.extract %slice3A_173[0] : i32 from vector<1xi32>
      %mul3A_175 = arith.constant 16 : i32
      %mul3A_176 = arith.muli %scan3A_77, %mul3A_175 : i32
      %add3A_177 = arith.constant 5 : i32
      %add3A_178 = arith.addi %mul3A_176, %add3A_177 : i32
      %dma_start3A_179 = arith.constant 0 : i32
      %dma_start3A_180 = tpu.memref_slice %arg8[%add3A_178, %dma_start3A_179] : memref<16x1024xf32, #tpu.memory_space<vmem>> -> memref<1x1024xf32, #tpu.memory_space<vmem>>
      %dma_start3A_181 = tpu.memref_squeeze %dma_start3A_180 : memref<1x1024xf32, #tpu.memory_space<vmem>> -> memref<1024xf32, #tpu.memory_space<vmem>>
      %dma_start3A_182 = arith.constant 0 : i32
      %dma_start3A_183 = tpu.memref_slice %arg6[%squeeze3A_174, %dma_start3A_182] : memref<640x1024xf32, #tpu.memory_space<vmem_shared>> -> memref<1x1024xf32, #tpu.memory_space<vmem_shared>>
      %dma_start3A_184 = tpu.memref_squeeze %dma_start3A_183 : memref<1x1024xf32, #tpu.memory_space<vmem_shared>> -> memref<1024xf32, #tpu.memory_space<vmem_shared>>
      %dma_start3A_185 = arith.constant 0 : i32
      %dma_start3A_186 = tpu.memref_slice %arg8[%add3A_178, %dma_start3A_185] : memref<16x1024xf32, #tpu.memory_space<vmem>> -> memref<1x1024xf32, #tpu.memory_space<vmem>>
      %dma_start3A_187 = tpu.memref_squeeze %dma_start3A_186 : memref<1x1024xf32, #tpu.memory_space<vmem>> -> memref<1024xf32, #tpu.memory_space<vmem>>
      %dma_start3A_188 = arith.constant 0 : i32
      %dma_start3A_189 = tpu.memref_slice %arg6[%squeeze3A_174, %dma_start3A_188] : memref<640x1024xf32, #tpu.memory_space<vmem_shared>> -> memref<1x1024xf32, #tpu.memory_space<vmem_shared>>
      %dma_start3A_190 = tpu.memref_squeeze %dma_start3A_189 : memref<1x1024xf32, #tpu.memory_space<vmem_shared>> -> memref<1024xf32, #tpu.memory_space<vmem_shared>>
      tpu.enqueue_dma source(%dma_start3A_190 : memref<1024xf32, #tpu.memory_space<vmem_shared>>) target(%dma_start3A_187 : memref<1024xf32, #tpu.memory_space<vmem>>) target_semaphore(%arg19 : memref<!tpu.dma_semaphore, #tpu.memory_space<semaphore_mem>>)
      %slice3A_191 = vector.extract_strided_slice %get3A_84 {offsets = [6], sizes = [1], strides = [1]} : vector<16xi32> to vector<1xi32>
      %squeeze3A_192 = vector.extract %slice3A_191[0] : i32 from vector<1xi32>
      %mul3A_193 = arith.constant 16 : i32
      %mul3A_194 = arith.muli %scan3A_77, %mul3A_193 : i32
      %add3A_195 = arith.constant 6 : i32
      %add3A_196 = arith.addi %mul3A_194, %add3A_195 : i32
      %dma_start3A_197 = arith.constant 0 : i32
      %dma_start3A_198 = tpu.memref_slice %arg8[%add3A_196, %dma_start3A_197] : memref<16x1024xf32, #tpu.memory_space<vmem>> -> memref<1x1024xf32, #tpu.memory_space<vmem>>
      %dma_start3A_199 = tpu.memref_squeeze %dma_start3A_198 : memref<1x1024xf32, #tpu.memory_space<vmem>> -> memref<1024xf32, #tpu.memory_space<vmem>>
      %dma_start3A_200 = arith.constant 0 : i32
      %dma_start3A_201 = tpu.memref_slice %arg6[%squeeze3A_192, %dma_start3A_200] : memref<640x1024xf32, #tpu.memory_space<vmem_shared>> -> memref<1x1024xf32, #tpu.memory_space<vmem_shared>>
      %dma_start3A_202 = tpu.memref_squeeze %dma_start3A_201 : memref<1x1024xf32, #tpu.memory_space<vmem_shared>> -> memref<1024xf32, #tpu.memory_space<vmem_shared>>
      %dma_start3A_203 = arith.constant 0 : i32
      %dma_start3A_204 = tpu.memref_slice %arg8[%add3A_196, %dma_start3A_203] : memref<16x1024xf32, #tpu.memory_space<vmem>> -> memref<1x1024xf32, #tpu.memory_space<vmem>>
      %dma_start3A_205 = tpu.memref_squeeze %dma_start3A_204 : memref<1x1024xf32, #tpu.memory_space<vmem>> -> memref<1024xf32, #tpu.memory_space<vmem>>
      %dma_start3A_206 = arith.constant 0 : i32
      %dma_start3A_207 = tpu.memref_slice %arg6[%squeeze3A_192, %dma_start3A_206] : memref<640x1024xf32, #tpu.memory_space<vmem_shared>> -> memref<1x1024xf32, #tpu.memory_space<vmem_shared>>
      %dma_start3A_208 = tpu.memref_squeeze %dma_start3A_207 : memref<1x1024xf32, #tpu.memory_space<vmem_shared>> -> memref<1024xf32, #tpu.memory_space<vmem_shared>>
      tpu.enqueue_dma source(%dma_start3A_208 : memref<1024xf32, #tpu.memory_space<vmem_shared>>) target(%dma_start3A_205 : memref<1024xf32, #tpu.memory_space<vmem>>) target_semaphore(%arg19 : memref<!tpu.dma_semaphore, #tpu.memory_space<semaphore_mem>>)
      %slice3A_209 = vector.extract_strided_slice %get3A_84 {offsets = [7], sizes = [1], strides = [1]} : vector<16xi32> to vector<1xi32>
      %squeeze3A_210 = vector.extract %slice3A_209[0] : i32 from vector<1xi32>
      %mul3A_211 = arith.constant 16 : i32
      %mul3A_212 = arith.muli %scan3A_77, %mul3A_211 : i32
      %add3A_213 = arith.constant 7 : i32
      %add3A_214 = arith.addi %mul3A_212, %add3A_213 : i32
      %dma_start3A_215 = arith.constant 0 : i32
      %dma_start3A_216 = tpu.memref_slice %arg8[%add3A_214, %dma_start3A_215] : memref<16x1024xf32, #tpu.memory_space<vmem>> -> memref<1x1024xf32, #tpu.memory_space<vmem>>
      %dma_start3A_217 = tpu.memref_squeeze %dma_start3A_216 : memref<1x1024xf32, #tpu.memory_space<vmem>> -> memref<1024xf32, #tpu.memory_space<vmem>>
      %dma_start3A_218 = arith.constant 0 : i32
      %dma_start3A_219 = tpu.memref_slice %arg6[%squeeze3A_210, %dma_start3A_218] : memref<640x1024xf32, #tpu.memory_space<vmem_shared>> -> memref<1x1024xf32, #tpu.memory_space<vmem_shared>>
      %dma_start3A_220 = tpu.memref_squeeze %dma_start3A_219 : memref<1x1024xf32, #tpu.memory_space<vmem_shared>> -> memref<1024xf32, #tpu.memory_space<vmem_shared>>
      %dma_start3A_221 = arith.constant 0 : i32
      %dma_start3A_222 = tpu.memref_slice %arg8[%add3A_214, %dma_start3A_221] : memref<16x1024xf32, #tpu.memory_space<vmem>> -> memref<1x1024xf32, #tpu.memory_space<vmem>>
      %dma_start3A_223 = tpu.memref_squeeze %dma_start3A_222 : memref<1x1024xf32, #tpu.memory_space<vmem>> -> memref<1024xf32, #tpu.memory_space<vmem>>
      %dma_start3A_224 = arith.constant 0 : i32
      %dma_start3A_225 = tpu.memref_slice %arg6[%squeeze3A_210, %dma_start3A_224] : memref<640x1024xf32, #tpu.memory_space<vmem_shared>> -> memref<1x1024xf32, #tpu.memory_space<vmem_shared>>
      %dma_start3A_226 = tpu.memref_squeeze %dma_start3A_225 : memref<1x1024xf32, #tpu.memory_space<vmem_shared>> -> memref<1024xf32, #tpu.memory_space<vmem_shared>>
      tpu.enqueue_dma source(%dma_start3A_226 : memref<1024xf32, #tpu.memory_space<vmem_shared>>) target(%dma_start3A_223 : memref<1024xf32, #tpu.memory_space<vmem>>) target_semaphore(%arg19 : memref<!tpu.dma_semaphore, #tpu.memory_space<semaphore_mem>>)
      %slice3A_227 = vector.extract_strided_slice %get3A_84 {offsets = [8], sizes = [1], strides = [1]} : vector<16xi32> to vector<1xi32>
      %squeeze3A_228 = vector.extract %slice3A_227[0] : i32 from vector<1xi32>
      %mul3A_229 = arith.constant 16 : i32
      %mul3A_230 = arith.muli %scan3A_77, %mul3A_229 : i32
      %add3A_231 = arith.constant 8 : i32
      %add3A_232 = arith.addi %mul3A_230, %add3A_231 : i32
      %dma_start3A_233 = arith.constant 0 : i32
      %dma_start3A_234 = tpu.memref_slice %arg8[%add3A_232, %dma_start3A_233] : memref<16x1024xf32, #tpu.memory_space<vmem>> -> memref<1x1024xf32, #tpu.memory_space<vmem>>
      %dma_start3A_235 = tpu.memref_squeeze %dma_start3A_234 : memref<1x1024xf32, #tpu.memory_space<vmem>> -> memref<1024xf32, #tpu.memory_space<vmem>>
      %dma_start3A_236 = arith.constant 0 : i32
      %dma_start3A_237 = tpu.memref_slice %arg6[%squeeze3A_228, %dma_start3A_236] : memref<640x1024xf32, #tpu.memory_space<vmem_shared>> -> memref<1x1024xf32, #tpu.memory_space<vmem_shared>>
      %dma_start3A_238 = tpu.memref_squeeze %dma_start3A_237 : memref<1x1024xf32, #tpu.memory_space<vmem_shared>> -> memref<1024xf32, #tpu.memory_space<vmem_shared>>
      %dma_start3A_239 = arith.constant 0 : i32
      %dma_start3A_240 = tpu.memref_slice %arg8[%add3A_232, %dma_start3A_239] : memref<16x1024xf32, #tpu.memory_space<vmem>> -> memref<1x1024xf32, #tpu.memory_space<vmem>>
      %dma_start3A_241 = tpu.memref_squeeze %dma_start3A_240 : memref<1x1024xf32, #tpu.memory_space<vmem>> -> memref<1024xf32, #tpu.memory_space<vmem>>
      %dma_start3A_242 = arith.constant 0 : i32
      %dma_start3A_243 = tpu.memref_slice %arg6[%squeeze3A_228, %dma_start3A_242] : memref<640x1024xf32, #tpu.memory_space<vmem_shared>> -> memref<1x1024xf32, #tpu.memory_space<vmem_shared>>
      %dma_start3A_244 = tpu.memref_squeeze %dma_start3A_243 : memref<1x1024xf32, #tpu.memory_space<vmem_shared>> -> memref<1024xf32, #tpu.memory_space<vmem_shared>>
      tpu.enqueue_dma source(%dma_start3A_244 : memref<1024xf32, #tpu.memory_space<vmem_shared>>) target(%dma_start3A_241 : memref<1024xf32, #tpu.memory_space<vmem>>) target_semaphore(%arg19 : memref<!tpu.dma_semaphore, #tpu.memory_space<semaphore_mem>>)
      %slice3A_245 = vector.extract_strided_slice %get3A_84 {offsets = [9], sizes = [1], strides = [1]} : vector<16xi32> to vector<1xi32>
      %squeeze3A_246 = vector.extract %slice3A_245[0] : i32 from vector<1xi32>
      %mul3A_247 = arith.constant 16 : i32
      %mul3A_248 = arith.muli %scan3A_77, %mul3A_247 : i32
      %add3A_249 = arith.constant 9 : i32
      %add3A_250 = arith.addi %mul3A_248, %add3A_249 : i32
      %dma_start3A_251 = arith.constant 0 : i32
      %dma_start3A_252 = tpu.memref_slice %arg8[%add3A_250, %dma_start3A_251] : memref<16x1024xf32, #tpu.memory_space<vmem>> -> memref<1x1024xf32, #tpu.memory_space<vmem>>
      %dma_start3A_253 = tpu.memref_squeeze %dma_start3A_252 : memref<1x1024xf32, #tpu.memory_space<vmem>> -> memref<1024xf32, #tpu.memory_space<vmem>>
      %dma_start3A_254 = arith.constant 0 : i32
      %dma_start3A_255 = tpu.memref_slice %arg6[%squeeze3A_246, %dma_start3A_254] : memref<640x1024xf32, #tpu.memory_space<vmem_shared>> -> memref<1x1024xf32, #tpu.memory_space<vmem_shared>>
      %dma_start3A_256 = tpu.memref_squeeze %dma_start3A_255 : memref<1x1024xf32, #tpu.memory_space<vmem_shared>> -> memref<1024xf32, #tpu.memory_space<vmem_shared>>
      %dma_start3A_257 = arith.constant 0 : i32
      %dma_start3A_258 = tpu.memref_slice %arg8[%add3A_250, %dma_start3A_257] : memref<16x1024xf32, #tpu.memory_space<vmem>> -> memref<1x1024xf32, #tpu.memory_space<vmem>>
      %dma_start3A_259 = tpu.memref_squeeze %dma_start3A_258 : memref<1x1024xf32, #tpu.memory_space<vmem>> -> memref<1024xf32, #tpu.memory_space<vmem>>
      %dma_start3A_260 = arith.constant 0 : i32
      %dma_start3A_261 = tpu.memref_slice %arg6[%squeeze3A_246, %dma_start3A_260] : memref<640x1024xf32, #tpu.memory_space<vmem_shared>> -> memref<1x1024xf32, #tpu.memory_space<vmem_shared>>
      %dma_start3A_262 = tpu.memref_squeeze %dma_start3A_261 : memref<1x1024xf32, #tpu.memory_space<vmem_shared>> -> memref<1024xf32, #tpu.memory_space<vmem_shared>>
      tpu.enqueue_dma source(%dma_start3A_262 : memref<1024xf32, #tpu.memory_space<vmem_shared>>) target(%dma_start3A_259 : memref<1024xf32, #tpu.memory_space<vmem>>) target_semaphore(%arg19 : memref<!tpu.dma_semaphore, #tpu.memory_space<semaphore_mem>>)
      %slice3A_263 = vector.extract_strided_slice %get3A_84 {offsets = [10], sizes = [1], strides = [1]} : vector<16xi32> to vector<1xi32>
      %squeeze3A_264 = vector.extract %slice3A_263[0] : i32 from vector<1xi32>
      %mul3A_265 = arith.constant 16 : i32
      %mul3A_266 = arith.muli %scan3A_77, %mul3A_265 : i32
      %add3A_267 = arith.constant 10 : i32
      %add3A_268 = arith.addi %mul3A_266, %add3A_267 : i32
      %dma_start3A_269 = arith.constant 0 : i32
      %dma_start3A_270 = tpu.memref_slice %arg8[%add3A_268, %dma_start3A_269] : memref<16x1024xf32, #tpu.memory_space<vmem>> -> memref<1x1024xf32, #tpu.memory_space<vmem>>
      %dma_start3A_271 = tpu.memref_squeeze %dma_start3A_270 : memref<1x1024xf32, #tpu.memory_space<vmem>> -> memref<1024xf32, #tpu.memory_space<vmem>>
      %dma_start3A_272 = arith.constant 0 : i32
      %dma_start3A_273 = tpu.memref_slice %arg6[%squeeze3A_264, %dma_start3A_272] : memref<640x1024xf32, #tpu.memory_space<vmem_shared>> -> memref<1x1024xf32, #tpu.memory_space<vmem_shared>>
      %dma_start3A_274 = tpu.memref_squeeze %dma_start3A_273 : memref<1x1024xf32, #tpu.memory_space<vmem_shared>> -> memref<1024xf32, #tpu.memory_space<vmem_shared>>
      %dma_start3A_275 = arith.constant 0 : i32
      %dma_start3A_276 = tpu.memref_slice %arg8[%add3A_268, %dma_start3A_275] : memref<16x1024xf32, #tpu.memory_space<vmem>> -> memref<1x1024xf32, #tpu.memory_space<vmem>>
      %dma_start3A_277 = tpu.memref_squeeze %dma_start3A_276 : memref<1x1024xf32, #tpu.memory_space<vmem>> -> memref<1024xf32, #tpu.memory_space<vmem>>
      %dma_start3A_278 = arith.constant 0 : i32
      %dma_start3A_279 = tpu.memref_slice %arg6[%squeeze3A_264, %dma_start3A_278] : memref<640x1024xf32, #tpu.memory_space<vmem_shared>> -> memref<1x1024xf32, #tpu.memory_space<vmem_shared>>
      %dma_start3A_280 = tpu.memref_squeeze %dma_start3A_279 : memref<1x1024xf32, #tpu.memory_space<vmem_shared>> -> memref<1024xf32, #tpu.memory_space<vmem_shared>>
      tpu.enqueue_dma source(%dma_start3A_280 : memref<1024xf32, #tpu.memory_space<vmem_shared>>) target(%dma_start3A_277 : memref<1024xf32, #tpu.memory_space<vmem>>) target_semaphore(%arg19 : memref<!tpu.dma_semaphore, #tpu.memory_space<semaphore_mem>>)
      %slice3A_281 = vector.extract_strided_slice %get3A_84 {offsets = [11], sizes = [1], strides = [1]} : vector<16xi32> to vector<1xi32>
      %squeeze3A_282 = vector.extract %slice3A_281[0] : i32 from vector<1xi32>
      %mul3A_283 = arith.constant 16 : i32
      %mul3A_284 = arith.muli %scan3A_77, %mul3A_283 : i32
      %add3A_285 = arith.constant 11 : i32
      %add3A_286 = arith.addi %mul3A_284, %add3A_285 : i32
      %dma_start3A_287 = arith.constant 0 : i32
      %dma_start3A_288 = tpu.memref_slice %arg8[%add3A_286, %dma_start3A_287] : memref<16x1024xf32, #tpu.memory_space<vmem>> -> memref<1x1024xf32, #tpu.memory_space<vmem>>
      %dma_start3A_289 = tpu.memref_squeeze %dma_start3A_288 : memref<1x1024xf32, #tpu.memory_space<vmem>> -> memref<1024xf32, #tpu.memory_space<vmem>>
      %dma_start3A_290 = arith.constant 0 : i32
      %dma_start3A_291 = tpu.memref_slice %arg6[%squeeze3A_282, %dma_start3A_290] : memref<640x1024xf32, #tpu.memory_space<vmem_shared>> -> memref<1x1024xf32, #tpu.memory_space<vmem_shared>>
      %dma_start3A_292 = tpu.memref_squeeze %dma_start3A_291 : memref<1x1024xf32, #tpu.memory_space<vmem_shared>> -> memref<1024xf32, #tpu.memory_space<vmem_shared>>
      %dma_start3A_293 = arith.constant 0 : i32
      %dma_start3A_294 = tpu.memref_slice %arg8[%add3A_286, %dma_start3A_293] : memref<16x1024xf32, #tpu.memory_space<vmem>> -> memref<1x1024xf32, #tpu.memory_space<vmem>>
      %dma_start3A_295 = tpu.memref_squeeze %dma_start3A_294 : memref<1x1024xf32, #tpu.memory_space<vmem>> -> memref<1024xf32, #tpu.memory_space<vmem>>
      %dma_start3A_296 = arith.constant 0 : i32
      %dma_start3A_297 = tpu.memref_slice %arg6[%squeeze3A_282, %dma_start3A_296] : memref<640x1024xf32, #tpu.memory_space<vmem_shared>> -> memref<1x1024xf32, #tpu.memory_space<vmem_shared>>
      %dma_start3A_298 = tpu.memref_squeeze %dma_start3A_297 : memref<1x1024xf32, #tpu.memory_space<vmem_shared>> -> memref<1024xf32, #tpu.memory_space<vmem_shared>>
      tpu.enqueue_dma source(%dma_start3A_298 : memref<1024xf32, #tpu.memory_space<vmem_shared>>) target(%dma_start3A_295 : memref<1024xf32, #tpu.memory_space<vmem>>) target_semaphore(%arg19 : memref<!tpu.dma_semaphore, #tpu.memory_space<semaphore_mem>>)
      %slice3A_299 = vector.extract_strided_slice %get3A_84 {offsets = [12], sizes = [1], strides = [1]} : vector<16xi32> to vector<1xi32>
      %squeeze3A_300 = vector.extract %slice3A_299[0] : i32 from vector<1xi32>
      %mul3A_301 = arith.constant 16 : i32
      %mul3A_302 = arith.muli %scan3A_77, %mul3A_301 : i32
      %add3A_303 = arith.constant 12 : i32
      %add3A_304 = arith.addi %mul3A_302, %add3A_303 : i32
      %dma_start3A_305 = arith.constant 0 : i32
      %dma_start3A_306 = tpu.memref_slice %arg8[%add3A_304, %dma_start3A_305] : memref<16x1024xf32, #tpu.memory_space<vmem>> -> memref<1x1024xf32, #tpu.memory_space<vmem>>
      %dma_start3A_307 = tpu.memref_squeeze %dma_start3A_306 : memref<1x1024xf32, #tpu.memory_space<vmem>> -> memref<1024xf32, #tpu.memory_space<vmem>>
      %dma_start3A_308 = arith.constant 0 : i32
      %dma_start3A_309 = tpu.memref_slice %arg6[%squeeze3A_300, %dma_start3A_308] : memref<640x1024xf32, #tpu.memory_space<vmem_shared>> -> memref<1x1024xf32, #tpu.memory_space<vmem_shared>>
      %dma_start3A_310 = tpu.memref_squeeze %dma_start3A_309 : memref<1x1024xf32, #tpu.memory_space<vmem_shared>> -> memref<1024xf32, #tpu.memory_space<vmem_shared>>
      %dma_start3A_311 = arith.constant 0 : i32
      %dma_start3A_312 = tpu.memref_slice %arg8[%add3A_304, %dma_start3A_311] : memref<16x1024xf32, #tpu.memory_space<vmem>> -> memref<1x1024xf32, #tpu.memory_space<vmem>>
      %dma_start3A_313 = tpu.memref_squeeze %dma_start3A_312 : memref<1x1024xf32, #tpu.memory_space<vmem>> -> memref<1024xf32, #tpu.memory_space<vmem>>
      %dma_start3A_314 = arith.constant 0 : i32
      %dma_start3A_315 = tpu.memref_slice %arg6[%squeeze3A_300, %dma_start3A_314] : memref<640x1024xf32, #tpu.memory_space<vmem_shared>> -> memref<1x1024xf32, #tpu.memory_space<vmem_shared>>
      %dma_start3A_316 = tpu.memref_squeeze %dma_start3A_315 : memref<1x1024xf32, #tpu.memory_space<vmem_shared>> -> memref<1024xf32, #tpu.memory_space<vmem_shared>>
      tpu.enqueue_dma source(%dma_start3A_316 : memref<1024xf32, #tpu.memory_space<vmem_shared>>) target(%dma_start3A_313 : memref<1024xf32, #tpu.memory_space<vmem>>) target_semaphore(%arg19 : memref<!tpu.dma_semaphore, #tpu.memory_space<semaphore_mem>>)
      %slice3A_317 = vector.extract_strided_slice %get3A_84 {offsets = [13], sizes = [1], strides = [1]} : vector<16xi32> to vector<1xi32>
      %squeeze3A_318 = vector.extract %slice3A_317[0] : i32 from vector<1xi32>
      %mul3A_319 = arith.constant 16 : i32
      %mul3A_320 = arith.muli %scan3A_77, %mul3A_319 : i32
      %add3A_321 = arith.constant 13 : i32
      %add3A_322 = arith.addi %mul3A_320, %add3A_321 : i32
      %dma_start3A_323 = arith.constant 0 : i32
      %dma_start3A_324 = tpu.memref_slice %arg8[%add3A_322, %dma_start3A_323] : memref<16x1024xf32, #tpu.memory_space<vmem>> -> memref<1x1024xf32, #tpu.memory_space<vmem>>
      %dma_start3A_325 = tpu.memref_squeeze %dma_start3A_324 : memref<1x1024xf32, #tpu.memory_space<vmem>> -> memref<1024xf32, #tpu.memory_space<vmem>>
      %dma_start3A_326 = arith.constant 0 : i32
      %dma_start3A_327 = tpu.memref_slice %arg6[%squeeze3A_318, %dma_start3A_326] : memref<640x1024xf32, #tpu.memory_space<vmem_shared>> -> memref<1x1024xf32, #tpu.memory_space<vmem_shared>>
      %dma_start3A_328 = tpu.memref_squeeze %dma_start3A_327 : memref<1x1024xf32, #tpu.memory_space<vmem_shared>> -> memref<1024xf32, #tpu.memory_space<vmem_shared>>
      %dma_start3A_329 = arith.constant 0 : i32
      %dma_start3A_330 = tpu.memref_slice %arg8[%add3A_322, %dma_start3A_329] : memref<16x1024xf32, #tpu.memory_space<vmem>> -> memref<1x1024xf32, #tpu.memory_space<vmem>>
      %dma_start3A_331 = tpu.memref_squeeze %dma_start3A_330 : memref<1x1024xf32, #tpu.memory_space<vmem>> -> memref<1024xf32, #tpu.memory_space<vmem>>
      %dma_start3A_332 = arith.constant 0 : i32
      %dma_start3A_333 = tpu.memref_slice %arg6[%squeeze3A_318, %dma_start3A_332] : memref<640x1024xf32, #tpu.memory_space<vmem_shared>> -> memref<1x1024xf32, #tpu.memory_space<vmem_shared>>
      %dma_start3A_334 = tpu.memref_squeeze %dma_start3A_333 : memref<1x1024xf32, #tpu.memory_space<vmem_shared>> -> memref<1024xf32, #tpu.memory_space<vmem_shared>>
      tpu.enqueue_dma source(%dma_start3A_334 : memref<1024xf32, #tpu.memory_space<vmem_shared>>) target(%dma_start3A_331 : memref<1024xf32, #tpu.memory_space<vmem>>) target_semaphore(%arg19 : memref<!tpu.dma_semaphore, #tpu.memory_space<semaphore_mem>>)
      %slice3A_335 = vector.extract_strided_slice %get3A_84 {offsets = [14], sizes = [1], strides = [1]} : vector<16xi32> to vector<1xi32>
      %squeeze3A_336 = vector.extract %slice3A_335[0] : i32 from vector<1xi32>
      %mul3A_337 = arith.constant 16 : i32
      %mul3A_338 = arith.muli %scan3A_77, %mul3A_337 : i32
      %add3A_339 = arith.constant 14 : i32
      %add3A_340 = arith.addi %mul3A_338, %add3A_339 : i32
      %dma_start3A_341 = arith.constant 0 : i32
      %dma_start3A_342 = tpu.memref_slice %arg8[%add3A_340, %dma_start3A_341] : memref<16x1024xf32, #tpu.memory_space<vmem>> -> memref<1x1024xf32, #tpu.memory_space<vmem>>
      %dma_start3A_343 = tpu.memref_squeeze %dma_start3A_342 : memref<1x1024xf32, #tpu.memory_space<vmem>> -> memref<1024xf32, #tpu.memory_space<vmem>>
      %dma_start3A_344 = arith.constant 0 : i32
      %dma_start3A_345 = tpu.memref_slice %arg6[%squeeze3A_336, %dma_start3A_344] : memref<640x1024xf32, #tpu.memory_space<vmem_shared>> -> memref<1x1024xf32, #tpu.memory_space<vmem_shared>>
      %dma_start3A_346 = tpu.memref_squeeze %dma_start3A_345 : memref<1x1024xf32, #tpu.memory_space<vmem_shared>> -> memref<1024xf32, #tpu.memory_space<vmem_shared>>
      %dma_start3A_347 = arith.constant 0 : i32
      %dma_start3A_348 = tpu.memref_slice %arg8[%add3A_340, %dma_start3A_347] : memref<16x1024xf32, #tpu.memory_space<vmem>> -> memref<1x1024xf32, #tpu.memory_space<vmem>>
      %dma_start3A_349 = tpu.memref_squeeze %dma_start3A_348 : memref<1x1024xf32, #tpu.memory_space<vmem>> -> memref<1024xf32, #tpu.memory_space<vmem>>
      %dma_start3A_350 = arith.constant 0 : i32
      %dma_start3A_351 = tpu.memref_slice %arg6[%squeeze3A_336, %dma_start3A_350] : memref<640x1024xf32, #tpu.memory_space<vmem_shared>> -> memref<1x1024xf32, #tpu.memory_space<vmem_shared>>
      %dma_start3A_352 = tpu.memref_squeeze %dma_start3A_351 : memref<1x1024xf32, #tpu.memory_space<vmem_shared>> -> memref<1024xf32, #tpu.memory_space<vmem_shared>>
      tpu.enqueue_dma source(%dma_start3A_352 : memref<1024xf32, #tpu.memory_space<vmem_shared>>) target(%dma_start3A_349 : memref<1024xf32, #tpu.memory_space<vmem>>) target_semaphore(%arg19 : memref<!tpu.dma_semaphore, #tpu.memory_space<semaphore_mem>>)
      %slice3A_353 = vector.extract_strided_slice %get3A_84 {offsets = [15], sizes = [1], strides = [1]} : vector<16xi32> to vector<1xi32>
      %squeeze3A_354 = vector.extract %slice3A_353[0] : i32 from vector<1xi32>
      %mul3A_355 = arith.constant 16 : i32
      %mul3A_356 = arith.muli %scan3A_77, %mul3A_355 : i32
      %add3A_357 = arith.constant 15 : i32
      %add3A_358 = arith.addi %mul3A_356, %add3A_357 : i32
      %dma_start3A_359 = arith.constant 0 : i32
      %dma_start3A_360 = tpu.memref_slice %arg8[%add3A_358, %dma_start3A_359] : memref<16x1024xf32, #tpu.memory_space<vmem>> -> memref<1x1024xf32, #tpu.memory_space<vmem>>
      %dma_start3A_361 = tpu.memref_squeeze %dma_start3A_360 : memref<1x1024xf32, #tpu.memory_space<vmem>> -> memref<1024xf32, #tpu.memory_space<vmem>>
      %dma_start3A_362 = arith.constant 0 : i32
      %dma_start3A_363 = tpu.memref_slice %arg6[%squeeze3A_354, %dma_start3A_362] : memref<640x1024xf32, #tpu.memory_space<vmem_shared>> -> memref<1x1024xf32, #tpu.memory_space<vmem_shared>>
      %dma_start3A_364 = tpu.memref_squeeze %dma_start3A_363 : memref<1x1024xf32, #tpu.memory_space<vmem_shared>> -> memref<1024xf32, #tpu.memory_space<vmem_shared>>
      %dma_start3A_365 = arith.constant 0 : i32
      %dma_start3A_366 = tpu.memref_slice %arg8[%add3A_358, %dma_start3A_365] : memref<16x1024xf32, #tpu.memory_space<vmem>> -> memref<1x1024xf32, #tpu.memory_space<vmem>>
      %dma_start3A_367 = tpu.memref_squeeze %dma_start3A_366 : memref<1x1024xf32, #tpu.memory_space<vmem>> -> memref<1024xf32, #tpu.memory_space<vmem>>
      %dma_start3A_368 = arith.constant 0 : i32
      %dma_start3A_369 = tpu.memref_slice %arg6[%squeeze3A_354, %dma_start3A_368] : memref<640x1024xf32, #tpu.memory_space<vmem_shared>> -> memref<1x1024xf32, #tpu.memory_space<vmem_shared>>
      %dma_start3A_370 = tpu.memref_squeeze %dma_start3A_369 : memref<1x1024xf32, #tpu.memory_space<vmem_shared>> -> memref<1024xf32, #tpu.memory_space<vmem_shared>>
      tpu.enqueue_dma source(%dma_start3A_370 : memref<1024xf32, #tpu.memory_space<vmem_shared>>) target(%dma_start3A_367 : memref<1024xf32, #tpu.memory_space<vmem>>) target_semaphore(%arg19 : memref<!tpu.dma_semaphore, #tpu.memory_space<semaphore_mem>>)
      %slice3A_371 = vector.extract_strided_slice %get3A_84 {offsets = [0], sizes = [1], strides = [1]} : vector<16xi32> to vector<1xi32>
      %squeeze3A_372 = vector.extract %slice3A_371[0] : i32 from vector<1xi32>
      %mul3A_373 = arith.constant 16 : i32
      %mul3A_374 = arith.muli %scan3A_77, %mul3A_373 : i32
      %add3A_375 = arith.constant 0 : i32
      %add3A_376 = arith.addi %mul3A_374, %add3A_375 : i32
      %dma_wait3A_377 = arith.constant 0 : i32
      %dma_wait3A_378 = tpu.memref_slice %arg8[%add3A_376, %dma_wait3A_377] : memref<16x1024xf32, #tpu.memory_space<vmem>> -> memref<1x1024xf32, #tpu.memory_space<vmem>>
      %dma_wait3A_379 = tpu.memref_squeeze %dma_wait3A_378 : memref<1x1024xf32, #tpu.memory_space<vmem>> -> memref<1024xf32, #tpu.memory_space<vmem>>
      %dma_wait3A_380 = arith.constant 0 : i32
      %dma_wait3A_381 = tpu.memref_slice %arg6[%squeeze3A_372, %dma_wait3A_380] : memref<640x1024xf32, #tpu.memory_space<vmem_shared>> -> memref<1x1024xf32, #tpu.memory_space<vmem_shared>>
      %dma_wait3A_382 = tpu.memref_squeeze %dma_wait3A_381 : memref<1x1024xf32, #tpu.memory_space<vmem_shared>> -> memref<1024xf32, #tpu.memory_space<vmem_shared>>
      %dma_wait3A_383 = arith.constant 0 : i32
      %dma_wait3A_384 = tpu.memref_slice %arg8[%add3A_376, %dma_wait3A_383] : memref<16x1024xf32, #tpu.memory_space<vmem>> -> memref<1x1024xf32, #tpu.memory_space<vmem>>
      %dma_wait3A_385 = tpu.memref_squeeze %dma_wait3A_384 : memref<1x1024xf32, #tpu.memory_space<vmem>> -> memref<1024xf32, #tpu.memory_space<vmem>>
      %dma_wait3A_386 = arith.constant 0 : i32
      %dma_wait3A_387 = tpu.memref_slice %arg6[%squeeze3A_372, %dma_wait3A_386] : memref<640x1024xf32, #tpu.memory_space<vmem_shared>> -> memref<1x1024xf32, #tpu.memory_space<vmem_shared>>
      %dma_wait3A_388 = tpu.memref_squeeze %dma_wait3A_387 : memref<1x1024xf32, #tpu.memory_space<vmem_shared>> -> memref<1024xf32, #tpu.memory_space<vmem_shared>>
      tpu.wait_dma2 semaphore(%arg19 : memref<!tpu.dma_semaphore, #tpu.memory_space<semaphore_mem>>) src(%dma_wait3A_388 : memref<1024xf32, #tpu.memory_space<vmem_shared>>) dst(%dma_wait3A_385 : memref<1024xf32, #tpu.memory_space<vmem>>)
      %slice3A_389 = vector.extract_strided_slice %get3A_84 {offsets = [1], sizes = [1], strides = [1]} : vector<16xi32> to vector<1xi32>
      %squeeze3A_390 = vector.extract %slice3A_389[0] : i32 from vector<1xi32>
      %mul3A_391 = arith.constant 16 : i32
      %mul3A_392 = arith.muli %scan3A_77, %mul3A_391 : i32
      %add3A_393 = arith.constant 1 : i32
      %add3A_394 = arith.addi %mul3A_392, %add3A_393 : i32
      %dma_wait3A_395 = arith.constant 0 : i32
      %dma_wait3A_396 = tpu.memref_slice %arg8[%add3A_394, %dma_wait3A_395] : memref<16x1024xf32, #tpu.memory_space<vmem>> -> memref<1x1024xf32, #tpu.memory_space<vmem>>
      %dma_wait3A_397 = tpu.memref_squeeze %dma_wait3A_396 : memref<1x1024xf32, #tpu.memory_space<vmem>> -> memref<1024xf32, #tpu.memory_space<vmem>>
      %dma_wait3A_398 = arith.constant 0 : i32
      %dma_wait3A_399 = tpu.memref_slice %arg6[%squeeze3A_390, %dma_wait3A_398] : memref<640x1024xf32, #tpu.memory_space<vmem_shared>> -> memref<1x1024xf32, #tpu.memory_space<vmem_shared>>
      %dma_wait3A_400 = tpu.memref_squeeze %dma_wait3A_399 : memref<1x1024xf32, #tpu.memory_space<vmem_shared>> -> memref<1024xf32, #tpu.memory_space<vmem_shared>>
      %dma_wait3A_401 = arith.constant 0 : i32
      %dma_wait3A_402 = tpu.memref_slice %arg8[%add3A_394, %dma_wait3A_401] : memref<16x1024xf32, #tpu.memory_space<vmem>> -> memref<1x1024xf32, #tpu.memory_space<vmem>>
      %dma_wait3A_403 = tpu.memref_squeeze %dma_wait3A_402 : memref<1x1024xf32, #tpu.memory_space<vmem>> -> memref<1024xf32, #tpu.memory_space<vmem>>
      %dma_wait3A_404 = arith.constant 0 : i32
      %dma_wait3A_405 = tpu.memref_slice %arg6[%squeeze3A_390, %dma_wait3A_404] : memref<640x1024xf32, #tpu.memory_space<vmem_shared>> -> memref<1x1024xf32, #tpu.memory_space<vmem_shared>>
      %dma_wait3A_406 = tpu.memref_squeeze %dma_wait3A_405 : memref<1x1024xf32, #tpu.memory_space<vmem_shared>> -> memref<1024xf32, #tpu.memory_space<vmem_shared>>
      tpu.wait_dma2 semaphore(%arg19 : memref<!tpu.dma_semaphore, #tpu.memory_space<semaphore_mem>>) src(%dma_wait3A_406 : memref<1024xf32, #tpu.memory_space<vmem_shared>>) dst(%dma_wait3A_403 : memref<1024xf32, #tpu.memory_space<vmem>>)
      %slice3A_407 = vector.extract_strided_slice %get3A_84 {offsets = [2], sizes = [1], strides = [1]} : vector<16xi32> to vector<1xi32>
      %squeeze3A_408 = vector.extract %slice3A_407[0] : i32 from vector<1xi32>
      %mul3A_409 = arith.constant 16 : i32
      %mul3A_410 = arith.muli %scan3A_77, %mul3A_409 : i32
      %add3A_411 = arith.constant 2 : i32
      %add3A_412 = arith.addi %mul3A_410, %add3A_411 : i32
      %dma_wait3A_413 = arith.constant 0 : i32
      %dma_wait3A_414 = tpu.memref_slice %arg8[%add3A_412, %dma_wait3A_413] : memref<16x1024xf32, #tpu.memory_space<vmem>> -> memref<1x1024xf32, #tpu.memory_space<vmem>>
      %dma_wait3A_415 = tpu.memref_squeeze %dma_wait3A_414 : memref<1x1024xf32, #tpu.memory_space<vmem>> -> memref<1024xf32, #tpu.memory_space<vmem>>
      %dma_wait3A_416 = arith.constant 0 : i32
      %dma_wait3A_417 = tpu.memref_slice %arg6[%squeeze3A_408, %dma_wait3A_416] : memref<640x1024xf32, #tpu.memory_space<vmem_shared>> -> memref<1x1024xf32, #tpu.memory_space<vmem_shared>>
      %dma_wait3A_418 = tpu.memref_squeeze %dma_wait3A_417 : memref<1x1024xf32, #tpu.memory_space<vmem_shared>> -> memref<1024xf32, #tpu.memory_space<vmem_shared>>
      %dma_wait3A_419 = arith.constant 0 : i32
      %dma_wait3A_420 = tpu.memref_slice %arg8[%add3A_412, %dma_wait3A_419] : memref<16x1024xf32, #tpu.memory_space<vmem>> -> memref<1x1024xf32, #tpu.memory_space<vmem>>
      %dma_wait3A_421 = tpu.memref_squeeze %dma_wait3A_420 : memref<1x1024xf32, #tpu.memory_space<vmem>> -> memref<1024xf32, #tpu.memory_space<vmem>>
      %dma_wait3A_422 = arith.constant 0 : i32
      %dma_wait3A_423 = tpu.memref_slice %arg6[%squeeze3A_408, %dma_wait3A_422] : memref<640x1024xf32, #tpu.memory_space<vmem_shared>> -> memref<1x1024xf32, #tpu.memory_space<vmem_shared>>
      %dma_wait3A_424 = tpu.memref_squeeze %dma_wait3A_423 : memref<1x1024xf32, #tpu.memory_space<vmem_shared>> -> memref<1024xf32, #tpu.memory_space<vmem_shared>>
      tpu.wait_dma2 semaphore(%arg19 : memref<!tpu.dma_semaphore, #tpu.memory_space<semaphore_mem>>) src(%dma_wait3A_424 : memref<1024xf32, #tpu.memory_space<vmem_shared>>) dst(%dma_wait3A_421 : memref<1024xf32, #tpu.memory_space<vmem>>)
      %slice3A_425 = vector.extract_strided_slice %get3A_84 {offsets = [3], sizes = [1], strides = [1]} : vector<16xi32> to vector<1xi32>
      %squeeze3A_426 = vector.extract %slice3A_425[0] : i32 from vector<1xi32>
      %mul3A_427 = arith.constant 16 : i32
      %mul3A_428 = arith.muli %scan3A_77, %mul3A_427 : i32
      %add3A_429 = arith.constant 3 : i32
      %add3A_430 = arith.addi %mul3A_428, %add3A_429 : i32
      %dma_wait3A_431 = arith.constant 0 : i32
      %dma_wait3A_432 = tpu.memref_slice %arg8[%add3A_430, %dma_wait3A_431] : memref<16x1024xf32, #tpu.memory_space<vmem>> -> memref<1x1024xf32, #tpu.memory_space<vmem>>
      %dma_wait3A_433 = tpu.memref_squeeze %dma_wait3A_432 : memref<1x1024xf32, #tpu.memory_space<vmem>> -> memref<1024xf32, #tpu.memory_space<vmem>>
      %dma_wait3A_434 = arith.constant 0 : i32
      %dma_wait3A_435 = tpu.memref_slice %arg6[%squeeze3A_426, %dma_wait3A_434] : memref<640x1024xf32, #tpu.memory_space<vmem_shared>> -> memref<1x1024xf32, #tpu.memory_space<vmem_shared>>
      %dma_wait3A_436 = tpu.memref_squeeze %dma_wait3A_435 : memref<1x1024xf32, #tpu.memory_space<vmem_shared>> -> memref<1024xf32, #tpu.memory_space<vmem_shared>>
      %dma_wait3A_437 = arith.constant 0 : i32
      %dma_wait3A_438 = tpu.memref_slice %arg8[%add3A_430, %dma_wait3A_437] : memref<16x1024xf32, #tpu.memory_space<vmem>> -> memref<1x1024xf32, #tpu.memory_space<vmem>>
      %dma_wait3A_439 = tpu.memref_squeeze %dma_wait3A_438 : memref<1x1024xf32, #tpu.memory_space<vmem>> -> memref<1024xf32, #tpu.memory_space<vmem>>
      %dma_wait3A_440 = arith.constant 0 : i32
      %dma_wait3A_441 = tpu.memref_slice %arg6[%squeeze3A_426, %dma_wait3A_440] : memref<640x1024xf32, #tpu.memory_space<vmem_shared>> -> memref<1x1024xf32, #tpu.memory_space<vmem_shared>>
      %dma_wait3A_442 = tpu.memref_squeeze %dma_wait3A_441 : memref<1x1024xf32, #tpu.memory_space<vmem_shared>> -> memref<1024xf32, #tpu.memory_space<vmem_shared>>
      tpu.wait_dma2 semaphore(%arg19 : memref<!tpu.dma_semaphore, #tpu.memory_space<semaphore_mem>>) src(%dma_wait3A_442 : memref<1024xf32, #tpu.memory_space<vmem_shared>>) dst(%dma_wait3A_439 : memref<1024xf32, #tpu.memory_space<vmem>>)
      %slice3A_443 = vector.extract_strided_slice %get3A_84 {offsets = [4], sizes = [1], strides = [1]} : vector<16xi32> to vector<1xi32>
      %squeeze3A_444 = vector.extract %slice3A_443[0] : i32 from vector<1xi32>
      %mul3A_445 = arith.constant 16 : i32
      %mul3A_446 = arith.muli %scan3A_77, %mul3A_445 : i32
      %add3A_447 = arith.constant 4 : i32
      %add3A_448 = arith.addi %mul3A_446, %add3A_447 : i32
      %dma_wait3A_449 = arith.constant 0 : i32
      %dma_wait3A_450 = tpu.memref_slice %arg8[%add3A_448, %dma_wait3A_449] : memref<16x1024xf32, #tpu.memory_space<vmem>> -> memref<1x1024xf32, #tpu.memory_space<vmem>>
      %dma_wait3A_451 = tpu.memref_squeeze %dma_wait3A_450 : memref<1x1024xf32, #tpu.memory_space<vmem>> -> memref<1024xf32, #tpu.memory_space<vmem>>
      %dma_wait3A_452 = arith.constant 0 : i32
      %dma_wait3A_453 = tpu.memref_slice %arg6[%squeeze3A_444, %dma_wait3A_452] : memref<640x1024xf32, #tpu.memory_space<vmem_shared>> -> memref<1x1024xf32, #tpu.memory_space<vmem_shared>>
      %dma_wait3A_454 = tpu.memref_squeeze %dma_wait3A_453 : memref<1x1024xf32, #tpu.memory_space<vmem_shared>> -> memref<1024xf32, #tpu.memory_space<vmem_shared>>
      %dma_wait3A_455 = arith.constant 0 : i32
      %dma_wait3A_456 = tpu.memref_slice %arg8[%add3A_448, %dma_wait3A_455] : memref<16x1024xf32, #tpu.memory_space<vmem>> -> memref<1x1024xf32, #tpu.memory_space<vmem>>
      %dma_wait3A_457 = tpu.memref_squeeze %dma_wait3A_456 : memref<1x1024xf32, #tpu.memory_space<vmem>> -> memref<1024xf32, #tpu.memory_space<vmem>>
      %dma_wait3A_458 = arith.constant 0 : i32
      %dma_wait3A_459 = tpu.memref_slice %arg6[%squeeze3A_444, %dma_wait3A_458] : memref<640x1024xf32, #tpu.memory_space<vmem_shared>> -> memref<1x1024xf32, #tpu.memory_space<vmem_shared>>
      %dma_wait3A_460 = tpu.memref_squeeze %dma_wait3A_459 : memref<1x1024xf32, #tpu.memory_space<vmem_shared>> -> memref<1024xf32, #tpu.memory_space<vmem_shared>>
      tpu.wait_dma2 semaphore(%arg19 : memref<!tpu.dma_semaphore, #tpu.memory_space<semaphore_mem>>) src(%dma_wait3A_460 : memref<1024xf32, #tpu.memory_space<vmem_shared>>) dst(%dma_wait3A_457 : memref<1024xf32, #tpu.memory_space<vmem>>)
      %slice3A_461 = vector.extract_strided_slice %get3A_84 {offsets = [5], sizes = [1], strides = [1]} : vector<16xi32> to vector<1xi32>
      %squeeze3A_462 = vector.extract %slice3A_461[0] : i32 from vector<1xi32>
      %mul3A_463 = arith.constant 16 : i32
      %mul3A_464 = arith.muli %scan3A_77, %mul3A_463 : i32
      %add3A_465 = arith.constant 5 : i32
      %add3A_466 = arith.addi %mul3A_464, %add3A_465 : i32
      %dma_wait3A_467 = arith.constant 0 : i32
      %dma_wait3A_468 = tpu.memref_slice %arg8[%add3A_466, %dma_wait3A_467] : memref<16x1024xf32, #tpu.memory_space<vmem>> -> memref<1x1024xf32, #tpu.memory_space<vmem>>
      %dma_wait3A_469 = tpu.memref_squeeze %dma_wait3A_468 : memref<1x1024xf32, #tpu.memory_space<vmem>> -> memref<1024xf32, #tpu.memory_space<vmem>>
      %dma_wait3A_470 = arith.constant 0 : i32
      %dma_wait3A_471 = tpu.memref_slice %arg6[%squeeze3A_462, %dma_wait3A_470] : memref<640x1024xf32, #tpu.memory_space<vmem_shared>> -> memref<1x1024xf32, #tpu.memory_space<vmem_shared>>
      %dma_wait3A_472 = tpu.memref_squeeze %dma_wait3A_471 : memref<1x1024xf32, #tpu.memory_space<vmem_shared>> -> memref<1024xf32, #tpu.memory_space<vmem_shared>>
      %dma_wait3A_473 = arith.constant 0 : i32
      %dma_wait3A_474 = tpu.memref_slice %arg8[%add3A_466, %dma_wait3A_473] : memref<16x1024xf32, #tpu.memory_space<vmem>> -> memref<1x1024xf32, #tpu.memory_space<vmem>>
      %dma_wait3A_475 = tpu.memref_squeeze %dma_wait3A_474 : memref<1x1024xf32, #tpu.memory_space<vmem>> -> memref<1024xf32, #tpu.memory_space<vmem>>
      %dma_wait3A_476 = arith.constant 0 : i32
      %dma_wait3A_477 = tpu.memref_slice %arg6[%squeeze3A_462, %dma_wait3A_476] : memref<640x1024xf32, #tpu.memory_space<vmem_shared>> -> memref<1x1024xf32, #tpu.memory_space<vmem_shared>>
      %dma_wait3A_478 = tpu.memref_squeeze %dma_wait3A_477 : memref<1x1024xf32, #tpu.memory_space<vmem_shared>> -> memref<1024xf32, #tpu.memory_space<vmem_shared>>
      tpu.wait_dma2 semaphore(%arg19 : memref<!tpu.dma_semaphore, #tpu.memory_space<semaphore_mem>>) src(%dma_wait3A_478 : memref<1024xf32, #tpu.memory_space<vmem_shared>>) dst(%dma_wait3A_475 : memref<1024xf32, #tpu.memory_space<vmem>>)
      %slice3A_479 = vector.extract_strided_slice %get3A_84 {offsets = [6], sizes = [1], strides = [1]} : vector<16xi32> to vector<1xi32>
      %squeeze3A_480 = vector.extract %slice3A_479[0] : i32 from vector<1xi32>
      %mul3A_481 = arith.constant 16 : i32
      %mul3A_482 = arith.muli %scan3A_77, %mul3A_481 : i32
      %add3A_483 = arith.constant 6 : i32
      %add3A_484 = arith.addi %mul3A_482, %add3A_483 : i32
      %dma_wait3A_485 = arith.constant 0 : i32
      %dma_wait3A_486 = tpu.memref_slice %arg8[%add3A_484, %dma_wait3A_485] : memref<16x1024xf32, #tpu.memory_space<vmem>> -> memref<1x1024xf32, #tpu.memory_space<vmem>>
      %dma_wait3A_487 = tpu.memref_squeeze %dma_wait3A_486 : memref<1x1024xf32, #tpu.memory_space<vmem>> -> memref<1024xf32, #tpu.memory_space<vmem>>
      %dma_wait3A_488 = arith.constant 0 : i32
      %dma_wait3A_489 = tpu.memref_slice %arg6[%squeeze3A_480, %dma_wait3A_488] : memref<640x1024xf32, #tpu.memory_space<vmem_shared>> -> memref<1x1024xf32, #tpu.memory_space<vmem_shared>>
      %dma_wait3A_490 = tpu.memref_squeeze %dma_wait3A_489 : memref<1x1024xf32, #tpu.memory_space<vmem_shared>> -> memref<1024xf32, #tpu.memory_space<vmem_shared>>
      %dma_wait3A_491 = arith.constant 0 : i32
      %dma_wait3A_492 = tpu.memref_slice %arg8[%add3A_484, %dma_wait3A_491] : memref<16x1024xf32, #tpu.memory_space<vmem>> -> memref<1x1024xf32, #tpu.memory_space<vmem>>
      %dma_wait3A_493 = tpu.memref_squeeze %dma_wait3A_492 : memref<1x1024xf32, #tpu.memory_space<vmem>> -> memref<1024xf32, #tpu.memory_space<vmem>>
      %dma_wait3A_494 = arith.constant 0 : i32
      %dma_wait3A_495 = tpu.memref_slice %arg6[%squeeze3A_480, %dma_wait3A_494] : memref<640x1024xf32, #tpu.memory_space<vmem_shared>> -> memref<1x1024xf32, #tpu.memory_space<vmem_shared>>
      %dma_wait3A_496 = tpu.memref_squeeze %dma_wait3A_495 : memref<1x1024xf32, #tpu.memory_space<vmem_shared>> -> memref<1024xf32, #tpu.memory_space<vmem_shared>>
      tpu.wait_dma2 semaphore(%arg19 : memref<!tpu.dma_semaphore, #tpu.memory_space<semaphore_mem>>) src(%dma_wait3A_496 : memref<1024xf32, #tpu.memory_space<vmem_shared>>) dst(%dma_wait3A_493 : memref<1024xf32, #tpu.memory_space<vmem>>)
      %slice3A_497 = vector.extract_strided_slice %get3A_84 {offsets = [7], sizes = [1], strides = [1]} : vector<16xi32> to vector<1xi32>
      %squeeze3A_498 = vector.extract %slice3A_497[0] : i32 from vector<1xi32>
      %mul3A_499 = arith.constant 16 : i32
      %mul3A_500 = arith.muli %scan3A_77, %mul3A_499 : i32
      %add3A_501 = arith.constant 7 : i32
      %add3A_502 = arith.addi %mul3A_500, %add3A_501 : i32
      %dma_wait3A_503 = arith.constant 0 : i32
      %dma_wait3A_504 = tpu.memref_slice %arg8[%add3A_502, %dma_wait3A_503] : memref<16x1024xf32, #tpu.memory_space<vmem>> -> memref<1x1024xf32, #tpu.memory_space<vmem>>
      %dma_wait3A_505 = tpu.memref_squeeze %dma_wait3A_504 : memref<1x1024xf32, #tpu.memory_space<vmem>> -> memref<1024xf32, #tpu.memory_space<vmem>>
      %dma_wait3A_506 = arith.constant 0 : i32
      %dma_wait3A_507 = tpu.memref_slice %arg6[%squeeze3A_498, %dma_wait3A_506] : memref<640x1024xf32, #tpu.memory_space<vmem_shared>> -> memref<1x1024xf32, #tpu.memory_space<vmem_shared>>
      %dma_wait3A_508 = tpu.memref_squeeze %dma_wait3A_507 : memref<1x1024xf32, #tpu.memory_space<vmem_shared>> -> memref<1024xf32, #tpu.memory_space<vmem_shared>>
      %dma_wait3A_509 = arith.constant 0 : i32
      %dma_wait3A_510 = tpu.memref_slice %arg8[%add3A_502, %dma_wait3A_509] : memref<16x1024xf32, #tpu.memory_space<vmem>> -> memref<1x1024xf32, #tpu.memory_space<vmem>>
      %dma_wait3A_511 = tpu.memref_squeeze %dma_wait3A_510 : memref<1x1024xf32, #tpu.memory_space<vmem>> -> memref<1024xf32, #tpu.memory_space<vmem>>
      %dma_wait3A_512 = arith.constant 0 : i32
      %dma_wait3A_513 = tpu.memref_slice %arg6[%squeeze3A_498, %dma_wait3A_512] : memref<640x1024xf32, #tpu.memory_space<vmem_shared>> -> memref<1x1024xf32, #tpu.memory_space<vmem_shared>>
      %dma_wait3A_514 = tpu.memref_squeeze %dma_wait3A_513 : memref<1x1024xf32, #tpu.memory_space<vmem_shared>> -> memref<1024xf32, #tpu.memory_space<vmem_shared>>
      tpu.wait_dma2 semaphore(%arg19 : memref<!tpu.dma_semaphore, #tpu.memory_space<semaphore_mem>>) src(%dma_wait3A_514 : memref<1024xf32, #tpu.memory_space<vmem_shared>>) dst(%dma_wait3A_511 : memref<1024xf32, #tpu.memory_space<vmem>>)
      %slice3A_515 = vector.extract_strided_slice %get3A_84 {offsets = [8], sizes = [1], strides = [1]} : vector<16xi32> to vector<1xi32>
      %squeeze3A_516 = vector.extract %slice3A_515[0] : i32 from vector<1xi32>
      %mul3A_517 = arith.constant 16 : i32
      %mul3A_518 = arith.muli %scan3A_77, %mul3A_517 : i32
      %add3A_519 = arith.constant 8 : i32
      %add3A_520 = arith.addi %mul3A_518, %add3A_519 : i32
      %dma_wait3A_521 = arith.constant 0 : i32
      %dma_wait3A_522 = tpu.memref_slice %arg8[%add3A_520, %dma_wait3A_521] : memref<16x1024xf32, #tpu.memory_space<vmem>> -> memref<1x1024xf32, #tpu.memory_space<vmem>>
      %dma_wait3A_523 = tpu.memref_squeeze %dma_wait3A_522 : memref<1x1024xf32, #tpu.memory_space<vmem>> -> memref<1024xf32, #tpu.memory_space<vmem>>
      %dma_wait3A_524 = arith.constant 0 : i32
      %dma_wait3A_525 = tpu.memref_slice %arg6[%squeeze3A_516, %dma_wait3A_524] : memref<640x1024xf32, #tpu.memory_space<vmem_shared>> -> memref<1x1024xf32, #tpu.memory_space<vmem_shared>>
      %dma_wait3A_526 = tpu.memref_squeeze %dma_wait3A_525 : memref<1x1024xf32, #tpu.memory_space<vmem_shared>> -> memref<1024xf32, #tpu.memory_space<vmem_shared>>
      %dma_wait3A_527 = arith.constant 0 : i32
      %dma_wait3A_528 = tpu.memref_slice %arg8[%add3A_520, %dma_wait3A_527] : memref<16x1024xf32, #tpu.memory_space<vmem>> -> memref<1x1024xf32, #tpu.memory_space<vmem>>
      %dma_wait3A_529 = tpu.memref_squeeze %dma_wait3A_528 : memref<1x1024xf32, #tpu.memory_space<vmem>> -> memref<1024xf32, #tpu.memory_space<vmem>>
      %dma_wait3A_530 = arith.constant 0 : i32
      %dma_wait3A_531 = tpu.memref_slice %arg6[%squeeze3A_516, %dma_wait3A_530] : memref<640x1024xf32, #tpu.memory_space<vmem_shared>> -> memref<1x1024xf32, #tpu.memory_space<vmem_shared>>
      %dma_wait3A_532 = tpu.memref_squeeze %dma_wait3A_531 : memref<1x1024xf32, #tpu.memory_space<vmem_shared>> -> memref<1024xf32, #tpu.memory_space<vmem_shared>>
      tpu.wait_dma2 semaphore(%arg19 : memref<!tpu.dma_semaphore, #tpu.memory_space<semaphore_mem>>) src(%dma_wait3A_532 : memref<1024xf32, #tpu.memory_space<vmem_shared>>) dst(%dma_wait3A_529 : memref<1024xf32, #tpu.memory_space<vmem>>)
      %slice3A_533 = vector.extract_strided_slice %get3A_84 {offsets = [9], sizes = [1], strides = [1]} : vector<16xi32> to vector<1xi32>
      %squeeze3A_534 = vector.extract %slice3A_533[0] : i32 from vector<1xi32>
      %mul3A_535 = arith.constant 16 : i32
      %mul3A_536 = arith.muli %scan3A_77, %mul3A_535 : i32
      %add3A_537 = arith.constant 9 : i32
      %add3A_538 = arith.addi %mul3A_536, %add3A_537 : i32
      %dma_wait3A_539 = arith.constant 0 : i32
      %dma_wait3A_540 = tpu.memref_slice %arg8[%add3A_538, %dma_wait3A_539] : memref<16x1024xf32, #tpu.memory_space<vmem>> -> memref<1x1024xf32, #tpu.memory_space<vmem>>
      %dma_wait3A_541 = tpu.memref_squeeze %dma_wait3A_540 : memref<1x1024xf32, #tpu.memory_space<vmem>> -> memref<1024xf32, #tpu.memory_space<vmem>>
      %dma_wait3A_542 = arith.constant 0 : i32
      %dma_wait3A_543 = tpu.memref_slice %arg6[%squeeze3A_534, %dma_wait3A_542] : memref<640x1024xf32, #tpu.memory_space<vmem_shared>> -> memref<1x1024xf32, #tpu.memory_space<vmem_shared>>
      %dma_wait3A_544 = tpu.memref_squeeze %dma_wait3A_543 : memref<1x1024xf32, #tpu.memory_space<vmem_shared>> -> memref<1024xf32, #tpu.memory_space<vmem_shared>>
      %dma_wait3A_545 = arith.constant 0 : i32
      %dma_wait3A_546 = tpu.memref_slice %arg8[%add3A_538, %dma_wait3A_545] : memref<16x1024xf32, #tpu.memory_space<vmem>> -> memref<1x1024xf32, #tpu.memory_space<vmem>>
      %dma_wait3A_547 = tpu.memref_squeeze %dma_wait3A_546 : memref<1x1024xf32, #tpu.memory_space<vmem>> -> memref<1024xf32, #tpu.memory_space<vmem>>
      %dma_wait3A_548 = arith.constant 0 : i32
      %dma_wait3A_549 = tpu.memref_slice %arg6[%squeeze3A_534, %dma_wait3A_548] : memref<640x1024xf32, #tpu.memory_space<vmem_shared>> -> memref<1x1024xf32, #tpu.memory_space<vmem_shared>>
      %dma_wait3A_550 = tpu.memref_squeeze %dma_wait3A_549 : memref<1x1024xf32, #tpu.memory_space<vmem_shared>> -> memref<1024xf32, #tpu.memory_space<vmem_shared>>
      tpu.wait_dma2 semaphore(%arg19 : memref<!tpu.dma_semaphore, #tpu.memory_space<semaphore_mem>>) src(%dma_wait3A_550 : memref<1024xf32, #tpu.memory_space<vmem_shared>>) dst(%dma_wait3A_547 : memref<1024xf32, #tpu.memory_space<vmem>>)
      %slice3A_551 = vector.extract_strided_slice %get3A_84 {offsets = [10], sizes = [1], strides = [1]} : vector<16xi32> to vector<1xi32>
      %squeeze3A_552 = vector.extract %slice3A_551[0] : i32 from vector<1xi32>
      %mul3A_553 = arith.constant 16 : i32
      %mul3A_554 = arith.muli %scan3A_77, %mul3A_553 : i32
      %add3A_555 = arith.constant 10 : i32
      %add3A_556 = arith.addi %mul3A_554, %add3A_555 : i32
      %dma_wait3A_557 = arith.constant 0 : i32
      %dma_wait3A_558 = tpu.memref_slice %arg8[%add3A_556, %dma_wait3A_557] : memref<16x1024xf32, #tpu.memory_space<vmem>> -> memref<1x1024xf32, #tpu.memory_space<vmem>>
      %dma_wait3A_559 = tpu.memref_squeeze %dma_wait3A_558 : memref<1x1024xf32, #tpu.memory_space<vmem>> -> memref<1024xf32, #tpu.memory_space<vmem>>
      %dma_wait3A_560 = arith.constant 0 : i32
      %dma_wait3A_561 = tpu.memref_slice %arg6[%squeeze3A_552, %dma_wait3A_560] : memref<640x1024xf32, #tpu.memory_space<vmem_shared>> -> memref<1x1024xf32, #tpu.memory_space<vmem_shared>>
      %dma_wait3A_562 = tpu.memref_squeeze %dma_wait3A_561 : memref<1x1024xf32, #tpu.memory_space<vmem_shared>> -> memref<1024xf32, #tpu.memory_space<vmem_shared>>
      %dma_wait3A_563 = arith.constant 0 : i32
      %dma_wait3A_564 = tpu.memref_slice %arg8[%add3A_556, %dma_wait3A_563] : memref<16x1024xf32, #tpu.memory_space<vmem>> -> memref<1x1024xf32, #tpu.memory_space<vmem>>
      %dma_wait3A_565 = tpu.memref_squeeze %dma_wait3A_564 : memref<1x1024xf32, #tpu.memory_space<vmem>> -> memref<1024xf32, #tpu.memory_space<vmem>>
      %dma_wait3A_566 = arith.constant 0 : i32
      %dma_wait3A_567 = tpu.memref_slice %arg6[%squeeze3A_552, %dma_wait3A_566] : memref<640x1024xf32, #tpu.memory_space<vmem_shared>> -> memref<1x1024xf32, #tpu.memory_space<vmem_shared>>
      %dma_wait3A_568 = tpu.memref_squeeze %dma_wait3A_567 : memref<1x1024xf32, #tpu.memory_space<vmem_shared>> -> memref<1024xf32, #tpu.memory_space<vmem_shared>>
      tpu.wait_dma2 semaphore(%arg19 : memref<!tpu.dma_semaphore, #tpu.memory_space<semaphore_mem>>) src(%dma_wait3A_568 : memref<1024xf32, #tpu.memory_space<vmem_shared>>) dst(%dma_wait3A_565 : memref<1024xf32, #tpu.memory_space<vmem>>)
      %slice3A_569 = vector.extract_strided_slice %get3A_84 {offsets = [11], sizes = [1], strides = [1]} : vector<16xi32> to vector<1xi32>
      %squeeze3A_570 = vector.extract %slice3A_569[0] : i32 from vector<1xi32>
      %mul3A_571 = arith.constant 16 : i32
      %mul3A_572 = arith.muli %scan3A_77, %mul3A_571 : i32
      %add3A_573 = arith.constant 11 : i32
      %add3A_574 = arith.addi %mul3A_572, %add3A_573 : i32
      %dma_wait3A_575 = arith.constant 0 : i32
      %dma_wait3A_576 = tpu.memref_slice %arg8[%add3A_574, %dma_wait3A_575] : memref<16x1024xf32, #tpu.memory_space<vmem>> -> memref<1x1024xf32, #tpu.memory_space<vmem>>
      %dma_wait3A_577 = tpu.memref_squeeze %dma_wait3A_576 : memref<1x1024xf32, #tpu.memory_space<vmem>> -> memref<1024xf32, #tpu.memory_space<vmem>>
      %dma_wait3A_578 = arith.constant 0 : i32
      %dma_wait3A_579 = tpu.memref_slice %arg6[%squeeze3A_570, %dma_wait3A_578] : memref<640x1024xf32, #tpu.memory_space<vmem_shared>> -> memref<1x1024xf32, #tpu.memory_space<vmem_shared>>
      %dma_wait3A_580 = tpu.memref_squeeze %dma_wait3A_579 : memref<1x1024xf32, #tpu.memory_space<vmem_shared>> -> memref<1024xf32, #tpu.memory_space<vmem_shared>>
      %dma_wait3A_581 = arith.constant 0 : i32
      %dma_wait3A_582 = tpu.memref_slice %arg8[%add3A_574, %dma_wait3A_581] : memref<16x1024xf32, #tpu.memory_space<vmem>> -> memref<1x1024xf32, #tpu.memory_space<vmem>>
      %dma_wait3A_583 = tpu.memref_squeeze %dma_wait3A_582 : memref<1x1024xf32, #tpu.memory_space<vmem>> -> memref<1024xf32, #tpu.memory_space<vmem>>
      %dma_wait3A_584 = arith.constant 0 : i32
      %dma_wait3A_585 = tpu.memref_slice %arg6[%squeeze3A_570, %dma_wait3A_584] : memref<640x1024xf32, #tpu.memory_space<vmem_shared>> -> memref<1x1024xf32, #tpu.memory_space<vmem_shared>>
      %dma_wait3A_586 = tpu.memref_squeeze %dma_wait3A_585 : memref<1x1024xf32, #tpu.memory_space<vmem_shared>> -> memref<1024xf32, #tpu.memory_space<vmem_shared>>
      tpu.wait_dma2 semaphore(%arg19 : memref<!tpu.dma_semaphore, #tpu.memory_space<semaphore_mem>>) src(%dma_wait3A_586 : memref<1024xf32, #tpu.memory_space<vmem_shared>>) dst(%dma_wait3A_583 : memref<1024xf32, #tpu.memory_space<vmem>>)
      %slice3A_587 = vector.extract_strided_slice %get3A_84 {offsets = [12], sizes = [1], strides = [1]} : vector<16xi32> to vector<1xi32>
      %squeeze3A_588 = vector.extract %slice3A_587[0] : i32 from vector<1xi32>
      %mul3A_589 = arith.constant 16 : i32
      %mul3A_590 = arith.muli %scan3A_77, %mul3A_589 : i32
      %add3A_591 = arith.constant 12 : i32
      %add3A_592 = arith.addi %mul3A_590, %add3A_591 : i32
      %dma_wait3A_593 = arith.constant 0 : i32
      %dma_wait3A_594 = tpu.memref_slice %arg8[%add3A_592, %dma_wait3A_593] : memref<16x1024xf32, #tpu.memory_space<vmem>> -> memref<1x1024xf32, #tpu.memory_space<vmem>>
      %dma_wait3A_595 = tpu.memref_squeeze %dma_wait3A_594 : memref<1x1024xf32, #tpu.memory_space<vmem>> -> memref<1024xf32, #tpu.memory_space<vmem>>
      %dma_wait3A_596 = arith.constant 0 : i32
      %dma_wait3A_597 = tpu.memref_slice %arg6[%squeeze3A_588, %dma_wait3A_596] : memref<640x1024xf32, #tpu.memory_space<vmem_shared>> -> memref<1x1024xf32, #tpu.memory_space<vmem_shared>>
      %dma_wait3A_598 = tpu.memref_squeeze %dma_wait3A_597 : memref<1x1024xf32, #tpu.memory_space<vmem_shared>> -> memref<1024xf32, #tpu.memory_space<vmem_shared>>
      %dma_wait3A_599 = arith.constant 0 : i32
      %dma_wait3A_600 = tpu.memref_slice %arg8[%add3A_592, %dma_wait3A_599] : memref<16x1024xf32, #tpu.memory_space<vmem>> -> memref<1x1024xf32, #tpu.memory_space<vmem>>
      %dma_wait3A_601 = tpu.memref_squeeze %dma_wait3A_600 : memref<1x1024xf32, #tpu.memory_space<vmem>> -> memref<1024xf32, #tpu.memory_space<vmem>>
      %dma_wait3A_602 = arith.constant 0 : i32
      %dma_wait3A_603 = tpu.memref_slice %arg6[%squeeze3A_588, %dma_wait3A_602] : memref<640x1024xf32, #tpu.memory_space<vmem_shared>> -> memref<1x1024xf32, #tpu.memory_space<vmem_shared>>
      %dma_wait3A_604 = tpu.memref_squeeze %dma_wait3A_603 : memref<1x1024xf32, #tpu.memory_space<vmem_shared>> -> memref<1024xf32, #tpu.memory_space<vmem_shared>>
      tpu.wait_dma2 semaphore(%arg19 : memref<!tpu.dma_semaphore, #tpu.memory_space<semaphore_mem>>) src(%dma_wait3A_604 : memref<1024xf32, #tpu.memory_space<vmem_shared>>) dst(%dma_wait3A_601 : memref<1024xf32, #tpu.memory_space<vmem>>)
      %slice3A_605 = vector.extract_strided_slice %get3A_84 {offsets = [13], sizes = [1], strides = [1]} : vector<16xi32> to vector<1xi32>
      %squeeze3A_606 = vector.extract %slice3A_605[0] : i32 from vector<1xi32>
      %mul3A_607 = arith.constant 16 : i32
      %mul3A_608 = arith.muli %scan3A_77, %mul3A_607 : i32
      %add3A_609 = arith.constant 13 : i32
      %add3A_610 = arith.addi %mul3A_608, %add3A_609 : i32
      %dma_wait3A_611 = arith.constant 0 : i32
      %dma_wait3A_612 = tpu.memref_slice %arg8[%add3A_610, %dma_wait3A_611] : memref<16x1024xf32, #tpu.memory_space<vmem>> -> memref<1x1024xf32, #tpu.memory_space<vmem>>
      %dma_wait3A_613 = tpu.memref_squeeze %dma_wait3A_612 : memref<1x1024xf32, #tpu.memory_space<vmem>> -> memref<1024xf32, #tpu.memory_space<vmem>>
      %dma_wait3A_614 = arith.constant 0 : i32
      %dma_wait3A_615 = tpu.memref_slice %arg6[%squeeze3A_606, %dma_wait3A_614] : memref<640x1024xf32, #tpu.memory_space<vmem_shared>> -> memref<1x1024xf32, #tpu.memory_space<vmem_shared>>
      %dma_wait3A_616 = tpu.memref_squeeze %dma_wait3A_615 : memref<1x1024xf32, #tpu.memory_space<vmem_shared>> -> memref<1024xf32, #tpu.memory_space<vmem_shared>>
      %dma_wait3A_617 = arith.constant 0 : i32
      %dma_wait3A_618 = tpu.memref_slice %arg8[%add3A_610, %dma_wait3A_617] : memref<16x1024xf32, #tpu.memory_space<vmem>> -> memref<1x1024xf32, #tpu.memory_space<vmem>>
      %dma_wait3A_619 = tpu.memref_squeeze %dma_wait3A_618 : memref<1x1024xf32, #tpu.memory_space<vmem>> -> memref<1024xf32, #tpu.memory_space<vmem>>
      %dma_wait3A_620 = arith.constant 0 : i32
      %dma_wait3A_621 = tpu.memref_slice %arg6[%squeeze3A_606, %dma_wait3A_620] : memref<640x1024xf32, #tpu.memory_space<vmem_shared>> -> memref<1x1024xf32, #tpu.memory_space<vmem_shared>>
      %dma_wait3A_622 = tpu.memref_squeeze %dma_wait3A_621 : memref<1x1024xf32, #tpu.memory_space<vmem_shared>> -> memref<1024xf32, #tpu.memory_space<vmem_shared>>
      tpu.wait_dma2 semaphore(%arg19 : memref<!tpu.dma_semaphore, #tpu.memory_space<semaphore_mem>>) src(%dma_wait3A_622 : memref<1024xf32, #tpu.memory_space<vmem_shared>>) dst(%dma_wait3A_619 : memref<1024xf32, #tpu.memory_space<vmem>>)
      %slice3A_623 = vector.extract_strided_slice %get3A_84 {offsets = [14], sizes = [1], strides = [1]} : vector<16xi32> to vector<1xi32>
      %squeeze3A_624 = vector.extract %slice3A_623[0] : i32 from vector<1xi32>
      %mul3A_625 = arith.constant 16 : i32
      %mul3A_626 = arith.muli %scan3A_77, %mul3A_625 : i32
      %add3A_627 = arith.constant 14 : i32
      %add3A_628 = arith.addi %mul3A_626, %add3A_627 : i32
      %dma_wait3A_629 = arith.constant 0 : i32
      %dma_wait3A_630 = tpu.memref_slice %arg8[%add3A_628, %dma_wait3A_629] : memref<16x1024xf32, #tpu.memory_space<vmem>> -> memref<1x1024xf32, #tpu.memory_space<vmem>>
      %dma_wait3A_631 = tpu.memref_squeeze %dma_wait3A_630 : memref<1x1024xf32, #tpu.memory_space<vmem>> -> memref<1024xf32, #tpu.memory_space<vmem>>
      %dma_wait3A_632 = arith.constant 0 : i32
      %dma_wait3A_633 = tpu.memref_slice %arg6[%squeeze3A_624, %dma_wait3A_632] : memref<640x1024xf32, #tpu.memory_space<vmem_shared>> -> memref<1x1024xf32, #tpu.memory_space<vmem_shared>>
      %dma_wait3A_634 = tpu.memref_squeeze %dma_wait3A_633 : memref<1x1024xf32, #tpu.memory_space<vmem_shared>> -> memref<1024xf32, #tpu.memory_space<vmem_shared>>
      %dma_wait3A_635 = arith.constant 0 : i32
      %dma_wait3A_636 = tpu.memref_slice %arg8[%add3A_628, %dma_wait3A_635] : memref<16x1024xf32, #tpu.memory_space<vmem>> -> memref<1x1024xf32, #tpu.memory_space<vmem>>
      %dma_wait3A_637 = tpu.memref_squeeze %dma_wait3A_636 : memref<1x1024xf32, #tpu.memory_space<vmem>> -> memref<1024xf32, #tpu.memory_space<vmem>>
      %dma_wait3A_638 = arith.constant 0 : i32
      %dma_wait3A_639 = tpu.memref_slice %arg6[%squeeze3A_624, %dma_wait3A_638] : memref<640x1024xf32, #tpu.memory_space<vmem_shared>> -> memref<1x1024xf32, #tpu.memory_space<vmem_shared>>
      %dma_wait3A_640 = tpu.memref_squeeze %dma_wait3A_639 : memref<1x1024xf32, #tpu.memory_space<vmem_shared>> -> memref<1024xf32, #tpu.memory_space<vmem_shared>>
      tpu.wait_dma2 semaphore(%arg19 : memref<!tpu.dma_semaphore, #tpu.memory_space<semaphore_mem>>) src(%dma_wait3A_640 : memref<1024xf32, #tpu.memory_space<vmem_shared>>) dst(%dma_wait3A_637 : memref<1024xf32, #tpu.memory_space<vmem>>)
      %slice3A_641 = vector.extract_strided_slice %get3A_84 {offsets = [15], sizes = [1], strides = [1]} : vector<16xi32> to vector<1xi32>
      %squeeze3A_642 = vector.extract %slice3A_641[0] : i32 from vector<1xi32>
      %mul3A_643 = arith.constant 16 : i32
      %mul3A_644 = arith.muli %scan3A_77, %mul3A_643 : i32
      %add3A_645 = arith.constant 15 : i32
      %add3A_646 = arith.addi %mul3A_644, %add3A_645 : i32
      %dma_wait3A_647 = arith.constant 0 : i32
      %dma_wait3A_648 = tpu.memref_slice %arg8[%add3A_646, %dma_wait3A_647] : memref<16x1024xf32, #tpu.memory_space<vmem>> -> memref<1x1024xf32, #tpu.memory_space<vmem>>
      %dma_wait3A_649 = tpu.memref_squeeze %dma_wait3A_648 : memref<1x1024xf32, #tpu.memory_space<vmem>> -> memref<1024xf32, #tpu.memory_space<vmem>>
      %dma_wait3A_650 = arith.constant 0 : i32
      %dma_wait3A_651 = tpu.memref_slice %arg6[%squeeze3A_642, %dma_wait3A_650] : memref<640x1024xf32, #tpu.memory_space<vmem_shared>> -> memref<1x1024xf32, #tpu.memory_space<vmem_shared>>
      %dma_wait3A_652 = tpu.memref_squeeze %dma_wait3A_651 : memref<1x1024xf32, #tpu.memory_space<vmem_shared>> -> memref<1024xf32, #tpu.memory_space<vmem_shared>>
      %dma_wait3A_653 = arith.constant 0 : i32
      %dma_wait3A_654 = tpu.memref_slice %arg8[%add3A_646, %dma_wait3A_653] : memref<16x1024xf32, #tpu.memory_space<vmem>> -> memref<1x1024xf32, #tpu.memory_space<vmem>>
      %dma_wait3A_655 = tpu.memref_squeeze %dma_wait3A_654 : memref<1x1024xf32, #tpu.memory_space<vmem>> -> memref<1024xf32, #tpu.memory_space<vmem>>
      %dma_wait3A_656 = arith.constant 0 : i32
      %dma_wait3A_657 = tpu.memref_slice %arg6[%squeeze3A_642, %dma_wait3A_656] : memref<640x1024xf32, #tpu.memory_space<vmem_shared>> -> memref<1x1024xf32, #tpu.memory_space<vmem_shared>>
      %dma_wait3A_658 = tpu.memref_squeeze %dma_wait3A_657 : memref<1x1024xf32, #tpu.memory_space<vmem_shared>> -> memref<1024xf32, #tpu.memory_space<vmem_shared>>
      tpu.wait_dma2 semaphore(%arg19 : memref<!tpu.dma_semaphore, #tpu.memory_space<semaphore_mem>>) src(%dma_wait3A_658 : memref<1024xf32, #tpu.memory_space<vmem_shared>>) dst(%dma_wait3A_655 : memref<1024xf32, #tpu.memory_space<vmem>>)
      %scan3A_659 = arith.constant 1 : i32
      %mul3A_660 = arith.constant 16 : i32
      %mul3A_661 = arith.muli %add3A_65, %mul3A_660 : i32
      %add3A_662 = arith.addi %mul3A_2, %mul3A_661 : i32
      %dma_start3A_663 = arith.constant 0 : i32
      %dma_start3A_664 = tpu.memref_slice %arg4[%add3A_662, %dma_start3A_663] : memref<32768x1024xf32, #tpu.memory_space<hbm>> -> memref<16x1024xf32, #tpu.memory_space<hbm>>
      %dma_start3A_665 = arith.constant 0 : i32
      %dma_start3A_666 = tpu.memref_slice %arg4[%add3A_662, %dma_start3A_665] : memref<32768x1024xf32, #tpu.memory_space<hbm>> -> memref<16x1024xf32, #tpu.memory_space<hbm>>
      tpu.enqueue_dma source(%arg8 : memref<16x1024xf32, #tpu.memory_space<vmem>>) target(%dma_start3A_666 : memref<16x1024xf32, #tpu.memory_space<hbm>>) target_semaphore(%arg16 : memref<!tpu.dma_semaphore, #tpu.memory_space<semaphore_mem>>)
      %mul3A_667 = arith.constant 4 : i32
      %mul3A_668 = arith.muli %scan3A_43, %mul3A_667 : i32
      %add3A_669 = arith.constant 2 : i32
      %add3A_670 = arith.addi %mul3A_668, %add3A_669 : i32
      %mul3A_671 = arith.constant 16 : i32
      %mul3A_672 = arith.muli %add3A_670, %mul3A_671 : i32
      %dma_wait3A_673 = tpu.memref_slice %arg5[%mul3A_672] : memref<1024xi32, #tpu.memory_space<vmem>> -> memref<16xi32, #tpu.memory_space<vmem>>
      %dma_wait3A_674 = arith.constant 0 : i32
      %dma_wait3A_675 = arith.constant 0 : i32
      %dma_wait3A_676 = tpu.memref_slice %arg2[%dma_wait3A_674, %dma_wait3A_675] : memref<640x1024xf32, #tpu.memory_space<hbm>> -> memref<640x1024xf32, #tpu.memory_space<hbm>>
      tpu.wait_indirect_dma semaphore(%arg13 : memref<!tpu.dma_semaphore, #tpu.memory_space<semaphore_mem>>) src(%dma_wait3A_676 : memref<640x1024xf32, #tpu.memory_space<hbm>>) dst(%arg9 : memref<16x1024xf32, #tpu.memory_space<vmem>>)
      %mul3A_677 = arith.constant 16 : i32
      %mul3A_678 = arith.muli %add3A_670, %mul3A_677 : i32
      %add3A_679 = arith.addi %mul3A_2, %mul3A_678 : i32
      %dma_start3A_680 = arith.constant 0 : i32
      %dma_start3A_681 = tpu.memref_slice %arg4[%add3A_679, %dma_start3A_680] : memref<32768x1024xf32, #tpu.memory_space<hbm>> -> memref<16x1024xf32, #tpu.memory_space<hbm>>
      %dma_start3A_682 = arith.constant 0 : i32
      %dma_start3A_683 = tpu.memref_slice %arg4[%add3A_679, %dma_start3A_682] : memref<32768x1024xf32, #tpu.memory_space<hbm>> -> memref<16x1024xf32, #tpu.memory_space<hbm>>
      tpu.enqueue_dma source(%arg9 : memref<16x1024xf32, #tpu.memory_space<vmem>>) target(%dma_start3A_683 : memref<16x1024xf32, #tpu.memory_space<hbm>>) target_semaphore(%arg17 : memref<!tpu.dma_semaphore, #tpu.memory_space<semaphore_mem>>)
      %mul3A_684 = arith.constant 4 : i32
      %mul3A_685 = arith.muli %scan3A_43, %mul3A_684 : i32
      %add3A_686 = arith.constant 3 : i32
      %add3A_687 = arith.addi %mul3A_685, %add3A_686 : i32
      %add3A_688 = arith.constant 3 : i32
      %add3A_689 = arith.addi %add3A_687, %add3A_688 : i32
      %lt3A_690 = arith.constant 64 : i32
      %lt3A_691 = arith.cmpi slt, %add3A_689, %lt3A_690 : i32
      %convert_element_type3A_692 = arith.extui %lt3A_691 : i1 to i32
      %cond3A_693 = arith.constant 0 : i32
      %cond3A_694 = arith.cmpi ne, %convert_element_type3A_692, %cond3A_693 : i32
      scf.if %cond3A_694 {
        %ge3A_1295 = arith.constant 1 : i32
        %ge3A_1296 = arith.cmpi sge, %add3A_687, %ge3A_1295 : i32
        %convert_element_type3A_1297 = arith.extui %ge3A_1296 : i1 to i32
        %cond3A_1298 = arith.constant 0 : i32
        %cond3A_1299 = arith.cmpi ne, %convert_element_type3A_1297, %cond3A_1298 : i32
        scf.if %cond3A_1299 {
          %sub3A = arith.constant 1 : i32
          %sub3A_1308 = arith.subi %add3A_687, %sub3A : i32
          %mul3A_1309 = arith.constant 16 : i32
          %mul3A_1310 = arith.muli %sub3A_1308, %mul3A_1309 : i32
          %add3A_1311 = arith.addi %mul3A_2, %mul3A_1310 : i32
          %dma_wait3A_1312 = arith.constant 0 : i32
          %dma_wait3A_1313 = tpu.memref_slice %arg4[%add3A_1311, %dma_wait3A_1312] : memref<32768x1024xf32, #tpu.memory_space<hbm>> -> memref<16x1024xf32, #tpu.memory_space<hbm>>
          %dma_wait3A_1314 = arith.constant 0 : i32
          %dma_wait3A_1315 = tpu.memref_slice %arg4[%add3A_1311, %dma_wait3A_1314] : memref<32768x1024xf32, #tpu.memory_space<hbm>> -> memref<16x1024xf32, #tpu.memory_space<hbm>>
          tpu.wait_dma2 semaphore(%arg17 : memref<!tpu.dma_semaphore, #tpu.memory_space<semaphore_mem>>) src(%arg9 : memref<16x1024xf32, #tpu.memory_space<vmem>>) dst(%dma_wait3A_1315 : memref<16x1024xf32, #tpu.memory_space<hbm>>)
        } else {
        }
        %add3A_1300 = arith.constant 3 : i32
        %add3A_1301 = arith.addi %add3A_687, %add3A_1300 : i32
        %mul3A_1302 = arith.constant 16 : i32
        %mul3A_1303 = arith.muli %add3A_1301, %mul3A_1302 : i32
        %dma_start3A_1304 = tpu.memref_slice %arg5[%mul3A_1303] : memref<1024xi32, #tpu.memory_space<vmem>> -> memref<16xi32, #tpu.memory_space<vmem>>
        %dma_start3A_1305 = arith.constant 0 : i32
        %dma_start3A_1306 = arith.constant 0 : i32
        %dma_start3A_1307 = tpu.memref_slice %arg2[%dma_start3A_1305, %dma_start3A_1306] : memref<640x1024xf32, #tpu.memory_space<hbm>> -> memref<640x1024xf32, #tpu.memory_space<hbm>>
        tpu.enqueue_indirect_dma source(%dma_start3A_1307 : memref<640x1024xf32, #tpu.memory_space<hbm>>) target(%arg9 : memref<16x1024xf32, #tpu.memory_space<vmem>>) offsets(%dma_start3A_1304 : memref<16xi32, #tpu.memory_space<vmem>>) semaphore(%arg13 : memref<!tpu.dma_semaphore, #tpu.memory_space<semaphore_mem>>)
      } else {
      }
      %ge3A_695 = arith.constant 4 : i32
      %ge3A_696 = arith.cmpi sge, %add3A_687, %ge3A_695 : i32
      %convert_element_type3A_697 = arith.extui %ge3A_696 : i1 to i32
      %cond3A_698 = arith.constant 0 : i32
      %cond3A_699 = arith.cmpi ne, %convert_element_type3A_697, %cond3A_698 : i32
      scf.if %cond3A_699 {
        %sub3A = arith.constant 4 : i32
        %sub3A_1295 = arith.subi %add3A_687, %sub3A : i32
        %mul3A_1296 = arith.constant 16 : i32
        %mul3A_1297 = arith.muli %sub3A_1295, %mul3A_1296 : i32
        %add3A_1298 = arith.addi %mul3A_2, %mul3A_1297 : i32
        %dma_wait3A_1299 = arith.constant 0 : i32
        %dma_wait3A_1300 = tpu.memref_slice %arg4[%add3A_1298, %dma_wait3A_1299] : memref<32768x1024xf32, #tpu.memory_space<hbm>> -> memref<16x1024xf32, #tpu.memory_space<hbm>>
        %dma_wait3A_1301 = arith.constant 0 : i32
        %dma_wait3A_1302 = tpu.memref_slice %arg4[%add3A_1298, %dma_wait3A_1301] : memref<32768x1024xf32, #tpu.memory_space<hbm>> -> memref<16x1024xf32, #tpu.memory_space<hbm>>
        tpu.wait_dma2 semaphore(%arg18 : memref<!tpu.dma_semaphore, #tpu.memory_space<semaphore_mem>>) src(%arg10 : memref<16x1024xf32, #tpu.memory_space<vmem>>) dst(%dma_wait3A_1302 : memref<16x1024xf32, #tpu.memory_space<hbm>>)
      } else {
      }
      %scan3A_700 = arith.constant 0 : i32
      %scan3A_701 = arith.constant 0 : i32
      %mul3A_702 = arith.constant 16 : i32
      %mul3A_703 = arith.muli %add3A_687, %mul3A_702 : i32
      %mul3A_704 = arith.constant 16 : i32
      %mul3A_705 = arith.muli %scan3A_701, %mul3A_704 : i32
      %add3A_706 = arith.addi %mul3A_703, %mul3A_705 : i32
      %get3A_707 = arith.index_cast %add3A_706 : i32 to index
      %get3A_708 = tpu.vector_load %arg5[%get3A_707] {strides = array<i32>} : memref<1024xi32, #tpu.memory_space<vmem>>, vector<16xi32>,
      %get3A_709 = vector.shape_cast %get3A_708 : vector<16xi32> to vector<16xi32>
      %slice3A_710 = vector.extract_strided_slice %get3A_709 {offsets = [0], sizes = [1], strides = [1]} : vector<16xi32> to vector<1xi32>
      %squeeze3A_711 = vector.extract %slice3A_710[0] : i32 from vector<1xi32>
      %mul3A_712 = arith.constant 16 : i32
      %mul3A_713 = arith.muli %scan3A_701, %mul3A_712 : i32
      %add3A_714 = arith.constant 0 : i32
      %add3A_715 = arith.addi %mul3A_713, %add3A_714 : i32
      %dma_start3A_716 = arith.constant 0 : i32
      %dma_start3A_717 = tpu.memref_slice %arg10[%add3A_715, %dma_start3A_716] : memref<16x1024xf32, #tpu.memory_space<vmem>> -> memref<1x1024xf32, #tpu.memory_space<vmem>>
      %dma_start3A_718 = tpu.memref_squeeze %dma_start3A_717 : memref<1x1024xf32, #tpu.memory_space<vmem>> -> memref<1024xf32, #tpu.memory_space<vmem>>
      %dma_start3A_719 = arith.constant 0 : i32
      %dma_start3A_720 = tpu.memref_slice %arg6[%squeeze3A_711, %dma_start3A_719] : memref<640x1024xf32, #tpu.memory_space<vmem_shared>> -> memref<1x1024xf32, #tpu.memory_space<vmem_shared>>
      %dma_start3A_721 = tpu.memref_squeeze %dma_start3A_720 : memref<1x1024xf32, #tpu.memory_space<vmem_shared>> -> memref<1024xf32, #tpu.memory_space<vmem_shared>>
      %dma_start3A_722 = arith.constant 0 : i32
      %dma_start3A_723 = tpu.memref_slice %arg10[%add3A_715, %dma_start3A_722] : memref<16x1024xf32, #tpu.memory_space<vmem>> -> memref<1x1024xf32, #tpu.memory_space<vmem>>
      %dma_start3A_724 = tpu.memref_squeeze %dma_start3A_723 : memref<1x1024xf32, #tpu.memory_space<vmem>> -> memref<1024xf32, #tpu.memory_space<vmem>>
      %dma_start3A_725 = arith.constant 0 : i32
      %dma_start3A_726 = tpu.memref_slice %arg6[%squeeze3A_711, %dma_start3A_725] : memref<640x1024xf32, #tpu.memory_space<vmem_shared>> -> memref<1x1024xf32, #tpu.memory_space<vmem_shared>>
      %dma_start3A_727 = tpu.memref_squeeze %dma_start3A_726 : memref<1x1024xf32, #tpu.memory_space<vmem_shared>> -> memref<1024xf32, #tpu.memory_space<vmem_shared>>
      tpu.enqueue_dma source(%dma_start3A_727 : memref<1024xf32, #tpu.memory_space<vmem_shared>>) target(%dma_start3A_724 : memref<1024xf32, #tpu.memory_space<vmem>>) target_semaphore(%arg19 : memref<!tpu.dma_semaphore, #tpu.memory_space<semaphore_mem>>)
      %slice3A_728 = vector.extract_strided_slice %get3A_709 {offsets = [1], sizes = [1], strides = [1]} : vector<16xi32> to vector<1xi32>
      %squeeze3A_729 = vector.extract %slice3A_728[0] : i32 from vector<1xi32>
      %mul3A_730 = arith.constant 16 : i32
      %mul3A_731 = arith.muli %scan3A_701, %mul3A_730 : i32
      %add3A_732 = arith.constant 1 : i32
      %add3A_733 = arith.addi %mul3A_731, %add3A_732 : i32
      %dma_start3A_734 = arith.constant 0 : i32
      %dma_start3A_735 = tpu.memref_slice %arg10[%add3A_733, %dma_start3A_734] : memref<16x1024xf32, #tpu.memory_space<vmem>> -> memref<1x1024xf32, #tpu.memory_space<vmem>>
      %dma_start3A_736 = tpu.memref_squeeze %dma_start3A_735 : memref<1x1024xf32, #tpu.memory_space<vmem>> -> memref<1024xf32, #tpu.memory_space<vmem>>
      %dma_start3A_737 = arith.constant 0 : i32
      %dma_start3A_738 = tpu.memref_slice %arg6[%squeeze3A_729, %dma_start3A_737] : memref<640x1024xf32, #tpu.memory_space<vmem_shared>> -> memref<1x1024xf32, #tpu.memory_space<vmem_shared>>
      %dma_start3A_739 = tpu.memref_squeeze %dma_start3A_738 : memref<1x1024xf32, #tpu.memory_space<vmem_shared>> -> memref<1024xf32, #tpu.memory_space<vmem_shared>>
      %dma_start3A_740 = arith.constant 0 : i32
      %dma_start3A_741 = tpu.memref_slice %arg10[%add3A_733, %dma_start3A_740] : memref<16x1024xf32, #tpu.memory_space<vmem>> -> memref<1x1024xf32, #tpu.memory_space<vmem>>
      %dma_start3A_742 = tpu.memref_squeeze %dma_start3A_741 : memref<1x1024xf32, #tpu.memory_space<vmem>> -> memref<1024xf32, #tpu.memory_space<vmem>>
      %dma_start3A_743 = arith.constant 0 : i32
      %dma_start3A_744 = tpu.memref_slice %arg6[%squeeze3A_729, %dma_start3A_743] : memref<640x1024xf32, #tpu.memory_space<vmem_shared>> -> memref<1x1024xf32, #tpu.memory_space<vmem_shared>>
      %dma_start3A_745 = tpu.memref_squeeze %dma_start3A_744 : memref<1x1024xf32, #tpu.memory_space<vmem_shared>> -> memref<1024xf32, #tpu.memory_space<vmem_shared>>
      tpu.enqueue_dma source(%dma_start3A_745 : memref<1024xf32, #tpu.memory_space<vmem_shared>>) target(%dma_start3A_742 : memref<1024xf32, #tpu.memory_space<vmem>>) target_semaphore(%arg19 : memref<!tpu.dma_semaphore, #tpu.memory_space<semaphore_mem>>)
      %slice3A_746 = vector.extract_strided_slice %get3A_709 {offsets = [2], sizes = [1], strides = [1]} : vector<16xi32> to vector<1xi32>
      %squeeze3A_747 = vector.extract %slice3A_746[0] : i32 from vector<1xi32>
      %mul3A_748 = arith.constant 16 : i32
      %mul3A_749 = arith.muli %scan3A_701, %mul3A_748 : i32
      %add3A_750 = arith.constant 2 : i32
      %add3A_751 = arith.addi %mul3A_749, %add3A_750 : i32
      %dma_start3A_752 = arith.constant 0 : i32
      %dma_start3A_753 = tpu.memref_slice %arg10[%add3A_751, %dma_start3A_752] : memref<16x1024xf32, #tpu.memory_space<vmem>> -> memref<1x1024xf32, #tpu.memory_space<vmem>>
      %dma_start3A_754 = tpu.memref_squeeze %dma_start3A_753 : memref<1x1024xf32, #tpu.memory_space<vmem>> -> memref<1024xf32, #tpu.memory_space<vmem>>
      %dma_start3A_755 = arith.constant 0 : i32
      %dma_start3A_756 = tpu.memref_slice %arg6[%squeeze3A_747, %dma_start3A_755] : memref<640x1024xf32, #tpu.memory_space<vmem_shared>> -> memref<1x1024xf32, #tpu.memory_space<vmem_shared>>
      %dma_start3A_757 = tpu.memref_squeeze %dma_start3A_756 : memref<1x1024xf32, #tpu.memory_space<vmem_shared>> -> memref<1024xf32, #tpu.memory_space<vmem_shared>>
      %dma_start3A_758 = arith.constant 0 : i32
      %dma_start3A_759 = tpu.memref_slice %arg10[%add3A_751, %dma_start3A_758] : memref<16x1024xf32, #tpu.memory_space<vmem>> -> memref<1x1024xf32, #tpu.memory_space<vmem>>
      %dma_start3A_760 = tpu.memref_squeeze %dma_start3A_759 : memref<1x1024xf32, #tpu.memory_space<vmem>> -> memref<1024xf32, #tpu.memory_space<vmem>>
      %dma_start3A_761 = arith.constant 0 : i32
      %dma_start3A_762 = tpu.memref_slice %arg6[%squeeze3A_747, %dma_start3A_761] : memref<640x1024xf32, #tpu.memory_space<vmem_shared>> -> memref<1x1024xf32, #tpu.memory_space<vmem_shared>>
      %dma_start3A_763 = tpu.memref_squeeze %dma_start3A_762 : memref<1x1024xf32, #tpu.memory_space<vmem_shared>> -> memref<1024xf32, #tpu.memory_space<vmem_shared>>
      tpu.enqueue_dma source(%dma_start3A_763 : memref<1024xf32, #tpu.memory_space<vmem_shared>>) target(%dma_start3A_760 : memref<1024xf32, #tpu.memory_space<vmem>>) target_semaphore(%arg19 : memref<!tpu.dma_semaphore, #tpu.memory_space<semaphore_mem>>)
      %slice3A_764 = vector.extract_strided_slice %get3A_709 {offsets = [3], sizes = [1], strides = [1]} : vector<16xi32> to vector<1xi32>
      %squeeze3A_765 = vector.extract %slice3A_764[0] : i32 from vector<1xi32>
      %mul3A_766 = arith.constant 16 : i32
      %mul3A_767 = arith.muli %scan3A_701, %mul3A_766 : i32
      %add3A_768 = arith.constant 3 : i32
      %add3A_769 = arith.addi %mul3A_767, %add3A_768 : i32
      %dma_start3A_770 = arith.constant 0 : i32
      %dma_start3A_771 = tpu.memref_slice %arg10[%add3A_769, %dma_start3A_770] : memref<16x1024xf32, #tpu.memory_space<vmem>> -> memref<1x1024xf32, #tpu.memory_space<vmem>>
      %dma_start3A_772 = tpu.memref_squeeze %dma_start3A_771 : memref<1x1024xf32, #tpu.memory_space<vmem>> -> memref<1024xf32, #tpu.memory_space<vmem>>
      %dma_start3A_773 = arith.constant 0 : i32
      %dma_start3A_774 = tpu.memref_slice %arg6[%squeeze3A_765, %dma_start3A_773] : memref<640x1024xf32, #tpu.memory_space<vmem_shared>> -> memref<1x1024xf32, #tpu.memory_space<vmem_shared>>
      %dma_start3A_775 = tpu.memref_squeeze %dma_start3A_774 : memref<1x1024xf32, #tpu.memory_space<vmem_shared>> -> memref<1024xf32, #tpu.memory_space<vmem_shared>>
      %dma_start3A_776 = arith.constant 0 : i32
      %dma_start3A_777 = tpu.memref_slice %arg10[%add3A_769, %dma_start3A_776] : memref<16x1024xf32, #tpu.memory_space<vmem>> -> memref<1x1024xf32, #tpu.memory_space<vmem>>
      %dma_start3A_778 = tpu.memref_squeeze %dma_start3A_777 : memref<1x1024xf32, #tpu.memory_space<vmem>> -> memref<1024xf32, #tpu.memory_space<vmem>>
      %dma_start3A_779 = arith.constant 0 : i32
      %dma_start3A_780 = tpu.memref_slice %arg6[%squeeze3A_765, %dma_start3A_779] : memref<640x1024xf32, #tpu.memory_space<vmem_shared>> -> memref<1x1024xf32, #tpu.memory_space<vmem_shared>>
      %dma_start3A_781 = tpu.memref_squeeze %dma_start3A_780 : memref<1x1024xf32, #tpu.memory_space<vmem_shared>> -> memref<1024xf32, #tpu.memory_space<vmem_shared>>
      tpu.enqueue_dma source(%dma_start3A_781 : memref<1024xf32, #tpu.memory_space<vmem_shared>>) target(%dma_start3A_778 : memref<1024xf32, #tpu.memory_space<vmem>>) target_semaphore(%arg19 : memref<!tpu.dma_semaphore, #tpu.memory_space<semaphore_mem>>)
      %slice3A_782 = vector.extract_strided_slice %get3A_709 {offsets = [4], sizes = [1], strides = [1]} : vector<16xi32> to vector<1xi32>
      %squeeze3A_783 = vector.extract %slice3A_782[0] : i32 from vector<1xi32>
      %mul3A_784 = arith.constant 16 : i32
      %mul3A_785 = arith.muli %scan3A_701, %mul3A_784 : i32
      %add3A_786 = arith.constant 4 : i32
      %add3A_787 = arith.addi %mul3A_785, %add3A_786 : i32
      %dma_start3A_788 = arith.constant 0 : i32
      %dma_start3A_789 = tpu.memref_slice %arg10[%add3A_787, %dma_start3A_788] : memref<16x1024xf32, #tpu.memory_space<vmem>> -> memref<1x1024xf32, #tpu.memory_space<vmem>>
      %dma_start3A_790 = tpu.memref_squeeze %dma_start3A_789 : memref<1x1024xf32, #tpu.memory_space<vmem>> -> memref<1024xf32, #tpu.memory_space<vmem>>
      %dma_start3A_791 = arith.constant 0 : i32
      %dma_start3A_792 = tpu.memref_slice %arg6[%squeeze3A_783, %dma_start3A_791] : memref<640x1024xf32, #tpu.memory_space<vmem_shared>> -> memref<1x1024xf32, #tpu.memory_space<vmem_shared>>
      %dma_start3A_793 = tpu.memref_squeeze %dma_start3A_792 : memref<1x1024xf32, #tpu.memory_space<vmem_shared>> -> memref<1024xf32, #tpu.memory_space<vmem_shared>>
      %dma_start3A_794 = arith.constant 0 : i32
      %dma_start3A_795 = tpu.memref_slice %arg10[%add3A_787, %dma_start3A_794] : memref<16x1024xf32, #tpu.memory_space<vmem>> -> memref<1x1024xf32, #tpu.memory_space<vmem>>
      %dma_start3A_796 = tpu.memref_squeeze %dma_start3A_795 : memref<1x1024xf32, #tpu.memory_space<vmem>> -> memref<1024xf32, #tpu.memory_space<vmem>>
      %dma_start3A_797 = arith.constant 0 : i32
      %dma_start3A_798 = tpu.memref_slice %arg6[%squeeze3A_783, %dma_start3A_797] : memref<640x1024xf32, #tpu.memory_space<vmem_shared>> -> memref<1x1024xf32, #tpu.memory_space<vmem_shared>>
      %dma_start3A_799 = tpu.memref_squeeze %dma_start3A_798 : memref<1x1024xf32, #tpu.memory_space<vmem_shared>> -> memref<1024xf32, #tpu.memory_space<vmem_shared>>
      tpu.enqueue_dma source(%dma_start3A_799 : memref<1024xf32, #tpu.memory_space<vmem_shared>>) target(%dma_start3A_796 : memref<1024xf32, #tpu.memory_space<vmem>>) target_semaphore(%arg19 : memref<!tpu.dma_semaphore, #tpu.memory_space<semaphore_mem>>)
      %slice3A_800 = vector.extract_strided_slice %get3A_709 {offsets = [5], sizes = [1], strides = [1]} : vector<16xi32> to vector<1xi32>
      %squeeze3A_801 = vector.extract %slice3A_800[0] : i32 from vector<1xi32>
      %mul3A_802 = arith.constant 16 : i32
      %mul3A_803 = arith.muli %scan3A_701, %mul3A_802 : i32
      %add3A_804 = arith.constant 5 : i32
      %add3A_805 = arith.addi %mul3A_803, %add3A_804 : i32
      %dma_start3A_806 = arith.constant 0 : i32
      %dma_start3A_807 = tpu.memref_slice %arg10[%add3A_805, %dma_start3A_806] : memref<16x1024xf32, #tpu.memory_space<vmem>> -> memref<1x1024xf32, #tpu.memory_space<vmem>>
      %dma_start3A_808 = tpu.memref_squeeze %dma_start3A_807 : memref<1x1024xf32, #tpu.memory_space<vmem>> -> memref<1024xf32, #tpu.memory_space<vmem>>
      %dma_start3A_809 = arith.constant 0 : i32
      %dma_start3A_810 = tpu.memref_slice %arg6[%squeeze3A_801, %dma_start3A_809] : memref<640x1024xf32, #tpu.memory_space<vmem_shared>> -> memref<1x1024xf32, #tpu.memory_space<vmem_shared>>
      %dma_start3A_811 = tpu.memref_squeeze %dma_start3A_810 : memref<1x1024xf32, #tpu.memory_space<vmem_shared>> -> memref<1024xf32, #tpu.memory_space<vmem_shared>>
      %dma_start3A_812 = arith.constant 0 : i32
      %dma_start3A_813 = tpu.memref_slice %arg10[%add3A_805, %dma_start3A_812] : memref<16x1024xf32, #tpu.memory_space<vmem>> -> memref<1x1024xf32, #tpu.memory_space<vmem>>
      %dma_start3A_814 = tpu.memref_squeeze %dma_start3A_813 : memref<1x1024xf32, #tpu.memory_space<vmem>> -> memref<1024xf32, #tpu.memory_space<vmem>>
      %dma_start3A_815 = arith.constant 0 : i32
      %dma_start3A_816 = tpu.memref_slice %arg6[%squeeze3A_801, %dma_start3A_815] : memref<640x1024xf32, #tpu.memory_space<vmem_shared>> -> memref<1x1024xf32, #tpu.memory_space<vmem_shared>>
      %dma_start3A_817 = tpu.memref_squeeze %dma_start3A_816 : memref<1x1024xf32, #tpu.memory_space<vmem_shared>> -> memref<1024xf32, #tpu.memory_space<vmem_shared>>
      tpu.enqueue_dma source(%dma_start3A_817 : memref<1024xf32, #tpu.memory_space<vmem_shared>>) target(%dma_start3A_814 : memref<1024xf32, #tpu.memory_space<vmem>>) target_semaphore(%arg19 : memref<!tpu.dma_semaphore, #tpu.memory_space<semaphore_mem>>)
      %slice3A_818 = vector.extract_strided_slice %get3A_709 {offsets = [6], sizes = [1], strides = [1]} : vector<16xi32> to vector<1xi32>
      %squeeze3A_819 = vector.extract %slice3A_818[0] : i32 from vector<1xi32>
      %mul3A_820 = arith.constant 16 : i32
      %mul3A_821 = arith.muli %scan3A_701, %mul3A_820 : i32
      %add3A_822 = arith.constant 6 : i32
      %add3A_823 = arith.addi %mul3A_821, %add3A_822 : i32
      %dma_start3A_824 = arith.constant 0 : i32
      %dma_start3A_825 = tpu.memref_slice %arg10[%add3A_823, %dma_start3A_824] : memref<16x1024xf32, #tpu.memory_space<vmem>> -> memref<1x1024xf32, #tpu.memory_space<vmem>>
      %dma_start3A_826 = tpu.memref_squeeze %dma_start3A_825 : memref<1x1024xf32, #tpu.memory_space<vmem>> -> memref<1024xf32, #tpu.memory_space<vmem>>
      %dma_start3A_827 = arith.constant 0 : i32
      %dma_start3A_828 = tpu.memref_slice %arg6[%squeeze3A_819, %dma_start3A_827] : memref<640x1024xf32, #tpu.memory_space<vmem_shared>> -> memref<1x1024xf32, #tpu.memory_space<vmem_shared>>
      %dma_start3A_829 = tpu.memref_squeeze %dma_start3A_828 : memref<1x1024xf32, #tpu.memory_space<vmem_shared>> -> memref<1024xf32, #tpu.memory_space<vmem_shared>>
      %dma_start3A_830 = arith.constant 0 : i32
      %dma_start3A_831 = tpu.memref_slice %arg10[%add3A_823, %dma_start3A_830] : memref<16x1024xf32, #tpu.memory_space<vmem>> -> memref<1x1024xf32, #tpu.memory_space<vmem>>
      %dma_start3A_832 = tpu.memref_squeeze %dma_start3A_831 : memref<1x1024xf32, #tpu.memory_space<vmem>> -> memref<1024xf32, #tpu.memory_space<vmem>>
      %dma_start3A_833 = arith.constant 0 : i32
      %dma_start3A_834 = tpu.memref_slice %arg6[%squeeze3A_819, %dma_start3A_833] : memref<640x1024xf32, #tpu.memory_space<vmem_shared>> -> memref<1x1024xf32, #tpu.memory_space<vmem_shared>>
      %dma_start3A_835 = tpu.memref_squeeze %dma_start3A_834 : memref<1x1024xf32, #tpu.memory_space<vmem_shared>> -> memref<1024xf32, #tpu.memory_space<vmem_shared>>
      tpu.enqueue_dma source(%dma_start3A_835 : memref<1024xf32, #tpu.memory_space<vmem_shared>>) target(%dma_start3A_832 : memref<1024xf32, #tpu.memory_space<vmem>>) target_semaphore(%arg19 : memref<!tpu.dma_semaphore, #tpu.memory_space<semaphore_mem>>)
      %slice3A_836 = vector.extract_strided_slice %get3A_709 {offsets = [7], sizes = [1], strides = [1]} : vector<16xi32> to vector<1xi32>
      %squeeze3A_837 = vector.extract %slice3A_836[0] : i32 from vector<1xi32>
      %mul3A_838 = arith.constant 16 : i32
      %mul3A_839 = arith.muli %scan3A_701, %mul3A_838 : i32
      %add3A_840 = arith.constant 7 : i32
      %add3A_841 = arith.addi %mul3A_839, %add3A_840 : i32
      %dma_start3A_842 = arith.constant 0 : i32
      %dma_start3A_843 = tpu.memref_slice %arg10[%add3A_841, %dma_start3A_842] : memref<16x1024xf32, #tpu.memory_space<vmem>> -> memref<1x1024xf32, #tpu.memory_space<vmem>>
      %dma_start3A_844 = tpu.memref_squeeze %dma_start3A_843 : memref<1x1024xf32, #tpu.memory_space<vmem>> -> memref<1024xf32, #tpu.memory_space<vmem>>
      %dma_start3A_845 = arith.constant 0 : i32
      %dma_start3A_846 = tpu.memref_slice %arg6[%squeeze3A_837, %dma_start3A_845] : memref<640x1024xf32, #tpu.memory_space<vmem_shared>> -> memref<1x1024xf32, #tpu.memory_space<vmem_shared>>
      %dma_start3A_847 = tpu.memref_squeeze %dma_start3A_846 : memref<1x1024xf32, #tpu.memory_space<vmem_shared>> -> memref<1024xf32, #tpu.memory_space<vmem_shared>>
      %dma_start3A_848 = arith.constant 0 : i32
      %dma_start3A_849 = tpu.memref_slice %arg10[%add3A_841, %dma_start3A_848] : memref<16x1024xf32, #tpu.memory_space<vmem>> -> memref<1x1024xf32, #tpu.memory_space<vmem>>
      %dma_start3A_850 = tpu.memref_squeeze %dma_start3A_849 : memref<1x1024xf32, #tpu.memory_space<vmem>> -> memref<1024xf32, #tpu.memory_space<vmem>>
      %dma_start3A_851 = arith.constant 0 : i32
      %dma_start3A_852 = tpu.memref_slice %arg6[%squeeze3A_837, %dma_start3A_851] : memref<640x1024xf32, #tpu.memory_space<vmem_shared>> -> memref<1x1024xf32, #tpu.memory_space<vmem_shared>>
      %dma_start3A_853 = tpu.memref_squeeze %dma_start3A_852 : memref<1x1024xf32, #tpu.memory_space<vmem_shared>> -> memref<1024xf32, #tpu.memory_space<vmem_shared>>
      tpu.enqueue_dma source(%dma_start3A_853 : memref<1024xf32, #tpu.memory_space<vmem_shared>>) target(%dma_start3A_850 : memref<1024xf32, #tpu.memory_space<vmem>>) target_semaphore(%arg19 : memref<!tpu.dma_semaphore, #tpu.memory_space<semaphore_mem>>)
      %slice3A_854 = vector.extract_strided_slice %get3A_709 {offsets = [8], sizes = [1], strides = [1]} : vector<16xi32> to vector<1xi32>
      %squeeze3A_855 = vector.extract %slice3A_854[0] : i32 from vector<1xi32>
      %mul3A_856 = arith.constant 16 : i32
      %mul3A_857 = arith.muli %scan3A_701, %mul3A_856 : i32
      %add3A_858 = arith.constant 8 : i32
      %add3A_859 = arith.addi %mul3A_857, %add3A_858 : i32
      %dma_start3A_860 = arith.constant 0 : i32
      %dma_start3A_861 = tpu.memref_slice %arg10[%add3A_859, %dma_start3A_860] : memref<16x1024xf32, #tpu.memory_space<vmem>> -> memref<1x1024xf32, #tpu.memory_space<vmem>>
      %dma_start3A_862 = tpu.memref_squeeze %dma_start3A_861 : memref<1x1024xf32, #tpu.memory_space<vmem>> -> memref<1024xf32, #tpu.memory_space<vmem>>
      %dma_start3A_863 = arith.constant 0 : i32
      %dma_start3A_864 = tpu.memref_slice %arg6[%squeeze3A_855, %dma_start3A_863] : memref<640x1024xf32, #tpu.memory_space<vmem_shared>> -> memref<1x1024xf32, #tpu.memory_space<vmem_shared>>
      %dma_start3A_865 = tpu.memref_squeeze %dma_start3A_864 : memref<1x1024xf32, #tpu.memory_space<vmem_shared>> -> memref<1024xf32, #tpu.memory_space<vmem_shared>>
      %dma_start3A_866 = arith.constant 0 : i32
      %dma_start3A_867 = tpu.memref_slice %arg10[%add3A_859, %dma_start3A_866] : memref<16x1024xf32, #tpu.memory_space<vmem>> -> memref<1x1024xf32, #tpu.memory_space<vmem>>
      %dma_start3A_868 = tpu.memref_squeeze %dma_start3A_867 : memref<1x1024xf32, #tpu.memory_space<vmem>> -> memref<1024xf32, #tpu.memory_space<vmem>>
      %dma_start3A_869 = arith.constant 0 : i32
      %dma_start3A_870 = tpu.memref_slice %arg6[%squeeze3A_855, %dma_start3A_869] : memref<640x1024xf32, #tpu.memory_space<vmem_shared>> -> memref<1x1024xf32, #tpu.memory_space<vmem_shared>>
      %dma_start3A_871 = tpu.memref_squeeze %dma_start3A_870 : memref<1x1024xf32, #tpu.memory_space<vmem_shared>> -> memref<1024xf32, #tpu.memory_space<vmem_shared>>
      tpu.enqueue_dma source(%dma_start3A_871 : memref<1024xf32, #tpu.memory_space<vmem_shared>>) target(%dma_start3A_868 : memref<1024xf32, #tpu.memory_space<vmem>>) target_semaphore(%arg19 : memref<!tpu.dma_semaphore, #tpu.memory_space<semaphore_mem>>)
      %slice3A_872 = vector.extract_strided_slice %get3A_709 {offsets = [9], sizes = [1], strides = [1]} : vector<16xi32> to vector<1xi32>
      %squeeze3A_873 = vector.extract %slice3A_872[0] : i32 from vector<1xi32>
      %mul3A_874 = arith.constant 16 : i32
      %mul3A_875 = arith.muli %scan3A_701, %mul3A_874 : i32
      %add3A_876 = arith.constant 9 : i32
      %add3A_877 = arith.addi %mul3A_875, %add3A_876 : i32
      %dma_start3A_878 = arith.constant 0 : i32
      %dma_start3A_879 = tpu.memref_slice %arg10[%add3A_877, %dma_start3A_878] : memref<16x1024xf32, #tpu.memory_space<vmem>> -> memref<1x1024xf32, #tpu.memory_space<vmem>>
      %dma_start3A_880 = tpu.memref_squeeze %dma_start3A_879 : memref<1x1024xf32, #tpu.memory_space<vmem>> -> memref<1024xf32, #tpu.memory_space<vmem>>
      %dma_start3A_881 = arith.constant 0 : i32
      %dma_start3A_882 = tpu.memref_slice %arg6[%squeeze3A_873, %dma_start3A_881] : memref<640x1024xf32, #tpu.memory_space<vmem_shared>> -> memref<1x1024xf32, #tpu.memory_space<vmem_shared>>
      %dma_start3A_883 = tpu.memref_squeeze %dma_start3A_882 : memref<1x1024xf32, #tpu.memory_space<vmem_shared>> -> memref<1024xf32, #tpu.memory_space<vmem_shared>>
      %dma_start3A_884 = arith.constant 0 : i32
      %dma_start3A_885 = tpu.memref_slice %arg10[%add3A_877, %dma_start3A_884] : memref<16x1024xf32, #tpu.memory_space<vmem>> -> memref<1x1024xf32, #tpu.memory_space<vmem>>
      %dma_start3A_886 = tpu.memref_squeeze %dma_start3A_885 : memref<1x1024xf32, #tpu.memory_space<vmem>> -> memref<1024xf32, #tpu.memory_space<vmem>>
      %dma_start3A_887 = arith.constant 0 : i32
      %dma_start3A_888 = tpu.memref_slice %arg6[%squeeze3A_873, %dma_start3A_887] : memref<640x1024xf32, #tpu.memory_space<vmem_shared>> -> memref<1x1024xf32, #tpu.memory_space<vmem_shared>>
      %dma_start3A_889 = tpu.memref_squeeze %dma_start3A_888 : memref<1x1024xf32, #tpu.memory_space<vmem_shared>> -> memref<1024xf32, #tpu.memory_space<vmem_shared>>
      tpu.enqueue_dma source(%dma_start3A_889 : memref<1024xf32, #tpu.memory_space<vmem_shared>>) target(%dma_start3A_886 : memref<1024xf32, #tpu.memory_space<vmem>>) target_semaphore(%arg19 : memref<!tpu.dma_semaphore, #tpu.memory_space<semaphore_mem>>)
      %slice3A_890 = vector.extract_strided_slice %get3A_709 {offsets = [10], sizes = [1], strides = [1]} : vector<16xi32> to vector<1xi32>
      %squeeze3A_891 = vector.extract %slice3A_890[0] : i32 from vector<1xi32>
      %mul3A_892 = arith.constant 16 : i32
      %mul3A_893 = arith.muli %scan3A_701, %mul3A_892 : i32
      %add3A_894 = arith.constant 10 : i32
      %add3A_895 = arith.addi %mul3A_893, %add3A_894 : i32
      %dma_start3A_896 = arith.constant 0 : i32
      %dma_start3A_897 = tpu.memref_slice %arg10[%add3A_895, %dma_start3A_896] : memref<16x1024xf32, #tpu.memory_space<vmem>> -> memref<1x1024xf32, #tpu.memory_space<vmem>>
      %dma_start3A_898 = tpu.memref_squeeze %dma_start3A_897 : memref<1x1024xf32, #tpu.memory_space<vmem>> -> memref<1024xf32, #tpu.memory_space<vmem>>
      %dma_start3A_899 = arith.constant 0 : i32
      %dma_start3A_900 = tpu.memref_slice %arg6[%squeeze3A_891, %dma_start3A_899] : memref<640x1024xf32, #tpu.memory_space<vmem_shared>> -> memref<1x1024xf32, #tpu.memory_space<vmem_shared>>
      %dma_start3A_901 = tpu.memref_squeeze %dma_start3A_900 : memref<1x1024xf32, #tpu.memory_space<vmem_shared>> -> memref<1024xf32, #tpu.memory_space<vmem_shared>>
      %dma_start3A_902 = arith.constant 0 : i32
      %dma_start3A_903 = tpu.memref_slice %arg10[%add3A_895, %dma_start3A_902] : memref<16x1024xf32, #tpu.memory_space<vmem>> -> memref<1x1024xf32, #tpu.memory_space<vmem>>
      %dma_start3A_904 = tpu.memref_squeeze %dma_start3A_903 : memref<1x1024xf32, #tpu.memory_space<vmem>> -> memref<1024xf32, #tpu.memory_space<vmem>>
      %dma_start3A_905 = arith.constant 0 : i32
      %dma_start3A_906 = tpu.memref_slice %arg6[%squeeze3A_891, %dma_start3A_905] : memref<640x1024xf32, #tpu.memory_space<vmem_shared>> -> memref<1x1024xf32, #tpu.memory_space<vmem_shared>>
      %dma_start3A_907 = tpu.memref_squeeze %dma_start3A_906 : memref<1x1024xf32, #tpu.memory_space<vmem_shared>> -> memref<1024xf32, #tpu.memory_space<vmem_shared>>
      tpu.enqueue_dma source(%dma_start3A_907 : memref<1024xf32, #tpu.memory_space<vmem_shared>>) target(%dma_start3A_904 : memref<1024xf32, #tpu.memory_space<vmem>>) target_semaphore(%arg19 : memref<!tpu.dma_semaphore, #tpu.memory_space<semaphore_mem>>)
      %slice3A_908 = vector.extract_strided_slice %get3A_709 {offsets = [11], sizes = [1], strides = [1]} : vector<16xi32> to vector<1xi32>
      %squeeze3A_909 = vector.extract %slice3A_908[0] : i32 from vector<1xi32>
      %mul3A_910 = arith.constant 16 : i32
      %mul3A_911 = arith.muli %scan3A_701, %mul3A_910 : i32
      %add3A_912 = arith.constant 11 : i32
      %add3A_913 = arith.addi %mul3A_911, %add3A_912 : i32
      %dma_start3A_914 = arith.constant 0 : i32
      %dma_start3A_915 = tpu.memref_slice %arg10[%add3A_913, %dma_start3A_914] : memref<16x1024xf32, #tpu.memory_space<vmem>> -> memref<1x1024xf32, #tpu.memory_space<vmem>>
      %dma_start3A_916 = tpu.memref_squeeze %dma_start3A_915 : memref<1x1024xf32, #tpu.memory_space<vmem>> -> memref<1024xf32, #tpu.memory_space<vmem>>
      %dma_start3A_917 = arith.constant 0 : i32
      %dma_start3A_918 = tpu.memref_slice %arg6[%squeeze3A_909, %dma_start3A_917] : memref<640x1024xf32, #tpu.memory_space<vmem_shared>> -> memref<1x1024xf32, #tpu.memory_space<vmem_shared>>
      %dma_start3A_919 = tpu.memref_squeeze %dma_start3A_918 : memref<1x1024xf32, #tpu.memory_space<vmem_shared>> -> memref<1024xf32, #tpu.memory_space<vmem_shared>>
      %dma_start3A_920 = arith.constant 0 : i32
      %dma_start3A_921 = tpu.memref_slice %arg10[%add3A_913, %dma_start3A_920] : memref<16x1024xf32, #tpu.memory_space<vmem>> -> memref<1x1024xf32, #tpu.memory_space<vmem>>
      %dma_start3A_922 = tpu.memref_squeeze %dma_start3A_921 : memref<1x1024xf32, #tpu.memory_space<vmem>> -> memref<1024xf32, #tpu.memory_space<vmem>>
      %dma_start3A_923 = arith.constant 0 : i32
      %dma_start3A_924 = tpu.memref_slice %arg6[%squeeze3A_909, %dma_start3A_923] : memref<640x1024xf32, #tpu.memory_space<vmem_shared>> -> memref<1x1024xf32, #tpu.memory_space<vmem_shared>>
      %dma_start3A_925 = tpu.memref_squeeze %dma_start3A_924 : memref<1x1024xf32, #tpu.memory_space<vmem_shared>> -> memref<1024xf32, #tpu.memory_space<vmem_shared>>
      tpu.enqueue_dma source(%dma_start3A_925 : memref<1024xf32, #tpu.memory_space<vmem_shared>>) target(%dma_start3A_922 : memref<1024xf32, #tpu.memory_space<vmem>>) target_semaphore(%arg19 : memref<!tpu.dma_semaphore, #tpu.memory_space<semaphore_mem>>)
      %slice3A_926 = vector.extract_strided_slice %get3A_709 {offsets = [12], sizes = [1], strides = [1]} : vector<16xi32> to vector<1xi32>
      %squeeze3A_927 = vector.extract %slice3A_926[0] : i32 from vector<1xi32>
      %mul3A_928 = arith.constant 16 : i32
      %mul3A_929 = arith.muli %scan3A_701, %mul3A_928 : i32
      %add3A_930 = arith.constant 12 : i32
      %add3A_931 = arith.addi %mul3A_929, %add3A_930 : i32
      %dma_start3A_932 = arith.constant 0 : i32
      %dma_start3A_933 = tpu.memref_slice %arg10[%add3A_931, %dma_start3A_932] : memref<16x1024xf32, #tpu.memory_space<vmem>> -> memref<1x1024xf32, #tpu.memory_space<vmem>>
      %dma_start3A_934 = tpu.memref_squeeze %dma_start3A_933 : memref<1x1024xf32, #tpu.memory_space<vmem>> -> memref<1024xf32, #tpu.memory_space<vmem>>
      %dma_start3A_935 = arith.constant 0 : i32
      %dma_start3A_936 = tpu.memref_slice %arg6[%squeeze3A_927, %dma_start3A_935] : memref<640x1024xf32, #tpu.memory_space<vmem_shared>> -> memref<1x1024xf32, #tpu.memory_space<vmem_shared>>
      %dma_start3A_937 = tpu.memref_squeeze %dma_start3A_936 : memref<1x1024xf32, #tpu.memory_space<vmem_shared>> -> memref<1024xf32, #tpu.memory_space<vmem_shared>>
      %dma_start3A_938 = arith.constant 0 : i32
      %dma_start3A_939 = tpu.memref_slice %arg10[%add3A_931, %dma_start3A_938] : memref<16x1024xf32, #tpu.memory_space<vmem>> -> memref<1x1024xf32, #tpu.memory_space<vmem>>
      %dma_start3A_940 = tpu.memref_squeeze %dma_start3A_939 : memref<1x1024xf32, #tpu.memory_space<vmem>> -> memref<1024xf32, #tpu.memory_space<vmem>>
      %dma_start3A_941 = arith.constant 0 : i32
      %dma_start3A_942 = tpu.memref_slice %arg6[%squeeze3A_927, %dma_start3A_941] : memref<640x1024xf32, #tpu.memory_space<vmem_shared>> -> memref<1x1024xf32, #tpu.memory_space<vmem_shared>>
      %dma_start3A_943 = tpu.memref_squeeze %dma_start3A_942 : memref<1x1024xf32, #tpu.memory_space<vmem_shared>> -> memref<1024xf32, #tpu.memory_space<vmem_shared>>
      tpu.enqueue_dma source(%dma_start3A_943 : memref<1024xf32, #tpu.memory_space<vmem_shared>>) target(%dma_start3A_940 : memref<1024xf32, #tpu.memory_space<vmem>>) target_semaphore(%arg19 : memref<!tpu.dma_semaphore, #tpu.memory_space<semaphore_mem>>)
      %slice3A_944 = vector.extract_strided_slice %get3A_709 {offsets = [13], sizes = [1], strides = [1]} : vector<16xi32> to vector<1xi32>
      %squeeze3A_945 = vector.extract %slice3A_944[0] : i32 from vector<1xi32>
      %mul3A_946 = arith.constant 16 : i32
      %mul3A_947 = arith.muli %scan3A_701, %mul3A_946 : i32
      %add3A_948 = arith.constant 13 : i32
      %add3A_949 = arith.addi %mul3A_947, %add3A_948 : i32
      %dma_start3A_950 = arith.constant 0 : i32
      %dma_start3A_951 = tpu.memref_slice %arg10[%add3A_949, %dma_start3A_950] : memref<16x1024xf32, #tpu.memory_space<vmem>> -> memref<1x1024xf32, #tpu.memory_space<vmem>>
      %dma_start3A_952 = tpu.memref_squeeze %dma_start3A_951 : memref<1x1024xf32, #tpu.memory_space<vmem>> -> memref<1024xf32, #tpu.memory_space<vmem>>
      %dma_start3A_953 = arith.constant 0 : i32
      %dma_start3A_954 = tpu.memref_slice %arg6[%squeeze3A_945, %dma_start3A_953] : memref<640x1024xf32, #tpu.memory_space<vmem_shared>> -> memref<1x1024xf32, #tpu.memory_space<vmem_shared>>
      %dma_start3A_955 = tpu.memref_squeeze %dma_start3A_954 : memref<1x1024xf32, #tpu.memory_space<vmem_shared>> -> memref<1024xf32, #tpu.memory_space<vmem_shared>>
      %dma_start3A_956 = arith.constant 0 : i32
      %dma_start3A_957 = tpu.memref_slice %arg10[%add3A_949, %dma_start3A_956] : memref<16x1024xf32, #tpu.memory_space<vmem>> -> memref<1x1024xf32, #tpu.memory_space<vmem>>
      %dma_start3A_958 = tpu.memref_squeeze %dma_start3A_957 : memref<1x1024xf32, #tpu.memory_space<vmem>> -> memref<1024xf32, #tpu.memory_space<vmem>>
      %dma_start3A_959 = arith.constant 0 : i32
      %dma_start3A_960 = tpu.memref_slice %arg6[%squeeze3A_945, %dma_start3A_959] : memref<640x1024xf32, #tpu.memory_space<vmem_shared>> -> memref<1x1024xf32, #tpu.memory_space<vmem_shared>>
      %dma_start3A_961 = tpu.memref_squeeze %dma_start3A_960 : memref<1x1024xf32, #tpu.memory_space<vmem_shared>> -> memref<1024xf32, #tpu.memory_space<vmem_shared>>
      tpu.enqueue_dma source(%dma_start3A_961 : memref<1024xf32, #tpu.memory_space<vmem_shared>>) target(%dma_start3A_958 : memref<1024xf32, #tpu.memory_space<vmem>>) target_semaphore(%arg19 : memref<!tpu.dma_semaphore, #tpu.memory_space<semaphore_mem>>)
      %slice3A_962 = vector.extract_strided_slice %get3A_709 {offsets = [14], sizes = [1], strides = [1]} : vector<16xi32> to vector<1xi32>
      %squeeze3A_963 = vector.extract %slice3A_962[0] : i32 from vector<1xi32>
      %mul3A_964 = arith.constant 16 : i32
      %mul3A_965 = arith.muli %scan3A_701, %mul3A_964 : i32
      %add3A_966 = arith.constant 14 : i32
      %add3A_967 = arith.addi %mul3A_965, %add3A_966 : i32
      %dma_start3A_968 = arith.constant 0 : i32
      %dma_start3A_969 = tpu.memref_slice %arg10[%add3A_967, %dma_start3A_968] : memref<16x1024xf32, #tpu.memory_space<vmem>> -> memref<1x1024xf32, #tpu.memory_space<vmem>>
      %dma_start3A_970 = tpu.memref_squeeze %dma_start3A_969 : memref<1x1024xf32, #tpu.memory_space<vmem>> -> memref<1024xf32, #tpu.memory_space<vmem>>
      %dma_start3A_971 = arith.constant 0 : i32
      %dma_start3A_972 = tpu.memref_slice %arg6[%squeeze3A_963, %dma_start3A_971] : memref<640x1024xf32, #tpu.memory_space<vmem_shared>> -> memref<1x1024xf32, #tpu.memory_space<vmem_shared>>
      %dma_start3A_973 = tpu.memref_squeeze %dma_start3A_972 : memref<1x1024xf32, #tpu.memory_space<vmem_shared>> -> memref<1024xf32, #tpu.memory_space<vmem_shared>>
      %dma_start3A_974 = arith.constant 0 : i32
      %dma_start3A_975 = tpu.memref_slice %arg10[%add3A_967, %dma_start3A_974] : memref<16x1024xf32, #tpu.memory_space<vmem>> -> memref<1x1024xf32, #tpu.memory_space<vmem>>
      %dma_start3A_976 = tpu.memref_squeeze %dma_start3A_975 : memref<1x1024xf32, #tpu.memory_space<vmem>> -> memref<1024xf32, #tpu.memory_space<vmem>>
      %dma_start3A_977 = arith.constant 0 : i32
      %dma_start3A_978 = tpu.memref_slice %arg6[%squeeze3A_963, %dma_start3A_977] : memref<640x1024xf32, #tpu.memory_space<vmem_shared>> -> memref<1x1024xf32, #tpu.memory_space<vmem_shared>>
      %dma_start3A_979 = tpu.memref_squeeze %dma_start3A_978 : memref<1x1024xf32, #tpu.memory_space<vmem_shared>> -> memref<1024xf32, #tpu.memory_space<vmem_shared>>
      tpu.enqueue_dma source(%dma_start3A_979 : memref<1024xf32, #tpu.memory_space<vmem_shared>>) target(%dma_start3A_976 : memref<1024xf32, #tpu.memory_space<vmem>>) target_semaphore(%arg19 : memref<!tpu.dma_semaphore, #tpu.memory_space<semaphore_mem>>)
      %slice3A_980 = vector.extract_strided_slice %get3A_709 {offsets = [15], sizes = [1], strides = [1]} : vector<16xi32> to vector<1xi32>
      %squeeze3A_981 = vector.extract %slice3A_980[0] : i32 from vector<1xi32>
      %mul3A_982 = arith.constant 16 : i32
      %mul3A_983 = arith.muli %scan3A_701, %mul3A_982 : i32
      %add3A_984 = arith.constant 15 : i32
      %add3A_985 = arith.addi %mul3A_983, %add3A_984 : i32
      %dma_start3A_986 = arith.constant 0 : i32
      %dma_start3A_987 = tpu.memref_slice %arg10[%add3A_985, %dma_start3A_986] : memref<16x1024xf32, #tpu.memory_space<vmem>> -> memref<1x1024xf32, #tpu.memory_space<vmem>>
      %dma_start3A_988 = tpu.memref_squeeze %dma_start3A_987 : memref<1x1024xf32, #tpu.memory_space<vmem>> -> memref<1024xf32, #tpu.memory_space<vmem>>
      %dma_start3A_989 = arith.constant 0 : i32
      %dma_start3A_990 = tpu.memref_slice %arg6[%squeeze3A_981, %dma_start3A_989] : memref<640x1024xf32, #tpu.memory_space<vmem_shared>> -> memref<1x1024xf32, #tpu.memory_space<vmem_shared>>
      %dma_start3A_991 = tpu.memref_squeeze %dma_start3A_990 : memref<1x1024xf32, #tpu.memory_space<vmem_shared>> -> memref<1024xf32, #tpu.memory_space<vmem_shared>>
      %dma_start3A_992 = arith.constant 0 : i32
      %dma_start3A_993 = tpu.memref_slice %arg10[%add3A_985, %dma_start3A_992] : memref<16x1024xf32, #tpu.memory_space<vmem>> -> memref<1x1024xf32, #tpu.memory_space<vmem>>
      %dma_start3A_994 = tpu.memref_squeeze %dma_start3A_993 : memref<1x1024xf32, #tpu.memory_space<vmem>> -> memref<1024xf32, #tpu.memory_space<vmem>>
      %dma_start3A_995 = arith.constant 0 : i32
      %dma_start3A_996 = tpu.memref_slice %arg6[%squeeze3A_981, %dma_start3A_995] : memref<640x1024xf32, #tpu.memory_space<vmem_shared>> -> memref<1x1024xf32, #tpu.memory_space<vmem_shared>>
      %dma_start3A_997 = tpu.memref_squeeze %dma_start3A_996 : memref<1x1024xf32, #tpu.memory_space<vmem_shared>> -> memref<1024xf32, #tpu.memory_space<vmem_shared>>
      tpu.enqueue_dma source(%dma_start3A_997 : memref<1024xf32, #tpu.memory_space<vmem_shared>>) target(%dma_start3A_994 : memref<1024xf32, #tpu.memory_space<vmem>>) target_semaphore(%arg19 : memref<!tpu.dma_semaphore, #tpu.memory_space<semaphore_mem>>)
      %slice3A_998 = vector.extract_strided_slice %get3A_709 {offsets = [0], sizes = [1], strides = [1]} : vector<16xi32> to vector<1xi32>
      %squeeze3A_999 = vector.extract %slice3A_998[0] : i32 from vector<1xi32>
      %mul3A_1000 = arith.constant 16 : i32
      %mul3A_1001 = arith.muli %scan3A_701, %mul3A_1000 : i32
      %add3A_1002 = arith.constant 0 : i32
      %add3A_1003 = arith.addi %mul3A_1001, %add3A_1002 : i32
      %dma_wait3A_1004 = arith.constant 0 : i32
      %dma_wait3A_1005 = tpu.memref_slice %arg10[%add3A_1003, %dma_wait3A_1004] : memref<16x1024xf32, #tpu.memory_space<vmem>> -> memref<1x1024xf32, #tpu.memory_space<vmem>>
      %dma_wait3A_1006 = tpu.memref_squeeze %dma_wait3A_1005 : memref<1x1024xf32, #tpu.memory_space<vmem>> -> memref<1024xf32, #tpu.memory_space<vmem>>
      %dma_wait3A_1007 = arith.constant 0 : i32
      %dma_wait3A_1008 = tpu.memref_slice %arg6[%squeeze3A_999, %dma_wait3A_1007] : memref<640x1024xf32, #tpu.memory_space<vmem_shared>> -> memref<1x1024xf32, #tpu.memory_space<vmem_shared>>
      %dma_wait3A_1009 = tpu.memref_squeeze %dma_wait3A_1008 : memref<1x1024xf32, #tpu.memory_space<vmem_shared>> -> memref<1024xf32, #tpu.memory_space<vmem_shared>>
      %dma_wait3A_1010 = arith.constant 0 : i32
      %dma_wait3A_1011 = tpu.memref_slice %arg10[%add3A_1003, %dma_wait3A_1010] : memref<16x1024xf32, #tpu.memory_space<vmem>> -> memref<1x1024xf32, #tpu.memory_space<vmem>>
      %dma_wait3A_1012 = tpu.memref_squeeze %dma_wait3A_1011 : memref<1x1024xf32, #tpu.memory_space<vmem>> -> memref<1024xf32, #tpu.memory_space<vmem>>
      %dma_wait3A_1013 = arith.constant 0 : i32
      %dma_wait3A_1014 = tpu.memref_slice %arg6[%squeeze3A_999, %dma_wait3A_1013] : memref<640x1024xf32, #tpu.memory_space<vmem_shared>> -> memref<1x1024xf32, #tpu.memory_space<vmem_shared>>
      %dma_wait3A_1015 = tpu.memref_squeeze %dma_wait3A_1014 : memref<1x1024xf32, #tpu.memory_space<vmem_shared>> -> memref<1024xf32, #tpu.memory_space<vmem_shared>>
      tpu.wait_dma2 semaphore(%arg19 : memref<!tpu.dma_semaphore, #tpu.memory_space<semaphore_mem>>) src(%dma_wait3A_1015 : memref<1024xf32, #tpu.memory_space<vmem_shared>>) dst(%dma_wait3A_1012 : memref<1024xf32, #tpu.memory_space<vmem>>)
      %slice3A_1016 = vector.extract_strided_slice %get3A_709 {offsets = [1], sizes = [1], strides = [1]} : vector<16xi32> to vector<1xi32>
      %squeeze3A_1017 = vector.extract %slice3A_1016[0] : i32 from vector<1xi32>
      %mul3A_1018 = arith.constant 16 : i32
      %mul3A_1019 = arith.muli %scan3A_701, %mul3A_1018 : i32
      %add3A_1020 = arith.constant 1 : i32
      %add3A_1021 = arith.addi %mul3A_1019, %add3A_1020 : i32
      %dma_wait3A_1022 = arith.constant 0 : i32
      %dma_wait3A_1023 = tpu.memref_slice %arg10[%add3A_1021, %dma_wait3A_1022] : memref<16x1024xf32, #tpu.memory_space<vmem>> -> memref<1x1024xf32, #tpu.memory_space<vmem>>
      %dma_wait3A_1024 = tpu.memref_squeeze %dma_wait3A_1023 : memref<1x1024xf32, #tpu.memory_space<vmem>> -> memref<1024xf32, #tpu.memory_space<vmem>>
      %dma_wait3A_1025 = arith.constant 0 : i32
      %dma_wait3A_1026 = tpu.memref_slice %arg6[%squeeze3A_1017, %dma_wait3A_1025] : memref<640x1024xf32, #tpu.memory_space<vmem_shared>> -> memref<1x1024xf32, #tpu.memory_space<vmem_shared>>
      %dma_wait3A_1027 = tpu.memref_squeeze %dma_wait3A_1026 : memref<1x1024xf32, #tpu.memory_space<vmem_shared>> -> memref<1024xf32, #tpu.memory_space<vmem_shared>>
      %dma_wait3A_1028 = arith.constant 0 : i32
      %dma_wait3A_1029 = tpu.memref_slice %arg10[%add3A_1021, %dma_wait3A_1028] : memref<16x1024xf32, #tpu.memory_space<vmem>> -> memref<1x1024xf32, #tpu.memory_space<vmem>>
      %dma_wait3A_1030 = tpu.memref_squeeze %dma_wait3A_1029 : memref<1x1024xf32, #tpu.memory_space<vmem>> -> memref<1024xf32, #tpu.memory_space<vmem>>
      %dma_wait3A_1031 = arith.constant 0 : i32
      %dma_wait3A_1032 = tpu.memref_slice %arg6[%squeeze3A_1017, %dma_wait3A_1031] : memref<640x1024xf32, #tpu.memory_space<vmem_shared>> -> memref<1x1024xf32, #tpu.memory_space<vmem_shared>>
      %dma_wait3A_1033 = tpu.memref_squeeze %dma_wait3A_1032 : memref<1x1024xf32, #tpu.memory_space<vmem_shared>> -> memref<1024xf32, #tpu.memory_space<vmem_shared>>
      tpu.wait_dma2 semaphore(%arg19 : memref<!tpu.dma_semaphore, #tpu.memory_space<semaphore_mem>>) src(%dma_wait3A_1033 : memref<1024xf32, #tpu.memory_space<vmem_shared>>) dst(%dma_wait3A_1030 : memref<1024xf32, #tpu.memory_space<vmem>>)
      %slice3A_1034 = vector.extract_strided_slice %get3A_709 {offsets = [2], sizes = [1], strides = [1]} : vector<16xi32> to vector<1xi32>
      %squeeze3A_1035 = vector.extract %slice3A_1034[0] : i32 from vector<1xi32>
      %mul3A_1036 = arith.constant 16 : i32
      %mul3A_1037 = arith.muli %scan3A_701, %mul3A_1036 : i32
      %add3A_1038 = arith.constant 2 : i32
      %add3A_1039 = arith.addi %mul3A_1037, %add3A_1038 : i32
      %dma_wait3A_1040 = arith.constant 0 : i32
      %dma_wait3A_1041 = tpu.memref_slice %arg10[%add3A_1039, %dma_wait3A_1040] : memref<16x1024xf32, #tpu.memory_space<vmem>> -> memref<1x1024xf32, #tpu.memory_space<vmem>>
      %dma_wait3A_1042 = tpu.memref_squeeze %dma_wait3A_1041 : memref<1x1024xf32, #tpu.memory_space<vmem>> -> memref<1024xf32, #tpu.memory_space<vmem>>
      %dma_wait3A_1043 = arith.constant 0 : i32
      %dma_wait3A_1044 = tpu.memref_slice %arg6[%squeeze3A_1035, %dma_wait3A_1043] : memref<640x1024xf32, #tpu.memory_space<vmem_shared>> -> memref<1x1024xf32, #tpu.memory_space<vmem_shared>>
      %dma_wait3A_1045 = tpu.memref_squeeze %dma_wait3A_1044 : memref<1x1024xf32, #tpu.memory_space<vmem_shared>> -> memref<1024xf32, #tpu.memory_space<vmem_shared>>
      %dma_wait3A_1046 = arith.constant 0 : i32
      %dma_wait3A_1047 = tpu.memref_slice %arg10[%add3A_1039, %dma_wait3A_1046] : memref<16x1024xf32, #tpu.memory_space<vmem>> -> memref<1x1024xf32, #tpu.memory_space<vmem>>
      %dma_wait3A_1048 = tpu.memref_squeeze %dma_wait3A_1047 : memref<1x1024xf32, #tpu.memory_space<vmem>> -> memref<1024xf32, #tpu.memory_space<vmem>>
      %dma_wait3A_1049 = arith.constant 0 : i32
      %dma_wait3A_1050 = tpu.memref_slice %arg6[%squeeze3A_1035, %dma_wait3A_1049] : memref<640x1024xf32, #tpu.memory_space<vmem_shared>> -> memref<1x1024xf32, #tpu.memory_space<vmem_shared>>
      %dma_wait3A_1051 = tpu.memref_squeeze %dma_wait3A_1050 : memref<1x1024xf32, #tpu.memory_space<vmem_shared>> -> memref<1024xf32, #tpu.memory_space<vmem_shared>>
      tpu.wait_dma2 semaphore(%arg19 : memref<!tpu.dma_semaphore, #tpu.memory_space<semaphore_mem>>) src(%dma_wait3A_1051 : memref<1024xf32, #tpu.memory_space<vmem_shared>>) dst(%dma_wait3A_1048 : memref<1024xf32, #tpu.memory_space<vmem>>)
      %slice3A_1052 = vector.extract_strided_slice %get3A_709 {offsets = [3], sizes = [1], strides = [1]} : vector<16xi32> to vector<1xi32>
      %squeeze3A_1053 = vector.extract %slice3A_1052[0] : i32 from vector<1xi32>
      %mul3A_1054 = arith.constant 16 : i32
      %mul3A_1055 = arith.muli %scan3A_701, %mul3A_1054 : i32
      %add3A_1056 = arith.constant 3 : i32
      %add3A_1057 = arith.addi %mul3A_1055, %add3A_1056 : i32
      %dma_wait3A_1058 = arith.constant 0 : i32
      %dma_wait3A_1059 = tpu.memref_slice %arg10[%add3A_1057, %dma_wait3A_1058] : memref<16x1024xf32, #tpu.memory_space<vmem>> -> memref<1x1024xf32, #tpu.memory_space<vmem>>
      %dma_wait3A_1060 = tpu.memref_squeeze %dma_wait3A_1059 : memref<1x1024xf32, #tpu.memory_space<vmem>> -> memref<1024xf32, #tpu.memory_space<vmem>>
      %dma_wait3A_1061 = arith.constant 0 : i32
      %dma_wait3A_1062 = tpu.memref_slice %arg6[%squeeze3A_1053, %dma_wait3A_1061] : memref<640x1024xf32, #tpu.memory_space<vmem_shared>> -> memref<1x1024xf32, #tpu.memory_space<vmem_shared>>
      %dma_wait3A_1063 = tpu.memref_squeeze %dma_wait3A_1062 : memref<1x1024xf32, #tpu.memory_space<vmem_shared>> -> memref<1024xf32, #tpu.memory_space<vmem_shared>>
      %dma_wait3A_1064 = arith.constant 0 : i32
      %dma_wait3A_1065 = tpu.memref_slice %arg10[%add3A_1057, %dma_wait3A_1064] : memref<16x1024xf32, #tpu.memory_space<vmem>> -> memref<1x1024xf32, #tpu.memory_space<vmem>>
      %dma_wait3A_1066 = tpu.memref_squeeze %dma_wait3A_1065 : memref<1x1024xf32, #tpu.memory_space<vmem>> -> memref<1024xf32, #tpu.memory_space<vmem>>
      %dma_wait3A_1067 = arith.constant 0 : i32
      %dma_wait3A_1068 = tpu.memref_slice %arg6[%squeeze3A_1053, %dma_wait3A_1067] : memref<640x1024xf32, #tpu.memory_space<vmem_shared>> -> memref<1x1024xf32, #tpu.memory_space<vmem_shared>>
      %dma_wait3A_1069 = tpu.memref_squeeze %dma_wait3A_1068 : memref<1x1024xf32, #tpu.memory_space<vmem_shared>> -> memref<1024xf32, #tpu.memory_space<vmem_shared>>
      tpu.wait_dma2 semaphore(%arg19 : memref<!tpu.dma_semaphore, #tpu.memory_space<semaphore_mem>>) src(%dma_wait3A_1069 : memref<1024xf32, #tpu.memory_space<vmem_shared>>) dst(%dma_wait3A_1066 : memref<1024xf32, #tpu.memory_space<vmem>>)
      %slice3A_1070 = vector.extract_strided_slice %get3A_709 {offsets = [4], sizes = [1], strides = [1]} : vector<16xi32> to vector<1xi32>
      %squeeze3A_1071 = vector.extract %slice3A_1070[0] : i32 from vector<1xi32>
      %mul3A_1072 = arith.constant 16 : i32
      %mul3A_1073 = arith.muli %scan3A_701, %mul3A_1072 : i32
      %add3A_1074 = arith.constant 4 : i32
      %add3A_1075 = arith.addi %mul3A_1073, %add3A_1074 : i32
      %dma_wait3A_1076 = arith.constant 0 : i32
      %dma_wait3A_1077 = tpu.memref_slice %arg10[%add3A_1075, %dma_wait3A_1076] : memref<16x1024xf32, #tpu.memory_space<vmem>> -> memref<1x1024xf32, #tpu.memory_space<vmem>>
      %dma_wait3A_1078 = tpu.memref_squeeze %dma_wait3A_1077 : memref<1x1024xf32, #tpu.memory_space<vmem>> -> memref<1024xf32, #tpu.memory_space<vmem>>
      %dma_wait3A_1079 = arith.constant 0 : i32
      %dma_wait3A_1080 = tpu.memref_slice %arg6[%squeeze3A_1071, %dma_wait3A_1079] : memref<640x1024xf32, #tpu.memory_space<vmem_shared>> -> memref<1x1024xf32, #tpu.memory_space<vmem_shared>>
      %dma_wait3A_1081 = tpu.memref_squeeze %dma_wait3A_1080 : memref<1x1024xf32, #tpu.memory_space<vmem_shared>> -> memref<1024xf32, #tpu.memory_space<vmem_shared>>
      %dma_wait3A_1082 = arith.constant 0 : i32
      %dma_wait3A_1083 = tpu.memref_slice %arg10[%add3A_1075, %dma_wait3A_1082] : memref<16x1024xf32, #tpu.memory_space<vmem>> -> memref<1x1024xf32, #tpu.memory_space<vmem>>
      %dma_wait3A_1084 = tpu.memref_squeeze %dma_wait3A_1083 : memref<1x1024xf32, #tpu.memory_space<vmem>> -> memref<1024xf32, #tpu.memory_space<vmem>>
      %dma_wait3A_1085 = arith.constant 0 : i32
      %dma_wait3A_1086 = tpu.memref_slice %arg6[%squeeze3A_1071, %dma_wait3A_1085] : memref<640x1024xf32, #tpu.memory_space<vmem_shared>> -> memref<1x1024xf32, #tpu.memory_space<vmem_shared>>
      %dma_wait3A_1087 = tpu.memref_squeeze %dma_wait3A_1086 : memref<1x1024xf32, #tpu.memory_space<vmem_shared>> -> memref<1024xf32, #tpu.memory_space<vmem_shared>>
      tpu.wait_dma2 semaphore(%arg19 : memref<!tpu.dma_semaphore, #tpu.memory_space<semaphore_mem>>) src(%dma_wait3A_1087 : memref<1024xf32, #tpu.memory_space<vmem_shared>>) dst(%dma_wait3A_1084 : memref<1024xf32, #tpu.memory_space<vmem>>)
      %slice3A_1088 = vector.extract_strided_slice %get3A_709 {offsets = [5], sizes = [1], strides = [1]} : vector<16xi32> to vector<1xi32>
      %squeeze3A_1089 = vector.extract %slice3A_1088[0] : i32 from vector<1xi32>
      %mul3A_1090 = arith.constant 16 : i32
      %mul3A_1091 = arith.muli %scan3A_701, %mul3A_1090 : i32
      %add3A_1092 = arith.constant 5 : i32
      %add3A_1093 = arith.addi %mul3A_1091, %add3A_1092 : i32
      %dma_wait3A_1094 = arith.constant 0 : i32
      %dma_wait3A_1095 = tpu.memref_slice %arg10[%add3A_1093, %dma_wait3A_1094] : memref<16x1024xf32, #tpu.memory_space<vmem>> -> memref<1x1024xf32, #tpu.memory_space<vmem>>
      %dma_wait3A_1096 = tpu.memref_squeeze %dma_wait3A_1095 : memref<1x1024xf32, #tpu.memory_space<vmem>> -> memref<1024xf32, #tpu.memory_space<vmem>>
      %dma_wait3A_1097 = arith.constant 0 : i32
      %dma_wait3A_1098 = tpu.memref_slice %arg6[%squeeze3A_1089, %dma_wait3A_1097] : memref<640x1024xf32, #tpu.memory_space<vmem_shared>> -> memref<1x1024xf32, #tpu.memory_space<vmem_shared>>
      %dma_wait3A_1099 = tpu.memref_squeeze %dma_wait3A_1098 : memref<1x1024xf32, #tpu.memory_space<vmem_shared>> -> memref<1024xf32, #tpu.memory_space<vmem_shared>>
      %dma_wait3A_1100 = arith.constant 0 : i32
      %dma_wait3A_1101 = tpu.memref_slice %arg10[%add3A_1093, %dma_wait3A_1100] : memref<16x1024xf32, #tpu.memory_space<vmem>> -> memref<1x1024xf32, #tpu.memory_space<vmem>>
      %dma_wait3A_1102 = tpu.memref_squeeze %dma_wait3A_1101 : memref<1x1024xf32, #tpu.memory_space<vmem>> -> memref<1024xf32, #tpu.memory_space<vmem>>
      %dma_wait3A_1103 = arith.constant 0 : i32
      %dma_wait3A_1104 = tpu.memref_slice %arg6[%squeeze3A_1089, %dma_wait3A_1103] : memref<640x1024xf32, #tpu.memory_space<vmem_shared>> -> memref<1x1024xf32, #tpu.memory_space<vmem_shared>>
      %dma_wait3A_1105 = tpu.memref_squeeze %dma_wait3A_1104 : memref<1x1024xf32, #tpu.memory_space<vmem_shared>> -> memref<1024xf32, #tpu.memory_space<vmem_shared>>
      tpu.wait_dma2 semaphore(%arg19 : memref<!tpu.dma_semaphore, #tpu.memory_space<semaphore_mem>>) src(%dma_wait3A_1105 : memref<1024xf32, #tpu.memory_space<vmem_shared>>) dst(%dma_wait3A_1102 : memref<1024xf32, #tpu.memory_space<vmem>>)
      %slice3A_1106 = vector.extract_strided_slice %get3A_709 {offsets = [6], sizes = [1], strides = [1]} : vector<16xi32> to vector<1xi32>
      %squeeze3A_1107 = vector.extract %slice3A_1106[0] : i32 from vector<1xi32>
      %mul3A_1108 = arith.constant 16 : i32
      %mul3A_1109 = arith.muli %scan3A_701, %mul3A_1108 : i32
      %add3A_1110 = arith.constant 6 : i32
      %add3A_1111 = arith.addi %mul3A_1109, %add3A_1110 : i32
      %dma_wait3A_1112 = arith.constant 0 : i32
      %dma_wait3A_1113 = tpu.memref_slice %arg10[%add3A_1111, %dma_wait3A_1112] : memref<16x1024xf32, #tpu.memory_space<vmem>> -> memref<1x1024xf32, #tpu.memory_space<vmem>>
      %dma_wait3A_1114 = tpu.memref_squeeze %dma_wait3A_1113 : memref<1x1024xf32, #tpu.memory_space<vmem>> -> memref<1024xf32, #tpu.memory_space<vmem>>
      %dma_wait3A_1115 = arith.constant 0 : i32
      %dma_wait3A_1116 = tpu.memref_slice %arg6[%squeeze3A_1107, %dma_wait3A_1115] : memref<640x1024xf32, #tpu.memory_space<vmem_shared>> -> memref<1x1024xf32, #tpu.memory_space<vmem_shared>>
      %dma_wait3A_1117 = tpu.memref_squeeze %dma_wait3A_1116 : memref<1x1024xf32, #tpu.memory_space<vmem_shared>> -> memref<1024xf32, #tpu.memory_space<vmem_shared>>
      %dma_wait3A_1118 = arith.constant 0 : i32
      %dma_wait3A_1119 = tpu.memref_slice %arg10[%add3A_1111, %dma_wait3A_1118] : memref<16x1024xf32, #tpu.memory_space<vmem>> -> memref<1x1024xf32, #tpu.memory_space<vmem>>
      %dma_wait3A_1120 = tpu.memref_squeeze %dma_wait3A_1119 : memref<1x1024xf32, #tpu.memory_space<vmem>> -> memref<1024xf32, #tpu.memory_space<vmem>>
      %dma_wait3A_1121 = arith.constant 0 : i32
      %dma_wait3A_1122 = tpu.memref_slice %arg6[%squeeze3A_1107, %dma_wait3A_1121] : memref<640x1024xf32, #tpu.memory_space<vmem_shared>> -> memref<1x1024xf32, #tpu.memory_space<vmem_shared>>
      %dma_wait3A_1123 = tpu.memref_squeeze %dma_wait3A_1122 : memref<1x1024xf32, #tpu.memory_space<vmem_shared>> -> memref<1024xf32, #tpu.memory_space<vmem_shared>>
      tpu.wait_dma2 semaphore(%arg19 : memref<!tpu.dma_semaphore, #tpu.memory_space<semaphore_mem>>) src(%dma_wait3A_1123 : memref<1024xf32, #tpu.memory_space<vmem_shared>>) dst(%dma_wait3A_1120 : memref<1024xf32, #tpu.memory_space<vmem>>)
      %slice3A_1124 = vector.extract_strided_slice %get3A_709 {offsets = [7], sizes = [1], strides = [1]} : vector<16xi32> to vector<1xi32>
      %squeeze3A_1125 = vector.extract %slice3A_1124[0] : i32 from vector<1xi32>
      %mul3A_1126 = arith.constant 16 : i32
      %mul3A_1127 = arith.muli %scan3A_701, %mul3A_1126 : i32
      %add3A_1128 = arith.constant 7 : i32
      %add3A_1129 = arith.addi %mul3A_1127, %add3A_1128 : i32
      %dma_wait3A_1130 = arith.constant 0 : i32
      %dma_wait3A_1131 = tpu.memref_slice %arg10[%add3A_1129, %dma_wait3A_1130] : memref<16x1024xf32, #tpu.memory_space<vmem>> -> memref<1x1024xf32, #tpu.memory_space<vmem>>
      %dma_wait3A_1132 = tpu.memref_squeeze %dma_wait3A_1131 : memref<1x1024xf32, #tpu.memory_space<vmem>> -> memref<1024xf32, #tpu.memory_space<vmem>>
      %dma_wait3A_1133 = arith.constant 0 : i32
      %dma_wait3A_1134 = tpu.memref_slice %arg6[%squeeze3A_1125, %dma_wait3A_1133] : memref<640x1024xf32, #tpu.memory_space<vmem_shared>> -> memref<1x1024xf32, #tpu.memory_space<vmem_shared>>
      %dma_wait3A_1135 = tpu.memref_squeeze %dma_wait3A_1134 : memref<1x1024xf32, #tpu.memory_space<vmem_shared>> -> memref<1024xf32, #tpu.memory_space<vmem_shared>>
      %dma_wait3A_1136 = arith.constant 0 : i32
      %dma_wait3A_1137 = tpu.memref_slice %arg10[%add3A_1129, %dma_wait3A_1136] : memref<16x1024xf32, #tpu.memory_space<vmem>> -> memref<1x1024xf32, #tpu.memory_space<vmem>>
      %dma_wait3A_1138 = tpu.memref_squeeze %dma_wait3A_1137 : memref<1x1024xf32, #tpu.memory_space<vmem>> -> memref<1024xf32, #tpu.memory_space<vmem>>
      %dma_wait3A_1139 = arith.constant 0 : i32
      %dma_wait3A_1140 = tpu.memref_slice %arg6[%squeeze3A_1125, %dma_wait3A_1139] : memref<640x1024xf32, #tpu.memory_space<vmem_shared>> -> memref<1x1024xf32, #tpu.memory_space<vmem_shared>>
      %dma_wait3A_1141 = tpu.memref_squeeze %dma_wait3A_1140 : memref<1x1024xf32, #tpu.memory_space<vmem_shared>> -> memref<1024xf32, #tpu.memory_space<vmem_shared>>
      tpu.wait_dma2 semaphore(%arg19 : memref<!tpu.dma_semaphore, #tpu.memory_space<semaphore_mem>>) src(%dma_wait3A_1141 : memref<1024xf32, #tpu.memory_space<vmem_shared>>) dst(%dma_wait3A_1138 : memref<1024xf32, #tpu.memory_space<vmem>>)
      %slice3A_1142 = vector.extract_strided_slice %get3A_709 {offsets = [8], sizes = [1], strides = [1]} : vector<16xi32> to vector<1xi32>
      %squeeze3A_1143 = vector.extract %slice3A_1142[0] : i32 from vector<1xi32>
      %mul3A_1144 = arith.constant 16 : i32
      %mul3A_1145 = arith.muli %scan3A_701, %mul3A_1144 : i32
      %add3A_1146 = arith.constant 8 : i32
      %add3A_1147 = arith.addi %mul3A_1145, %add3A_1146 : i32
      %dma_wait3A_1148 = arith.constant 0 : i32
      %dma_wait3A_1149 = tpu.memref_slice %arg10[%add3A_1147, %dma_wait3A_1148] : memref<16x1024xf32, #tpu.memory_space<vmem>> -> memref<1x1024xf32, #tpu.memory_space<vmem>>
      %dma_wait3A_1150 = tpu.memref_squeeze %dma_wait3A_1149 : memref<1x1024xf32, #tpu.memory_space<vmem>> -> memref<1024xf32, #tpu.memory_space<vmem>>
      %dma_wait3A_1151 = arith.constant 0 : i32
      %dma_wait3A_1152 = tpu.memref_slice %arg6[%squeeze3A_1143, %dma_wait3A_1151] : memref<640x1024xf32, #tpu.memory_space<vmem_shared>> -> memref<1x1024xf32, #tpu.memory_space<vmem_shared>>
      %dma_wait3A_1153 = tpu.memref_squeeze %dma_wait3A_1152 : memref<1x1024xf32, #tpu.memory_space<vmem_shared>> -> memref<1024xf32, #tpu.memory_space<vmem_shared>>
      %dma_wait3A_1154 = arith.constant 0 : i32
      %dma_wait3A_1155 = tpu.memref_slice %arg10[%add3A_1147, %dma_wait3A_1154] : memref<16x1024xf32, #tpu.memory_space<vmem>> -> memref<1x1024xf32, #tpu.memory_space<vmem>>
      %dma_wait3A_1156 = tpu.memref_squeeze %dma_wait3A_1155 : memref<1x1024xf32, #tpu.memory_space<vmem>> -> memref<1024xf32, #tpu.memory_space<vmem>>
      %dma_wait3A_1157 = arith.constant 0 : i32
      %dma_wait3A_1158 = tpu.memref_slice %arg6[%squeeze3A_1143, %dma_wait3A_1157] : memref<640x1024xf32, #tpu.memory_space<vmem_shared>> -> memref<1x1024xf32, #tpu.memory_space<vmem_shared>>
      %dma_wait3A_1159 = tpu.memref_squeeze %dma_wait3A_1158 : memref<1x1024xf32, #tpu.memory_space<vmem_shared>> -> memref<1024xf32, #tpu.memory_space<vmem_shared>>
      tpu.wait_dma2 semaphore(%arg19 : memref<!tpu.dma_semaphore, #tpu.memory_space<semaphore_mem>>) src(%dma_wait3A_1159 : memref<1024xf32, #tpu.memory_space<vmem_shared>>) dst(%dma_wait3A_1156 : memref<1024xf32, #tpu.memory_space<vmem>>)
      %slice3A_1160 = vector.extract_strided_slice %get3A_709 {offsets = [9], sizes = [1], strides = [1]} : vector<16xi32> to vector<1xi32>
      %squeeze3A_1161 = vector.extract %slice3A_1160[0] : i32 from vector<1xi32>
      %mul3A_1162 = arith.constant 16 : i32
      %mul3A_1163 = arith.muli %scan3A_701, %mul3A_1162 : i32
      %add3A_1164 = arith.constant 9 : i32
      %add3A_1165 = arith.addi %mul3A_1163, %add3A_1164 : i32
      %dma_wait3A_1166 = arith.constant 0 : i32
      %dma_wait3A_1167 = tpu.memref_slice %arg10[%add3A_1165, %dma_wait3A_1166] : memref<16x1024xf32, #tpu.memory_space<vmem>> -> memref<1x1024xf32, #tpu.memory_space<vmem>>
      %dma_wait3A_1168 = tpu.memref_squeeze %dma_wait3A_1167 : memref<1x1024xf32, #tpu.memory_space<vmem>> -> memref<1024xf32, #tpu.memory_space<vmem>>
      %dma_wait3A_1169 = arith.constant 0 : i32
      %dma_wait3A_1170 = tpu.memref_slice %arg6[%squeeze3A_1161, %dma_wait3A_1169] : memref<640x1024xf32, #tpu.memory_space<vmem_shared>> -> memref<1x1024xf32, #tpu.memory_space<vmem_shared>>
      %dma_wait3A_1171 = tpu.memref_squeeze %dma_wait3A_1170 : memref<1x1024xf32, #tpu.memory_space<vmem_shared>> -> memref<1024xf32, #tpu.memory_space<vmem_shared>>
      %dma_wait3A_1172 = arith.constant 0 : i32
      %dma_wait3A_1173 = tpu.memref_slice %arg10[%add3A_1165, %dma_wait3A_1172] : memref<16x1024xf32, #tpu.memory_space<vmem>> -> memref<1x1024xf32, #tpu.memory_space<vmem>>
      %dma_wait3A_1174 = tpu.memref_squeeze %dma_wait3A_1173 : memref<1x1024xf32, #tpu.memory_space<vmem>> -> memref<1024xf32, #tpu.memory_space<vmem>>
      %dma_wait3A_1175 = arith.constant 0 : i32
      %dma_wait3A_1176 = tpu.memref_slice %arg6[%squeeze3A_1161, %dma_wait3A_1175] : memref<640x1024xf32, #tpu.memory_space<vmem_shared>> -> memref<1x1024xf32, #tpu.memory_space<vmem_shared>>
      %dma_wait3A_1177 = tpu.memref_squeeze %dma_wait3A_1176 : memref<1x1024xf32, #tpu.memory_space<vmem_shared>> -> memref<1024xf32, #tpu.memory_space<vmem_shared>>
      tpu.wait_dma2 semaphore(%arg19 : memref<!tpu.dma_semaphore, #tpu.memory_space<semaphore_mem>>) src(%dma_wait3A_1177 : memref<1024xf32, #tpu.memory_space<vmem_shared>>) dst(%dma_wait3A_1174 : memref<1024xf32, #tpu.memory_space<vmem>>)
      %slice3A_1178 = vector.extract_strided_slice %get3A_709 {offsets = [10], sizes = [1], strides = [1]} : vector<16xi32> to vector<1xi32>
      %squeeze3A_1179 = vector.extract %slice3A_1178[0] : i32 from vector<1xi32>
      %mul3A_1180 = arith.constant 16 : i32
      %mul3A_1181 = arith.muli %scan3A_701, %mul3A_1180 : i32
      %add3A_1182 = arith.constant 10 : i32
      %add3A_1183 = arith.addi %mul3A_1181, %add3A_1182 : i32
      %dma_wait3A_1184 = arith.constant 0 : i32
      %dma_wait3A_1185 = tpu.memref_slice %arg10[%add3A_1183, %dma_wait3A_1184] : memref<16x1024xf32, #tpu.memory_space<vmem>> -> memref<1x1024xf32, #tpu.memory_space<vmem>>
      %dma_wait3A_1186 = tpu.memref_squeeze %dma_wait3A_1185 : memref<1x1024xf32, #tpu.memory_space<vmem>> -> memref<1024xf32, #tpu.memory_space<vmem>>
      %dma_wait3A_1187 = arith.constant 0 : i32
      %dma_wait3A_1188 = tpu.memref_slice %arg6[%squeeze3A_1179, %dma_wait3A_1187] : memref<640x1024xf32, #tpu.memory_space<vmem_shared>> -> memref<1x1024xf32, #tpu.memory_space<vmem_shared>>
      %dma_wait3A_1189 = tpu.memref_squeeze %dma_wait3A_1188 : memref<1x1024xf32, #tpu.memory_space<vmem_shared>> -> memref<1024xf32, #tpu.memory_space<vmem_shared>>
      %dma_wait3A_1190 = arith.constant 0 : i32
      %dma_wait3A_1191 = tpu.memref_slice %arg10[%add3A_1183, %dma_wait3A_1190] : memref<16x1024xf32, #tpu.memory_space<vmem>> -> memref<1x1024xf32, #tpu.memory_space<vmem>>
      %dma_wait3A_1192 = tpu.memref_squeeze %dma_wait3A_1191 : memref<1x1024xf32, #tpu.memory_space<vmem>> -> memref<1024xf32, #tpu.memory_space<vmem>>
      %dma_wait3A_1193 = arith.constant 0 : i32
      %dma_wait3A_1194 = tpu.memref_slice %arg6[%squeeze3A_1179, %dma_wait3A_1193] : memref<640x1024xf32, #tpu.memory_space<vmem_shared>> -> memref<1x1024xf32, #tpu.memory_space<vmem_shared>>
      %dma_wait3A_1195 = tpu.memref_squeeze %dma_wait3A_1194 : memref<1x1024xf32, #tpu.memory_space<vmem_shared>> -> memref<1024xf32, #tpu.memory_space<vmem_shared>>
      tpu.wait_dma2 semaphore(%arg19 : memref<!tpu.dma_semaphore, #tpu.memory_space<semaphore_mem>>) src(%dma_wait3A_1195 : memref<1024xf32, #tpu.memory_space<vmem_shared>>) dst(%dma_wait3A_1192 : memref<1024xf32, #tpu.memory_space<vmem>>)
      %slice3A_1196 = vector.extract_strided_slice %get3A_709 {offsets = [11], sizes = [1], strides = [1]} : vector<16xi32> to vector<1xi32>
      %squeeze3A_1197 = vector.extract %slice3A_1196[0] : i32 from vector<1xi32>
      %mul3A_1198 = arith.constant 16 : i32
      %mul3A_1199 = arith.muli %scan3A_701, %mul3A_1198 : i32
      %add3A_1200 = arith.constant 11 : i32
      %add3A_1201 = arith.addi %mul3A_1199, %add3A_1200 : i32
      %dma_wait3A_1202 = arith.constant 0 : i32
      %dma_wait3A_1203 = tpu.memref_slice %arg10[%add3A_1201, %dma_wait3A_1202] : memref<16x1024xf32, #tpu.memory_space<vmem>> -> memref<1x1024xf32, #tpu.memory_space<vmem>>
      %dma_wait3A_1204 = tpu.memref_squeeze %dma_wait3A_1203 : memref<1x1024xf32, #tpu.memory_space<vmem>> -> memref<1024xf32, #tpu.memory_space<vmem>>
      %dma_wait3A_1205 = arith.constant 0 : i32
      %dma_wait3A_1206 = tpu.memref_slice %arg6[%squeeze3A_1197, %dma_wait3A_1205] : memref<640x1024xf32, #tpu.memory_space<vmem_shared>> -> memref<1x1024xf32, #tpu.memory_space<vmem_shared>>
      %dma_wait3A_1207 = tpu.memref_squeeze %dma_wait3A_1206 : memref<1x1024xf32, #tpu.memory_space<vmem_shared>> -> memref<1024xf32, #tpu.memory_space<vmem_shared>>
      %dma_wait3A_1208 = arith.constant 0 : i32
      %dma_wait3A_1209 = tpu.memref_slice %arg10[%add3A_1201, %dma_wait3A_1208] : memref<16x1024xf32, #tpu.memory_space<vmem>> -> memref<1x1024xf32, #tpu.memory_space<vmem>>
      %dma_wait3A_1210 = tpu.memref_squeeze %dma_wait3A_1209 : memref<1x1024xf32, #tpu.memory_space<vmem>> -> memref<1024xf32, #tpu.memory_space<vmem>>
      %dma_wait3A_1211 = arith.constant 0 : i32
      %dma_wait3A_1212 = tpu.memref_slice %arg6[%squeeze3A_1197, %dma_wait3A_1211] : memref<640x1024xf32, #tpu.memory_space<vmem_shared>> -> memref<1x1024xf32, #tpu.memory_space<vmem_shared>>
      %dma_wait3A_1213 = tpu.memref_squeeze %dma_wait3A_1212 : memref<1x1024xf32, #tpu.memory_space<vmem_shared>> -> memref<1024xf32, #tpu.memory_space<vmem_shared>>
      tpu.wait_dma2 semaphore(%arg19 : memref<!tpu.dma_semaphore, #tpu.memory_space<semaphore_mem>>) src(%dma_wait3A_1213 : memref<1024xf32, #tpu.memory_space<vmem_shared>>) dst(%dma_wait3A_1210 : memref<1024xf32, #tpu.memory_space<vmem>>)
      %slice3A_1214 = vector.extract_strided_slice %get3A_709 {offsets = [12], sizes = [1], strides = [1]} : vector<16xi32> to vector<1xi32>
      %squeeze3A_1215 = vector.extract %slice3A_1214[0] : i32 from vector<1xi32>
      %mul3A_1216 = arith.constant 16 : i32
      %mul3A_1217 = arith.muli %scan3A_701, %mul3A_1216 : i32
      %add3A_1218 = arith.constant 12 : i32
      %add3A_1219 = arith.addi %mul3A_1217, %add3A_1218 : i32
      %dma_wait3A_1220 = arith.constant 0 : i32
      %dma_wait3A_1221 = tpu.memref_slice %arg10[%add3A_1219, %dma_wait3A_1220] : memref<16x1024xf32, #tpu.memory_space<vmem>> -> memref<1x1024xf32, #tpu.memory_space<vmem>>
      %dma_wait3A_1222 = tpu.memref_squeeze %dma_wait3A_1221 : memref<1x1024xf32, #tpu.memory_space<vmem>> -> memref<1024xf32, #tpu.memory_space<vmem>>
      %dma_wait3A_1223 = arith.constant 0 : i32
      %dma_wait3A_1224 = tpu.memref_slice %arg6[%squeeze3A_1215, %dma_wait3A_1223] : memref<640x1024xf32, #tpu.memory_space<vmem_shared>> -> memref<1x1024xf32, #tpu.memory_space<vmem_shared>>
      %dma_wait3A_1225 = tpu.memref_squeeze %dma_wait3A_1224 : memref<1x1024xf32, #tpu.memory_space<vmem_shared>> -> memref<1024xf32, #tpu.memory_space<vmem_shared>>
      %dma_wait3A_1226 = arith.constant 0 : i32
      %dma_wait3A_1227 = tpu.memref_slice %arg10[%add3A_1219, %dma_wait3A_1226] : memref<16x1024xf32, #tpu.memory_space<vmem>> -> memref<1x1024xf32, #tpu.memory_space<vmem>>
      %dma_wait3A_1228 = tpu.memref_squeeze %dma_wait3A_1227 : memref<1x1024xf32, #tpu.memory_space<vmem>> -> memref<1024xf32, #tpu.memory_space<vmem>>
      %dma_wait3A_1229 = arith.constant 0 : i32
      %dma_wait3A_1230 = tpu.memref_slice %arg6[%squeeze3A_1215, %dma_wait3A_1229] : memref<640x1024xf32, #tpu.memory_space<vmem_shared>> -> memref<1x1024xf32, #tpu.memory_space<vmem_shared>>
      %dma_wait3A_1231 = tpu.memref_squeeze %dma_wait3A_1230 : memref<1x1024xf32, #tpu.memory_space<vmem_shared>> -> memref<1024xf32, #tpu.memory_space<vmem_shared>>
      tpu.wait_dma2 semaphore(%arg19 : memref<!tpu.dma_semaphore, #tpu.memory_space<semaphore_mem>>) src(%dma_wait3A_1231 : memref<1024xf32, #tpu.memory_space<vmem_shared>>) dst(%dma_wait3A_1228 : memref<1024xf32, #tpu.memory_space<vmem>>)
      %slice3A_1232 = vector.extract_strided_slice %get3A_709 {offsets = [13], sizes = [1], strides = [1]} : vector<16xi32> to vector<1xi32>
      %squeeze3A_1233 = vector.extract %slice3A_1232[0] : i32 from vector<1xi32>
      %mul3A_1234 = arith.constant 16 : i32
      %mul3A_1235 = arith.muli %scan3A_701, %mul3A_1234 : i32
      %add3A_1236 = arith.constant 13 : i32
      %add3A_1237 = arith.addi %mul3A_1235, %add3A_1236 : i32
      %dma_wait3A_1238 = arith.constant 0 : i32
      %dma_wait3A_1239 = tpu.memref_slice %arg10[%add3A_1237, %dma_wait3A_1238] : memref<16x1024xf32, #tpu.memory_space<vmem>> -> memref<1x1024xf32, #tpu.memory_space<vmem>>
      %dma_wait3A_1240 = tpu.memref_squeeze %dma_wait3A_1239 : memref<1x1024xf32, #tpu.memory_space<vmem>> -> memref<1024xf32, #tpu.memory_space<vmem>>
      %dma_wait3A_1241 = arith.constant 0 : i32
      %dma_wait3A_1242 = tpu.memref_slice %arg6[%squeeze3A_1233, %dma_wait3A_1241] : memref<640x1024xf32, #tpu.memory_space<vmem_shared>> -> memref<1x1024xf32, #tpu.memory_space<vmem_shared>>
      %dma_wait3A_1243 = tpu.memref_squeeze %dma_wait3A_1242 : memref<1x1024xf32, #tpu.memory_space<vmem_shared>> -> memref<1024xf32, #tpu.memory_space<vmem_shared>>
      %dma_wait3A_1244 = arith.constant 0 : i32
      %dma_wait3A_1245 = tpu.memref_slice %arg10[%add3A_1237, %dma_wait3A_1244] : memref<16x1024xf32, #tpu.memory_space<vmem>> -> memref<1x1024xf32, #tpu.memory_space<vmem>>
      %dma_wait3A_1246 = tpu.memref_squeeze %dma_wait3A_1245 : memref<1x1024xf32, #tpu.memory_space<vmem>> -> memref<1024xf32, #tpu.memory_space<vmem>>
      %dma_wait3A_1247 = arith.constant 0 : i32
      %dma_wait3A_1248 = tpu.memref_slice %arg6[%squeeze3A_1233, %dma_wait3A_1247] : memref<640x1024xf32, #tpu.memory_space<vmem_shared>> -> memref<1x1024xf32, #tpu.memory_space<vmem_shared>>
      %dma_wait3A_1249 = tpu.memref_squeeze %dma_wait3A_1248 : memref<1x1024xf32, #tpu.memory_space<vmem_shared>> -> memref<1024xf32, #tpu.memory_space<vmem_shared>>
      tpu.wait_dma2 semaphore(%arg19 : memref<!tpu.dma_semaphore, #tpu.memory_space<semaphore_mem>>) src(%dma_wait3A_1249 : memref<1024xf32, #tpu.memory_space<vmem_shared>>) dst(%dma_wait3A_1246 : memref<1024xf32, #tpu.memory_space<vmem>>)
      %slice3A_1250 = vector.extract_strided_slice %get3A_709 {offsets = [14], sizes = [1], strides = [1]} : vector<16xi32> to vector<1xi32>
      %squeeze3A_1251 = vector.extract %slice3A_1250[0] : i32 from vector<1xi32>
      %mul3A_1252 = arith.constant 16 : i32
      %mul3A_1253 = arith.muli %scan3A_701, %mul3A_1252 : i32
      %add3A_1254 = arith.constant 14 : i32
      %add3A_1255 = arith.addi %mul3A_1253, %add3A_1254 : i32
      %dma_wait3A_1256 = arith.constant 0 : i32
      %dma_wait3A_1257 = tpu.memref_slice %arg10[%add3A_1255, %dma_wait3A_1256] : memref<16x1024xf32, #tpu.memory_space<vmem>> -> memref<1x1024xf32, #tpu.memory_space<vmem>>
      %dma_wait3A_1258 = tpu.memref_squeeze %dma_wait3A_1257 : memref<1x1024xf32, #tpu.memory_space<vmem>> -> memref<1024xf32, #tpu.memory_space<vmem>>
      %dma_wait3A_1259 = arith.constant 0 : i32
      %dma_wait3A_1260 = tpu.memref_slice %arg6[%squeeze3A_1251, %dma_wait3A_1259] : memref<640x1024xf32, #tpu.memory_space<vmem_shared>> -> memref<1x1024xf32, #tpu.memory_space<vmem_shared>>
      %dma_wait3A_1261 = tpu.memref_squeeze %dma_wait3A_1260 : memref<1x1024xf32, #tpu.memory_space<vmem_shared>> -> memref<1024xf32, #tpu.memory_space<vmem_shared>>
      %dma_wait3A_1262 = arith.constant 0 : i32
      %dma_wait3A_1263 = tpu.memref_slice %arg10[%add3A_1255, %dma_wait3A_1262] : memref<16x1024xf32, #tpu.memory_space<vmem>> -> memref<1x1024xf32, #tpu.memory_space<vmem>>
      %dma_wait3A_1264 = tpu.memref_squeeze %dma_wait3A_1263 : memref<1x1024xf32, #tpu.memory_space<vmem>> -> memref<1024xf32, #tpu.memory_space<vmem>>
      %dma_wait3A_1265 = arith.constant 0 : i32
      %dma_wait3A_1266 = tpu.memref_slice %arg6[%squeeze3A_1251, %dma_wait3A_1265] : memref<640x1024xf32, #tpu.memory_space<vmem_shared>> -> memref<1x1024xf32, #tpu.memory_space<vmem_shared>>
      %dma_wait3A_1267 = tpu.memref_squeeze %dma_wait3A_1266 : memref<1x1024xf32, #tpu.memory_space<vmem_shared>> -> memref<1024xf32, #tpu.memory_space<vmem_shared>>
      tpu.wait_dma2 semaphore(%arg19 : memref<!tpu.dma_semaphore, #tpu.memory_space<semaphore_mem>>) src(%dma_wait3A_1267 : memref<1024xf32, #tpu.memory_space<vmem_shared>>) dst(%dma_wait3A_1264 : memref<1024xf32, #tpu.memory_space<vmem>>)
      %slice3A_1268 = vector.extract_strided_slice %get3A_709 {offsets = [15], sizes = [1], strides = [1]} : vector<16xi32> to vector<1xi32>
      %squeeze3A_1269 = vector.extract %slice3A_1268[0] : i32 from vector<1xi32>
      %mul3A_1270 = arith.constant 16 : i32
      %mul3A_1271 = arith.muli %scan3A_701, %mul3A_1270 : i32
      %add3A_1272 = arith.constant 15 : i32
      %add3A_1273 = arith.addi %mul3A_1271, %add3A_1272 : i32
      %dma_wait3A_1274 = arith.constant 0 : i32
      %dma_wait3A_1275 = tpu.memref_slice %arg10[%add3A_1273, %dma_wait3A_1274] : memref<16x1024xf32, #tpu.memory_space<vmem>> -> memref<1x1024xf32, #tpu.memory_space<vmem>>
      %dma_wait3A_1276 = tpu.memref_squeeze %dma_wait3A_1275 : memref<1x1024xf32, #tpu.memory_space<vmem>> -> memref<1024xf32, #tpu.memory_space<vmem>>
      %dma_wait3A_1277 = arith.constant 0 : i32
      %dma_wait3A_1278 = tpu.memref_slice %arg6[%squeeze3A_1269, %dma_wait3A_1277] : memref<640x1024xf32, #tpu.memory_space<vmem_shared>> -> memref<1x1024xf32, #tpu.memory_space<vmem_shared>>
      %dma_wait3A_1279 = tpu.memref_squeeze %dma_wait3A_1278 : memref<1x1024xf32, #tpu.memory_space<vmem_shared>> -> memref<1024xf32, #tpu.memory_space<vmem_shared>>
      %dma_wait3A_1280 = arith.constant 0 : i32
      %dma_wait3A_1281 = tpu.memref_slice %arg10[%add3A_1273, %dma_wait3A_1280] : memref<16x1024xf32, #tpu.memory_space<vmem>> -> memref<1x1024xf32, #tpu.memory_space<vmem>>
      %dma_wait3A_1282 = tpu.memref_squeeze %dma_wait3A_1281 : memref<1x1024xf32, #tpu.memory_space<vmem>> -> memref<1024xf32, #tpu.memory_space<vmem>>
      %dma_wait3A_1283 = arith.constant 0 : i32
      %dma_wait3A_1284 = tpu.memref_slice %arg6[%squeeze3A_1269, %dma_wait3A_1283] : memref<640x1024xf32, #tpu.memory_space<vmem_shared>> -> memref<1x1024xf32, #tpu.memory_space<vmem_shared>>
      %dma_wait3A_1285 = tpu.memref_squeeze %dma_wait3A_1284 : memref<1x1024xf32, #tpu.memory_space<vmem_shared>> -> memref<1024xf32, #tpu.memory_space<vmem_shared>>
      tpu.wait_dma2 semaphore(%arg19 : memref<!tpu.dma_semaphore, #tpu.memory_space<semaphore_mem>>) src(%dma_wait3A_1285 : memref<1024xf32, #tpu.memory_space<vmem_shared>>) dst(%dma_wait3A_1282 : memref<1024xf32, #tpu.memory_space<vmem>>)
      %scan3A_1286 = arith.constant 1 : i32
      %mul3A_1287 = arith.constant 16 : i32
      %mul3A_1288 = arith.muli %add3A_687, %mul3A_1287 : i32
      %add3A_1289 = arith.addi %mul3A_2, %mul3A_1288 : i32
      %dma_start3A_1290 = arith.constant 0 : i32
      %dma_start3A_1291 = tpu.memref_slice %arg4[%add3A_1289, %dma_start3A_1290] : memref<32768x1024xf32, #tpu.memory_space<hbm>> -> memref<16x1024xf32, #tpu.memory_space<hbm>>
      %dma_start3A_1292 = arith.constant 0 : i32
      %dma_start3A_1293 = tpu.memref_slice %arg4[%add3A_1289, %dma_start3A_1292] : memref<32768x1024xf32, #tpu.memory_space<hbm>> -> memref<16x1024xf32, #tpu.memory_space<hbm>>
      tpu.enqueue_dma source(%arg10 : memref<16x1024xf32, #tpu.memory_space<vmem>>) target(%dma_start3A_1293 : memref<16x1024xf32, #tpu.memory_space<hbm>>) target_semaphore(%arg18 : memref<!tpu.dma_semaphore, #tpu.memory_space<semaphore_mem>>)
      %scan3A_1294 = arith.constant 0 : i32
      scf.yield %scan3A_1294 : i32
    }
    %scan3A_19 = arith.constant 16 : i32
    %add3A_20 = arith.constant 960 : i32
    %add3A_21 = arith.addi %mul3A_2, %add3A_20 : i32
    %dma_wait3A = arith.constant 0 : i32
    %dma_wait3A_22 = tpu.memref_slice %arg4[%add3A_21, %dma_wait3A] : memref<32768x1024xf32, #tpu.memory_space<hbm>> -> memref<16x1024xf32, #tpu.memory_space<hbm>>
    %dma_wait3A_23 = arith.constant 0 : i32
    %dma_wait3A_24 = tpu.memref_slice %arg4[%add3A_21, %dma_wait3A_23] : memref<32768x1024xf32, #tpu.memory_space<hbm>> -> memref<16x1024xf32, #tpu.memory_space<hbm>>
    tpu.wait_dma2 semaphore(%arg15 : memref<!tpu.dma_semaphore, #tpu.memory_space<semaphore_mem>>) src(%arg7 : memref<16x1024xf32, #tpu.memory_space<vmem>>) dst(%dma_wait3A_24 : memref<16x1024xf32, #tpu.memory_space<hbm>>)
    %add3A_25 = arith.constant 976 : i32
    %add3A_26 = arith.addi %mul3A_2, %add3A_25 : i32
    %dma_wait3A_27 = arith.constant 0 : i32
    %dma_wait3A_28 = tpu.memref_slice %arg4[%add3A_26, %dma_wait3A_27] : memref<32768x1024xf32, #tpu.memory_space<hbm>> -> memref<16x1024xf32, #tpu.memory_space<hbm>>
    %dma_wait3A_29 = arith.constant 0 : i32
    %dma_wait3A_30 = tpu.memref_slice %arg4[%add3A_26, %dma_wait3A_29] : memref<32768x1024xf32, #tpu.memory_space<hbm>> -> memref<16x1024xf32, #tpu.memory_space<hbm>>
    tpu.wait_dma2 semaphore(%arg16 : memref<!tpu.dma_semaphore, #tpu.memory_space<semaphore_mem>>) src(%arg8 : memref<16x1024xf32, #tpu.memory_space<vmem>>) dst(%dma_wait3A_30 : memref<16x1024xf32, #tpu.memory_space<hbm>>)
    %add3A_31 = arith.constant 992 : i32
    %add3A_32 = arith.addi %mul3A_2, %add3A_31 : i32
    %dma_wait3A_33 = arith.constant 0 : i32
    %dma_wait3A_34 = tpu.memref_slice %arg4[%add3A_32, %dma_wait3A_33] : memref<32768x1024xf32, #tpu.memory_space<hbm>> -> memref<16x1024xf32, #tpu.memory_space<hbm>>
    %dma_wait3A_35 = arith.constant 0 : i32
    %dma_wait3A_36 = tpu.memref_slice %arg4[%add3A_32, %dma_wait3A_35] : memref<32768x1024xf32, #tpu.memory_space<hbm>> -> memref<16x1024xf32, #tpu.memory_space<hbm>>
    tpu.wait_dma2 semaphore(%arg17 : memref<!tpu.dma_semaphore, #tpu.memory_space<semaphore_mem>>) src(%arg9 : memref<16x1024xf32, #tpu.memory_space<vmem>>) dst(%dma_wait3A_36 : memref<16x1024xf32, #tpu.memory_space<hbm>>)
    %add3A_37 = arith.constant 1008 : i32
    %add3A_38 = arith.addi %mul3A_2, %add3A_37 : i32
    %dma_wait3A_39 = arith.constant 0 : i32
    %dma_wait3A_40 = tpu.memref_slice %arg4[%add3A_38, %dma_wait3A_39] : memref<32768x1024xf32, #tpu.memory_space<hbm>> -> memref<16x1024xf32, #tpu.memory_space<hbm>>
    %dma_wait3A_41 = arith.constant 0 : i32
    %dma_wait3A_42 = tpu.memref_slice %arg4[%add3A_38, %dma_wait3A_41] : memref<32768x1024xf32, #tpu.memory_space<hbm>> -> memref<16x1024xf32, #tpu.memory_space<hbm>>
    tpu.wait_dma2 semaphore(%arg18 : memref<!tpu.dma_semaphore, #tpu.memory_space<semaphore_mem>>) src(%arg10 : memref<16x1024xf32, #tpu.memory_space<vmem>>) dst(%dma_wait3A_42 : memref<16x1024xf32, #tpu.memory_space<hbm>>)
    return
  }
}

module attributes {stable_mosaic.version = 14 : i64} {
  func.func @prep(%arg0: memref<40x1024xf32, #tpu.memory_space<vmem>>, %arg1: memref<1x1024xf32, #tpu.memory_space<vmem>>, %arg2: memref<1x1024xf32, #tpu.memory_space<vmem>>, %arg3: memref<4x8192xi32, #tpu.memory_space<vmem>>, %arg4: memref<4x8192xf32, #tpu.memory_space<vmem>>, %arg5: memref<40x1024xf32, #tpu.memory_space<vmem>>, %arg6: memref<4x8192xi32, #tpu.memory_space<vmem>>) attributes {dimension_semantics = [], scalar_prefetch = 0 : i64, scratch_operands = 0 : i64, tpu.core_type = #tpu.core_type<tc>} {
    %get3A = arith.constant 0 : index
    %get3A_0 = arith.constant 0 : index
    %get3A_1 = vector.load %arg0[%get3A, %get3A_0] : memref<40x1024xf32, #tpu.memory_space<vmem>>, vector<40x1024xf32>
    %reduce_sum3A = arith.constant dense<0.000000e+00> : vector<40xf32>
    %reduce_sum3A_2 = vector.multi_reduction <add>, %get3A_1, %reduce_sum3A [1] : vector<40x1024xf32> to vector<40xf32>
    %broadcast_in_dim3A = vector.shape_cast %reduce_sum3A_2 : vector<40xf32> to vector<40x1xf32>
    %div3A = arith.constant 1.024000e+03 : f32
    %div3A_3 = vector.broadcast %div3A : f32 to vector<40x1xf32>
    %div3A_4 = arith.divf %broadcast_in_dim3A, %div3A_3 : vector<40x1xf32>
    %sub3A = vector.broadcast %div3A_4 : vector<40x1xf32> to vector<40x1024xf32>
    %sub3A_5 = arith.subf %get3A_1, %sub3A : vector<40x1024xf32>
    %integer_pow3A = arith.mulf %sub3A_5, %sub3A_5 : vector<40x1024xf32>
    %reduce_sum3A_6 = arith.constant dense<0.000000e+00> : vector<40xf32>
    %reduce_sum3A_7 = vector.multi_reduction <add>, %integer_pow3A, %reduce_sum3A_6 [1] : vector<40x1024xf32> to vector<40xf32>
    %broadcast_in_dim3A_8 = vector.shape_cast %reduce_sum3A_7 : vector<40xf32> to vector<40x1xf32>
    %div3A_9 = arith.constant 1.024000e+03 : f32
    %div3A_10 = vector.broadcast %div3A_9 : f32 to vector<40x1xf32>
    %div3A_11 = arith.divf %broadcast_in_dim3A_8, %div3A_10 : vector<40x1xf32>
    %sub3A_12 = vector.broadcast %div3A_4 : vector<40x1xf32> to vector<40x1024xf32>
    %sub3A_13 = arith.subf %get3A_1, %sub3A_12 : vector<40x1024xf32>
    %add3A = arith.constant 9.99999996E-13 : f32
    %add3A_14 = vector.broadcast %add3A : f32 to vector<40x1xf32>
    %add3A_15 = arith.addf %div3A_11, %add3A_14 : vector<40x1xf32>
    %rsqrt3A = math.rsqrt %add3A_15 : vector<40x1xf32>
    %mul3A = vector.broadcast %rsqrt3A : vector<40x1xf32> to vector<40x1024xf32>
    %mul3A_16 = arith.mulf %sub3A_13, %mul3A : vector<40x1024xf32>
    %get3A_17 = arith.constant 0 : index
    %get3A_18 = arith.constant 0 : index
    %get3A_19 = vector.load %arg1[%get3A_17, %get3A_18] : memref<1x1024xf32, #tpu.memory_space<vmem>>, vector<1x1024xf32>
    %mul3A_20 = vector.broadcast %get3A_19 : vector<1x1024xf32> to vector<40x1024xf32>
    %mul3A_21 = arith.mulf %mul3A_16, %mul3A_20 : vector<40x1024xf32>
    %get3A_22 = arith.constant 0 : index
    %get3A_23 = arith.constant 0 : index
    %get3A_24 = vector.load %arg2[%get3A_22, %get3A_23] : memref<1x1024xf32, #tpu.memory_space<vmem>>, vector<1x1024xf32>
    %add3A_25 = vector.broadcast %get3A_24 : vector<1x1024xf32> to vector<40x1024xf32>
    %add3A_26 = arith.addf %mul3A_21, %add3A_25 : vector<40x1024xf32>
    %iota3A = tpu.iota {dimensions = array<i32: 0>} : vector<40x1024xi32>
    %eq3A = arith.constant 32 : i32
    %eq3A_27 = vector.broadcast %eq3A : i32 to vector<40x1024xi32>
    %eq3A_28 = arith.cmpi eq, %iota3A, %eq3A_27 : vector<40x1024xi32>
    %get3A_29 = arith.constant 0 : index
    %get3A_30 = arith.constant 0 : index
    %get3A_31 = vector.load %arg2[%get3A_29, %get3A_30] : memref<1x1024xf32, #tpu.memory_space<vmem>>, vector<1x1024xf32>
    %broadcast_in_dim3A_32 = vector.shape_cast %get3A_31 : vector<1x1024xf32> to vector<1x1024xf32>
    %broadcast_in_dim3A_33 = vector.broadcast %broadcast_in_dim3A_32 : vector<1x1024xf32> to vector<40x1024xf32>
    %select_n3A = arith.select %eq3A_28, %broadcast_in_dim3A_33, %add3A_26 : vector<40x1024xi1>, vector<40x1024xf32>
    %ge3A = arith.constant 33 : i32
    %ge3A_34 = vector.broadcast %ge3A : i32 to vector<40x1024xi32>
    %ge3A_35 = arith.cmpi sge, %iota3A, %ge3A_34 : vector<40x1024xi32>
    %jit3A = arith.constant 0.000000e+00 : f32
    %broadcast_in_dim3A_36 = vector.broadcast %jit3A : f32 to vector<40x1024xf32>
    %select_n3A_37 = arith.select %ge3A_35, %broadcast_in_dim3A_36, %select_n3A : vector<40x1024xi1>, vector<40x1024xf32>
    %swap3A = arith.constant 0 : index
    %swap3A_38 = arith.constant 0 : index
    %swap3A_39 = vector.load %arg5[%swap3A, %swap3A_38] : memref<40x1024xf32, #tpu.memory_space<vmem>>, vector<40x1024xf32>
    tpu.vector_store %arg5[%swap3A, %swap3A_38], %select_n3A_37 {strides = array<i32>} : memref<40x1024xf32, #tpu.memory_space<vmem>>, vector<40x1024xf32>,
    %get3A_40 = arith.constant 0 : index
    %get3A_41 = arith.constant 0 : index
    %get3A_42 = vector.load %arg4[%get3A_40, %get3A_41] : memref<4x8192xf32, #tpu.memory_space<vmem>>, vector<4x8192xf32>
    %ne3A = arith.constant 0.000000e+00 : f32
    %ne3A_43 = vector.broadcast %ne3A : f32 to vector<4x8192xf32>
    %ne3A_44 = arith.cmpf one, %get3A_42, %ne3A_43 : vector<4x8192xf32>
    %get3A_45 = arith.constant 0 : index
    %get3A_46 = arith.constant 0 : index
    %get3A_47 = vector.load %arg3[%get3A_45, %get3A_46] : memref<4x8192xi32, #tpu.memory_space<vmem>>, vector<4x8192xi32>
    %jit3A_48 = arith.constant 33 : i32
    %broadcast_in_dim3A_49 = vector.broadcast %jit3A_48 : i32 to vector<4x8192xi32>
    %select_n3A_50 = arith.select %ne3A_44, %get3A_47, %broadcast_in_dim3A_49 : vector<4x8192xi1>, vector<4x8192xi32>
    %iota3A_51 = tpu.iota {dimensions = array<i32: 0>} : vector<4x8192xi32>
    %mul3A_52 = arith.constant 8192 : i32
    %mul3A_53 = vector.broadcast %mul3A_52 : i32 to vector<4x8192xi32>
    %mul3A_54 = arith.muli %iota3A_51, %mul3A_53 : vector<4x8192xi32>
    %iota3A_55 = tpu.iota {dimensions = array<i32: 1>} : vector<4x8192xi32>
    %add3A_56 = arith.addi %mul3A_54, %iota3A_55 : vector<4x8192xi32>
    %jit3A_57 = arith.constant 1024 : i32
    %div3A_58 = vector.broadcast %jit3A_57 : i32 to vector<4x8192xi32>
    %div3A_59 = arith.divsi %add3A_56, %div3A_58 : vector<4x8192xi32>
    %sign3A = arith.constant 0 : i32
    %sign3A_60 = vector.broadcast %sign3A : i32 to vector<4x8192xi32>
    %sign3A_61 = arith.cmpi sgt, %add3A_56, %sign3A_60 : vector<4x8192xi32>
    %sign3A_62 = arith.extui %sign3A_61 : vector<4x8192xi1> to vector<4x8192xi32>
    %sign3A_63 = arith.constant 0 : i32
    %sign3A_64 = vector.broadcast %sign3A_63 : i32 to vector<4x8192xi32>
    %sign3A_65 = arith.cmpi slt, %add3A_56, %sign3A_64 : vector<4x8192xi32>
    %sign3A_66 = arith.extui %sign3A_65 : vector<4x8192xi1> to vector<4x8192xi32>
    %sign3A_67 = arith.subi %sign3A_62, %sign3A_66 : vector<4x8192xi32>
    %sign3A_68 = arith.constant 0 : i32
    %sign3A_69 = arith.cmpi sgt, %jit3A_57, %sign3A_68 : i32
    %sign3A_70 = arith.extui %sign3A_69 : i1 to i32
    %sign3A_71 = arith.constant 0 : i32
    %sign3A_72 = arith.cmpi slt, %jit3A_57, %sign3A_71 : i32
    %sign3A_73 = arith.extui %sign3A_72 : i1 to i32
    %sign3A_74 = arith.subi %sign3A_70, %sign3A_73 : i32
    %ne3A_75 = vector.broadcast %sign3A_74 : i32 to vector<4x8192xi32>
    %ne3A_76 = arith.cmpi ne, %sign3A_67, %ne3A_75 : vector<4x8192xi32>
    %rem3A = vector.broadcast %jit3A_57 : i32 to vector<4x8192xi32>
    %rem3A_77 = arith.remsi %add3A_56, %rem3A : vector<4x8192xi32>
    %ne3A_78 = arith.constant 0 : i32
    %ne3A_79 = vector.broadcast %ne3A_78 : i32 to vector<4x8192xi32>
    %ne3A_80 = arith.cmpi ne, %rem3A_77, %ne3A_79 : vector<4x8192xi32>
    %and3A = arith.andi %ne3A_76, %ne3A_80 : vector<4x8192xi1>
    %sub3A_81 = arith.constant 1 : i32
    %sub3A_82 = vector.broadcast %sub3A_81 : i32 to vector<4x8192xi32>
    %sub3A_83 = arith.subi %div3A_59, %sub3A_82 : vector<4x8192xi32>
    %select_n3A_84 = arith.select %and3A, %sub3A_83, %div3A_59 : vector<4x8192xi1>, vector<4x8192xi32>
    %jit3A_85 = arith.constant 2 : i32
    %div3A_86 = vector.broadcast %jit3A_85 : i32 to vector<4x8192xi32>
    %div3A_87 = arith.divsi %select_n3A_84, %div3A_86 : vector<4x8192xi32>
    %sign3A_88 = arith.constant 0 : i32
    %sign3A_89 = vector.broadcast %sign3A_88 : i32 to vector<4x8192xi32>
    %sign3A_90 = arith.cmpi sgt, %select_n3A_84, %sign3A_89 : vector<4x8192xi32>
    %sign3A_91 = arith.extui %sign3A_90 : vector<4x8192xi1> to vector<4x8192xi32>
    %sign3A_92 = arith.constant 0 : i32
    %sign3A_93 = vector.broadcast %sign3A_92 : i32 to vector<4x8192xi32>
    %sign3A_94 = arith.cmpi slt, %select_n3A_84, %sign3A_93 : vector<4x8192xi32>
    %sign3A_95 = arith.extui %sign3A_94 : vector<4x8192xi1> to vector<4x8192xi32>
    %sign3A_96 = arith.subi %sign3A_91, %sign3A_95 : vector<4x8192xi32>
    %sign3A_97 = arith.constant 0 : i32
    %sign3A_98 = arith.cmpi sgt, %jit3A_85, %sign3A_97 : i32
    %sign3A_99 = arith.extui %sign3A_98 : i1 to i32
    %sign3A_100 = arith.constant 0 : i32
    %sign3A_101 = arith.cmpi slt, %jit3A_85, %sign3A_100 : i32
    %sign3A_102 = arith.extui %sign3A_101 : i1 to i32
    %sign3A_103 = arith.subi %sign3A_99, %sign3A_102 : i32
    %ne3A_104 = vector.broadcast %sign3A_103 : i32 to vector<4x8192xi32>
    %ne3A_105 = arith.cmpi ne, %sign3A_96, %ne3A_104 : vector<4x8192xi32>
    %rem3A_106 = vector.broadcast %jit3A_85 : i32 to vector<4x8192xi32>
    %rem3A_107 = arith.remsi %select_n3A_84, %rem3A_106 : vector<4x8192xi32>
    %ne3A_108 = arith.constant 0 : i32
    %ne3A_109 = vector.broadcast %ne3A_108 : i32 to vector<4x8192xi32>
    %ne3A_110 = arith.cmpi ne, %rem3A_107, %ne3A_109 : vector<4x8192xi32>
    %and3A_111 = arith.andi %ne3A_105, %ne3A_110 : vector<4x8192xi1>
    %sub3A_112 = arith.constant 1 : i32
    %sub3A_113 = vector.broadcast %sub3A_112 : i32 to vector<4x8192xi32>
    %sub3A_114 = arith.subi %div3A_87, %sub3A_113 : vector<4x8192xi32>
    %select_n3A_115 = arith.select %and3A_111, %sub3A_114, %div3A_87 : vector<4x8192xi1>, vector<4x8192xi32>
    %mul3A_116 = arith.constant 40 : i32
    %mul3A_117 = vector.broadcast %mul3A_116 : i32 to vector<4x8192xi32>
    %mul3A_118 = arith.muli %select_n3A_115, %mul3A_117 : vector<4x8192xi32>
    %add3A_119 = arith.addi %select_n3A_50, %mul3A_118 : vector<4x8192xi32>
    %swap3A_120 = arith.constant 0 : index
    %swap3A_121 = arith.constant 0 : index
    %swap3A_122 = vector.load %arg6[%swap3A_120, %swap3A_121] : memref<4x8192xi32, #tpu.memory_space<vmem>>, vector<4x8192xi32>
    tpu.vector_store %arg6[%swap3A_120, %swap3A_121], %add3A_119 {strides = array<i32>} : memref<4x8192xi32, #tpu.memory_space<vmem>>, vector<4x8192xi32>,
    return
  }
}

</mosaic_0001>

<sc_bundles>
// kernel: kernel.4.cloned.1.call-start
scs
__scs_entry_jumppad:
0x0: {  	(pc) =	sbr.rel $0x88, $3  }
0x1: {  	(tag) =	ssettag $0x0;
	lr =	simm.s32 $0x1  }
0x2: {  	[smem:$0x3F9C] =	sst lr;
	_ =	strace $0xD0000000  }
0x3: {  	_ = 	snop  }
0x4: {  	_ = 	snop  }
0x5: {  	_ = 	snop  }
0x6: {  	_ = 	snop  }
0x7: {  	_ = 	snop  }
__scs_overlays_trampoline_lowered:
0x8: {  	[smem:$0x3FAB] =	sst s0  }
0x9: {  	[smem:$0x3FAC] =	sst s1  }
0xa: {  	[smem:$0x3FAD] =	sst s2  }
0xb: {  	[smem:$0x3FAE] =	sst s3  }
0xc: {  	[smem:$0x3FAF] =	sst s4  }
0xd: {  	[smem:$0x3FB0] =	sst s5  }
0xe: {  	[smem:$0x3FB1] =	sst s6  }
0xf: {  	[smem:$0x3FB2] =	sst s7  }
0x10: {  	[smem:$0x3FB3] =	sst s8  }
0x11: {  	[smem:$0x3FB4] =	sst s9;
	s0 =	simm.s32 @!p0 $0x0  }
0x12: {  	s1 =	sld [smem:$0x3F9A];
	s0 =	simm.s32 @p0 $0x1  }
0x13: {  	[smem:$0x3FB5] =	sst s0;
	s0 =	simm.s32 @!p1 $0x0  }
0x14: {  	s2 =	sld [smem:$0x3F99];
	s0 =	simm.s32 @p1 $0x1  }
0x15: {  	[smem:$0x3FB6] =	sst s0;
	s0 =	simm.s32 @!p2 $0x0  }
0x16: {  	s3 =	sld [smem:$0x3FDB];
	s0 =	simm.s32 @p2 $0x1  }
0x17: {  	s4 =	simm.s32 $0x1BF5;
	[smem:$0x3FB8] =	sst s0  }
0x18: {  	s0 =	sld [smem:$0x3F9B];
	_ =	swait.ge [sflag:s4], $0x0  }
0x19: {  	s7 =	sld [smem:$0x3F9C]  }
0x1a: {  	s8 =	sadd.s32 $0xFFFFE003, lr  }
0x1b: {  	s9 =	sadd.s32 $0xFFFFFEF7, lr;
	s5 =	simm.s32 $0xFFFFFFFF;
	p2 =	slt.u32 s8, $0xFFFFF086  }
0x1c: {  	p1 =	slt.u32 s9, $0xF7A;
	s5 =	simm.s32 @!p2 $0x0  }
0x1d: {  	s5 =	simm.s32 @p1 $0x1;
	p0 =	seq.s32 s7, s2  }
0x1e: {  	s7 =	smul.u32 @!p0 $0xF7A, s2;
	p2 =	seq.s32 @!p0 s5, $0x0  }
0x1f: {  	s9 =	smul.u32 $0xF7A, s1;
	s8 =	simm.s32 @!p0 $0x1BF5;
	p2 =	por !p2, p0  }
0x20: {  	[sflag:s8] =	ssyncset.s32 @!p0 $0xFFFFF086;
	s6 =	sadd.s32 @!p0 s3, s7;
	s7 =	simm.s32 @!p0 $0x108  }
0x21: {  	s3 =	sadd.s32 s3, s9;
	s6 =	sadd.s32 @!p0 $0x88, s6;
	s7 =	simm.s32 @p2 $0x1082  }
0x22: {  	[simem:s7], [sflag:s8] =	dma.local @!p0 [hbm:s6], $0xF7A  }
0x23: {  	s9 =	sor.u32 $0xD0000000, s2;
	s6 =	simm.s32 $0x108;
	_ =	swait.ge @!p0 [sflag:s8], $0x0  }
0x24: {  	s3 =	sadd.s32 $0x88, s3;
	s6 =	simm.s32 @!p1 $0x1082;
	[sflag:s4] =	ssyncset.s32 $0xFFFFF086  }
0x25: {  	[simem:s6], [sflag:s4] =	dma.local [hbm:s3], $0xF7A  }
0x26: {  	[smem:$0x3F9C] =	sst s1;
	(tag) =	ssettag s2;
	_ =	strace s9  }
0x27: {  	s1 =	sld [smem:$0x3FAC]  }
0x28: {  	s2 =	sld [smem:$0x3FAD]  }
0x29: {  	s4 =	sld [smem:$0x3FAF]  }
0x2a: {  	p0 =	seq.s32 s5, $0x0;
	s5 =	sld [smem:$0x3FB0]  }
0x2b: {  	s6 =	sld [smem:$0x3FB1]  }
0x2c: {  	s7 =	sld [smem:$0x3FB2]  }
0x2d: {  	s3 =	simm.s32 $0x108;
	s8 =	sld [smem:$0x3FB3]  }
0x2e: {  	s3 =	simm.s32 @!p0 $0x1082;
	s9 =	sld [smem:$0x3FB4]  }
0x2f: {  	lr =	sadd.s32 s0, s3;
	s0 =	sld [smem:$0x3FAB]  }
0x30: {  	s3 =	sld [smem:$0x3FAE]  }
0x31: {  	[smem:$0x3FB7] =	sst s10  }
0x32: {  	s10 =	sld [smem:$0x3FB5];
	_ =	sdelay $0x3  }
0x33: {  	p0 =	seq.s32 s10, $0x1;
	s10 =	sld [smem:$0x3FB7];
	_ =	sdelay $0x3  }
0x34: {  	[smem:$0x3FB7] =	sst s10  }
0x35: {  	s10 =	sld [smem:$0x3FB6];
	_ =	sdelay $0x3  }
0x36: {  	p1 =	seq.s32 s10, $0x1;
	s10 =	sld [smem:$0x3FB7];
	_ =	sdelay $0x3  }
0x37: {  	[smem:$0x3FB7] =	sst s10  }
0x38: {  	s10 =	sld [smem:$0x3FB8]  }
0x39: {  	_ = 	snop;
	(pc) =	sbr.ind lr, $3  }
0x3a: {  	_ = 	snop  }
0x3b: {  	_ = 	snop  }
0x3c: {  	p2 =	seq.s32 s10, $0x1;
	s10 =	sld [smem:$0x3FB7]  }
0x3d: {  	_ =	shalt  }
0x3e: {  	_ =	shalt  }
0x3f: {  	_ =	shalt  }
0x40: {  	_ =	shalt  }
0x41: {  	_ =	shalt  }
0x42: {  	_ =	shalt  }
0x43: {  	_ =	shalt  }
0x44: {  	_ =	shalt  }
0x45: {  	_ =	shalt  }
0x46: {  	_ =	shalt  }
0x47: {  	_ =	shalt  }
0x48: {  	_ =	shalt  }
0x49: {  	_ =	shalt  }
0x4a: {  	_ =	shalt  }
0x4b: {  	_ =	shalt  }
0x4c: {  	_ =	shalt  }
0x4d: {  	_ =	shalt  }
0x4e: {  	_ =	shalt  }
0x4f: {  	_ =	shalt  }
0x50: {  	_ =	shalt  }
0x51: {  	_ =	shalt  }
0x52: {  	_ =	shalt  }
0x53: {  	_ =	shalt  }
0x54: {  	_ =	shalt  }
0x55: {  	_ =	shalt  }
0x56: {  	_ =	shalt  }
0x57: {  	_ =	shalt  }
0x58: {  	_ =	shalt  }
0x59: {  	_ =	shalt  }
0x5a: {  	_ =	shalt  }
0x5b: {  	_ =	shalt  }
0x5c: {  	_ =	shalt  }
0x5d: {  	_ =	shalt  }
0x5e: {  	_ =	shalt  }
0x5f: {  	_ =	shalt  }
0x60: {  	_ =	shalt  }
0x61: {  	_ =	shalt  }
0x62: {  	_ =	shalt  }
0x63: {  	_ =	shalt  }
0x64: {  	_ =	shalt  }
0x65: {  	_ =	shalt  }
0x66: {  	_ =	shalt  }
0x67: {  	_ =	shalt  }
0x68: {  	_ =	shalt  }
0x69: {  	_ =	shalt  }
0x6a: {  	_ =	shalt  }
0x6b: {  	_ =	shalt  }
0x6c: {  	_ =	shalt  }
0x6d: {  	_ =	shalt  }
0x6e: {  	_ =	shalt  }
0x6f: {  	_ =	shalt  }
0x70: {  	_ =	shalt  }
0x71: {  	_ =	shalt  }
0x72: {  	_ =	shalt  }
0x73: {  	_ =	shalt  }
0x74: {  	_ =	shalt  }
0x75: {  	_ =	shalt  }
0x76: {  	_ =	shalt  }
0x77: {  	_ =	shalt  }
0x78: {  	_ =	shalt  }
0x79: {  	_ =	shalt  }
0x7a: {  	_ =	shalt  }
0x7b: {  	_ =	shalt  }
0x7c: {  	_ =	shalt  }
0x7d: {  	_ =	shalt  }
0x7e: {  	_ =	shalt  }
0x7f: {  	_ =	shalt  }
0x80: {  	_ =	shalt  }
0x81: {  	_ =	shalt  }
0x82: {  	_ =	shalt  }
0x83: {  	_ =	shalt  }
0x84: {  	_ =	shalt  }
0x85: {  	_ =	shalt  }
0x86: {  	_ =	shalt  }
0x87: {  	_ =	shalt  }
.Lfunc_end0:
.L_simem_size_0:
called_computation_lowered:
.L_overlay_start_0:
0x88: {  	s2 =	sld [smem:$0x3FD9]  }
0x89: {  	s3 =	sld [smem:$0x3FFE];
	_ =	sdelay $0x1  }
0x8a: {  	s1 =	srdreg.scid  }
0x8b: {  	s0 =	sand.u32 $0x1, s1  }
0x8c: {  	s17 =	sshll.u32 s0, $0xA;
	s2 =	sadd.s32 s3, s2  }
0x8d: {  	s2 =	sadd.s32 s2, s17  }
0x8e: {  	[smem:$0x3FC3] =	sst s2  }
0x8f: {  	_ = 	snop  }
0x90: {  	s2 =	sld [smem:$0x3FD0];
	(tm) =	ssettm $0x1  }
0x91: {  	s18 =	sld [smem:$0x3FFB];
	_ =	sdelay $0x3  }
0x92: {  	_ =	strace s18  }
0x93: {  	s3 =	sld [smem:$0x3FFC];
	_ =	sdelay $0x3  }
0x94: {  	_ =	strace s3  }
0x95: {  	s3 =	sld [smem:$0x3FFD];
	_ =	sdelay $0x3  }
0x96: {  	_ =	strace s3  }
0x97: {  	_ =	strace $0x8FFFFFFF  }
0x98: {  	s19 =	sld [smem:$0x3FDB];
	_ =	sdelay $0x1  }
0x99: {  	s4 =	simm.s32 $_scs_section_size  }
0x9a: {  	s5 =	simm.s32 $_size__tile_overlayer_lowered;
	s6 =	simm.s32 $_tile_overlayer_lowered  }
0x9b: {  	s22 =	simm.s32 $0x1BFF;
	s21 =	sshll.u32 s6, $0x1;
	s3 =	sadd.s32 s4, s19  }
0x9c: {  	s7 =	simm.s32 $0x0;
	s20 =	sshll.u32 s5, $0x1;
	s5 =	sadd.s32 s21, s3  }
0x9d: {  	[timem:s7], [sflag:s22] =	dma.local [hbm:s5], s20  }
0x9e: {  	_ =	swait.ge [sflag:s22], s20  }
0x9f: {  	s4 =	ssub.s32 $0x0, s20;
	[sflag:s22] =	ssyncset.done $0x0  }
0xa0: {  	[sflag:s22] =	ssyncadd.s32 s4;
	_ =	sdelay $0x1  }
0xa1: {  	s23 =	simm.s32 $0x1B8B  }
0xa2: {  	_ =	swait.ge [sflag:s23], $0x1  }
0xa3: {  	[sflag:s23] =	ssyncset.done $0x0  }
0xa4: {  	s25 =	simm.s32 $0x1B8E;
	s24 =	sld [smem:$0x3FFE];
	[sflag:s23] =	ssyncadd.s32 $0xFFFFFFFF  }
0xa5: {  	s26 =	simm.s32 $execute0_lowered;
	[smem:$0x3FD2] =	sst s25  }
0xa6: {  	s5 =	sshll.u32 s26, $0x1;
	_ =	strace $0x80000046;
	[dreg:$0x1] =	wrdreg $0xFFFFFFFF  }
0xa7: {  	s28 =	simm.s32 $_size_execute0_lowered;
	s3 =	sadd.s32 s3, s5;
	[dreg:$0x0] =	wrdreg $0x0  }
0xa8: {  	s5 =	sshll.u32 s28, $0x1;
	[dreg:$0x2] =	wrdreg s3  }
0xa9: {  	[dreg:$0x3] =	wrdreg s5  }
0xaa: {  	[dreg:$0x4] =	wrdreg $0xC0  }
0xab: {  	_ =	task [dreg:s7], $0x5FFFF  }
0xac: {  	[dreg:$0x1] =	wrdreg $0xFFFFFFFF  }
0xad: {  	[dreg:$0x0] =	wrdreg $0x60  }
0xae: {  	[dreg:$0x2] =	wrdreg s24  }
0xaf: {  	[dreg:$0x3] =	wrdreg s2  }
0xb0: {  	[dreg:$0x4] =	wrdreg $0x4000  }
0xb1: {  	[dreg:$0x5] =	wrdreg $0x9  }
0xb2: {  	_ =	task.clear_ibuf [dreg:s7], $0x6FFFF;
	_ =	strace $0x90000046  }
0xb3: {  	s29 =	simm.s32 $0x9;
	_ =	strace $0x80000048  }
0xb4: {  	_ =	swait.ge [sflag:s29], $0x1  }
0xb5: {  	[sflag:s29] =	ssyncadd.s32 $0xFFFFFFFF  }
0xb6: {  	_ =	strace $0x90000048  }
0xb7: {  	_ =	sfence  }
0xb8: {  	s30 =	sld [smem:$0x0];
	_ =	sdelay $0x2  }
0xb9: {  	s31 =	sshll.u32 s1, $0xD;
	s1 =	sshrl.u32 s1, $0x2  }
0xba: {  	s3 =	sand.u32 $0x4000, s31;
	s1 =	sadd.s32 s1, s30  }
0xbb: {  	s0 =	sor.u32 s3, s0;
	s1 =	sshll.u32 s1, $0x11  }
0xbc: {  	s0 =	sor.u32 s1, s0  }
0xbd: {  	s0 =	sadd.s32 $0x8F2B, s0  }
0xbe: {  	[sflag:s0] =	ssyncadd.remote.s32 $0x1  }
0xbf: {  	_ =	sfence.sel $0xFFFF  }
0xc0: {  	[dreg:$0x0] =	wrdreg $0xFFFFFFFF;
	(pc) =	sbr.abs _section_cstart, $3  }
0xc1: {  	[dreg:$0x1] =	wrdreg $0xFFFFFFFF  }
0xc2: {  	_ =	task.clear_ibuf [dreg:s7], $0x2FFFF;
	_ =	strace $0x9FFFFFFF  }
0xc3: {  	(tm) =	ssettm $0x7FFFFFFF  }
tec
execute0_lowered:
.L_overlay_start_1:
0x0: {  	(tag) =	ssettag $0x1  }
0x1: {  	s0 =	rddreg [dreg:$0x0];
	s1 =	srdreg.scid  }
0x2: {  	s4 =	rddreg [dreg:$0x1];
	s8 =	stileid.u32;
	s2 =	simm.s32 $0x0  }
0x3: {  	s29 =	simm.s32 $0x1;
	s30 =	simm.s32 $0xE400;
	s31 =	simm.s32 $0x2  }
0x4: {  	s15 =	simm.s32 $0x19F00;
	s16 =	simm.s32 $0x1A300;
	s17 =	simm.s32 $0x18780  }
0x5: {  	s18 =	simm.s32 $0x18B80;
	s19 =	simm.s32 $0x4;
	s21 =	simm.s32 $0x18F80  }
0x6: {  	s20 =	simm.s32 $0x19380;
	s9 =	sand.u32 $0x1, s1;
	s1 =	rddreg [dreg:$0x2]  }
0x7: {  	s22 =	simm.s32 $0x19780;
	s3 =	sshll.u32 s8, $0xB;
	[smem:$0x7FF] =	sst s2  }
0x8: {  	s11 =	sshll.u32 s8, $0x12;
	p0 =	sne.s32 s8, $0x0;
	s8 =	simm.s32 $0x0  }
0x9: {  	s5 =	sshll.u32 s9, $0xA;
	s23 =	ssub.s32 $0x2, s9;
	_ =	strace $0x80000047  }
0xa: {  	s25 =	sadd.s32 s11, s4;
	s26 =	sshll.u32 s9, $0x11;
	s11 =	simm.s32 $0x7  }
0xb: {  	s3 =	sor.u32 s5, s3;
	s7 =	sshrl.u32 s23, $0x1;
	s5 =	sadd.s32 $0x1F00, s0  }
0xc: {  	s9 =	sadd.s32 s26, s25;
	s25 =	simm.s32 $0x1A380;
	s26 =	simm.s32 $0x6  }
0xd: {  	s3 =	sshrl.u32 s3, $0x3;
	s10 =	ssub.s32 s23, s7;
	s7 =	sadd.s32 $0x2100, s0  }
0xe: {  	s23 =	simm.s32 $0x19B80;
	s6 =	sadd.s32 s3, s0;
	s28 =	smax.u32 s10, $0x1  }
0xf: {  	v2 =	vlaneseq.u32;
	s3 =	sadd.s32 $0x1E00, s0;
	s24 =	sadd.s32 $0xE00, s6;
	[dreg:$0x5] =	wrdreg s28  }
0x10: {  	vm0 =	vmmov $0xffff;
	v1 =	vshrl.u32 v2, $0x3;
	s6 =	sadd.s32 $0x2000, s0;
	s0 =	sshrl.u32 @!p0 s1, $0x3;
	[dreg:$0x4] =	wrdreg s24  }
0x11: {  	v0 =	vand.u32 $0x7, v2;
	v2 =	vor.u32 $0x8, v2;
	v1 =	vmul.u32 $0x8, v1;
	[dreg:$0x6] =	wrdreg s0;
	s0 =	simm.s32 $0x16400;
	s24 =	simm.s32 $0x19F80  }
.LBB2_1:
0x12: {  	[dreg:$0x7] =	wrdreg s8  }
0x13: {  	s4 =	simm.s32 @!p0 $0x1C08;
	s8 =	rddreg [dreg:$0x6]  }
0x14: {  	[spmem:s8], [sflag:s4] =	dma.local @!p0 [hbm:s3], $0x14000  }
0x15: {  	s4 =	simm.s32 @!p0 $0x8  }
0x16: {  	_ =	swait.ge @!p0 [sflag:s4], $0x14000  }
0x17: {  	[sflag:s4] =	ssyncset.done @!p0 $0x0  }
0x18: {  	s13 =	simm.s32 $0x8;
	s12 =	rddreg [dreg:$0x4];
	[sflag:s4] =	ssyncadd.s32 @!p0 $0xFFFEC000  }
0x19: {  	[tilespmem:s2], [sflag:$0x8] =	stream.linear.gather [hbm4b:s12+s2], $0x400, $0x38;
	[tilespmem:$0x1A400] =	vst v63  }
0x1a: {  	_ =	swait.ge [sflag:s13], $0x400  }
0x1b: {  	[sflag:s13] =	ssyncset.done $0x0  }
0x1c: {  	[sflag:s13] =	ssyncadd.s32 $0xFFFFFC00  }
0x1d: {  	[bflag:$0x0] =	sbarrier.arrive $0xFFFF  }
0x1e: {  	v3 =	vld [tilespmem:$0x0];
	_ =	sdelay $0x4  }
0x1f: {  	v4 =	vshll.u32 v3, $0x3  }
0x20: {  	v3 =	vand.u32 $0x7, v3;
	v4 =	vand.u32 $0xFFFFFFC0, v4  }
0x21: {  	v3 =	vor.u32 v3, v4  }
0x22: {  	v4 =	vperm.xlane v3, v0;
	_ =	sdelay $0x1  }
0x23: {  	v4 =	vadd.s32 v1, v4;
	_ =	sdelay $0x3  }
0x24: {  	s14 =	simm.s32 $0xA400  }
0x25: {  	[tilespmem:s14], [sflag:$0x1] =	stream.indirect_vreg.gather [hbm4b:s3+s2], $0x80, v4, vm0, $0xb8;
	[tilespmem:$0x1A400] =	vst v63  }
0x26: {  	s8 =	simm.s32 $0xAC00;
	v3 =	vperm.xlane v3, v2  }
0x27: {  	[tilespmem:s8], [sflag:$0x1] =	stream.indirect_vreg.gather [hbm4b:s5+s2], $0x80, v4, vm0, $0xb8;
	[tilespmem:$0x1A400] =	vst v63  }
0x28: {  	s10 =	simm.s32 $0xB400;
	v3 =	vadd.s32 v1, v3  }
0x29: {  	[tilespmem:s10], [sflag:$0x1] =	stream.indirect_vreg.gather [hbm4b:s6+s2], $0x80, v4, vm0, $0xb8;
	[tilespmem:$0x1A400] =	vst v63  }
0x2a: {  	s12 =	simm.s32 $0xBC00  }
0x2b: {  	[tilespmem:s12], [sflag:$0x1] =	stream.indirect_vreg.gather [hbm4b:s7+s2], $0x80, v4, vm0, $0xb8;
	[tilespmem:$0x1A400] =	vst v63  }
0x2c: {  	s13 =	simm.s32 $0xC400  }
0x2d: {  	[tilespmem:s13], [sflag:$0x1] =	stream.indirect_vreg.gather [hbm4b:s3+s2], $0x80, v3, vm0, $0xb8;
	[tilespmem:$0x1A400] =	vst v63  }
0x2e: {  	s14 =	simm.s32 $0xCC00  }
0x2f: {  	[tilespmem:s14], [sflag:$0x1] =	stream.indirect_vreg.gather [hbm4b:s5+s2], $0x80, v3, vm0, $0xb8;
	[tilespmem:$0x1A400] =	vst v63  }
0x30: {  	s8 =	simm.s32 $0xD400  }
0x31: {  	[tilespmem:s8], [sflag:$0x1] =	stream.indirect_vreg.gather [hbm4b:s6+s2], $0x80, v3, vm0, $0xb8;
	[tilespmem:$0x1A400] =	vst v63  }
0x32: {  	s10 =	simm.s32 $0xDC00  }
0x33: {  	[tilespmem:s10], [sflag:$0x1] =	stream.indirect_vreg.gather [hbm4b:s7+s2], $0x80, v3, vm0, $0xb8;
	[tilespmem:$0x1A400] =	vst v63  }
0x34: {  	v3 =	vld [tilespmem:$0x20];
	_ =	sdelay $0x4  }
0x35: {  	v63 =	vshll.u32 v3, $0x3  }
0x36: {  	v3 =	vand.u32 $0x7, v3;
	v4 =	vand.u32 $0xFFFFFFC0, v63  }
0x37: {  	v3 =	vor.u32 v3, v4  }
0x38: {  	v4 =	vperm.xlane v3, v0;
	_ =	sdelay $0x1  }
0x39: {  	v4 =	vadd.s32 v1, v4;
	_ =	sdelay $0x3  }
0x3a: {  	s12 =	simm.s32 $0x12400  }
0x3b: {  	[tilespmem:s12], [sflag:$0x2] =	stream.indirect_vreg.gather [hbm4b:s3+s2], $0x80, v4, vm0, $0xb8;
	[tilespmem:$0x1A400] =	vst v63  }
0x3c: {  	s13 =	simm.s32 $0x12C00;
	v3 =	vperm.xlane v3, v2  }
0x3d: {  	[tilespmem:s13], [sflag:$0x2] =	stream.indirect_vreg.gather [hbm4b:s5+s2], $0x80, v4, vm0, $0xb8;
	[tilespmem:$0x1A400] =	vst v63  }
0x3e: {  	s14 =	simm.s32 $0x13400;
	v3 =	vadd.s32 v1, v3  }
0x3f: {  	[tilespmem:s14], [sflag:$0x2] =	stream.indirect_vreg.gather [hbm4b:s6+s2], $0x80, v4, vm0, $0xb8;
	[tilespmem:$0x1A400] =	vst v63  }
0x40: {  	s8 =	simm.s32 $0x13C00  }
0x41: {  	[tilespmem:s8], [sflag:$0x2] =	stream.indirect_vreg.gather [hbm4b:s7+s2], $0x80, v4, vm0, $0xb8;
	[tilespmem:$0x1A400] =	vst v63  }
0x42: {  	s10 =	simm.s32 $0x14400  }
0x43: {  	[tilespmem:s10], [sflag:$0x2] =	stream.indirect_vreg.gather [hbm4b:s3+s2], $0x80, v3, vm0, $0xb8;
	[tilespmem:$0x1A400] =	vst v63  }
0x44: {  	s12 =	simm.s32 $0x14C00  }
0x45: {  	[tilespmem:s12], [sflag:$0x2] =	stream.indirect_vreg.gather [hbm4b:s5+s2], $0x80, v3, vm0, $0xb8;
	[tilespmem:$0x1A400] =	vst v63  }
0x46: {  	s13 =	simm.s32 $0x15400  }
0x47: {  	[tilespmem:s13], [sflag:$0x2] =	stream.indirect_vreg.gather [hbm4b:s6+s2], $0x80, v3, vm0, $0xb8;
	[tilespmem:$0x1A400] =	vst v63  }
0x48: {  	s28 =	simm.s32 $0x30;
	s4 =	simm.s32 $0x0;
	s14 =	simm.s32 $0x15C00  }
0x49: {  	[tilespmem:s14], [sflag:$0x2] =	stream.indirect_vreg.gather [hbm4b:s7+s2], $0x80, v3, vm0, $0xb8;
	[tilespmem:$0x1A400] =	vst v63  }
.LBB2_2:
0x4a: {  	_ =	swait.ge [sflag:s29], $0x4000  }
0x4b: {  	s8 =	sadd.s32 s4, s9;
	[sflag:s29] =	ssyncset.done $0x0  }
0x4c: {  	s10 =	simm.s32 $0xA400;
	p1 =	seq.s32 s4, $0x1E000;
	[sflag:s29] =	ssyncadd.s32 $0xFFFFC000  }
0x4d: {  	[hbm4b:s8+s2] =	stream.linear.scatter [tilespmem:s10], [sflag:$0x3], $0x4000, $0x38;
	[tilespmem:$0x1A400] =	vst v63  }
0x4e: {  	s10 =	simm.s32 @!p1 $0x3  }
0x4f: {  	_ =	swait.ge @!p1 [sflag:s10], $0x4000  }
0x50: {  	[sflag:s10] =	ssyncset.done @!p1 $0x0  }
0x51: {  	[sflag:s10] =	ssyncadd.s32 @!p1 $0xFFFFC000  }
0x52: {  	v3 =	vld @!p1 [tilespmem:s28+$0x10];
	_ =	sdelay $0x4  }
0x53: {  	v4 =	vshll.u32 @!p1 v3, $0x3  }
0x54: {  	v5 =	vlaneseq.u32 @!p1;
	v3 =	vand.u32 @!p1 $0x7, v3;
	v4 =	vand.u32 @!p1 $0xFFFFFFC0, v4  }
0x55: {  	v6 =	vor.u32 @!p1 v3, v4;
	v4 =	vand.u32 @!p1 $0x7, v5;
	v3 =	vshrl.u32 @!p1 v5, $0x3  }
0x56: {  	v7 =	vperm.xlane @!p1 v6, v4;
	v3 =	vmul.u32 @!p1 $0x8, v3;
	_ =	sdelay $0x1  }
0x57: {  	v7 =	vadd.s32 @!p1 v3, v7;
	_ =	sdelay $0x3  }
0x58: {  	vm1 =	vmmov @!p1 $0xffff;
	s12 =	simm.s32 @!p1 $0xA400;
	s10 =	simm.s32 @!p1 $0x0  }
0x59: {  	v5 =	vor.u32 @!p1 $0x8, v5;
	[tilespmem:s12], [sflag:$0x1] =	stream.indirect_vreg.gather @!p1 [hbm4b:s3+s10], $0x80, v7, vm1, $0xb8;
	[tilespmem:$0x1A400] =	vst v63  }
0x5a: {  	v6 =	vperm.xlane @!p1 v6, v5;
	s12 =	simm.s32 @!p1 $0xAC00  }
0x5b: {  	[tilespmem:s12], [sflag:$0x1] =	stream.indirect_vreg.gather @!p1 [hbm4b:s5+s10], $0x80, v7, vm1, $0xb8;
	[tilespmem:$0x1A400] =	vst v63  }
0x5c: {  	v6 =	vadd.s32 @!p1 v3, v6;
	s12 =	simm.s32 @!p1 $0xB400  }
0x5d: {  	[tilespmem:s12], [sflag:$0x1] =	stream.indirect_vreg.gather @!p1 [hbm4b:s6+s10], $0x80, v7, vm1, $0xb8;
	[tilespmem:$0x1A400] =	vst v63  }
0x5e: {  	s12 =	simm.s32 @!p1 $0xBC00  }
0x5f: {  	[tilespmem:s12], [sflag:$0x1] =	stream.indirect_vreg.gather @!p1 [hbm4b:s7+s10], $0x80, v7, vm1, $0xb8;
	[tilespmem:$0x1A400] =	vst v63  }
0x60: {  	s12 =	simm.s32 @!p1 $0xC400  }
0x61: {  	[tilespmem:s12], [sflag:$0x1] =	stream.indirect_vreg.gather @!p1 [hbm4b:s3+s10], $0x80, v6, vm1, $0xb8;
	[tilespmem:$0x1A400] =	vst v63  }
0x62: {  	s12 =	simm.s32 @!p1 $0xCC00  }
0x63: {  	[tilespmem:s12], [sflag:$0x1] =	stream.indirect_vreg.gather @!p1 [hbm4b:s5+s10], $0x80, v6, vm1, $0xb8;
	[tilespmem:$0x1A400] =	vst v63  }
0x64: {  	p2 =	seq.s32 @!p1 s4, $0x0;
	s12 =	simm.s32 @!p1 $0xD400  }
0x65: {  	[tilespmem:s12], [sflag:$0x1] =	stream.indirect_vreg.gather @!p1 [hbm4b:s6+s10], $0x80, v6, vm1, $0xb8;
	[tilespmem:$0x1A400] =	vst v63  }
0x66: {  	p2 =	por p1, !p2;
	s12 =	simm.s32 @!p1 $0xDC00  }
0x67: {  	[tilespmem:s12], [sflag:$0x1] =	stream.indirect_vreg.gather @!p1 [hbm4b:s7+s10], $0x80, v6, vm1, $0xb8;
	[tilespmem:$0x1A400] =	vst v63  }
0x68: {  	_ =	swait.ge @p2 [sflag:s19], $0x4000  }
0x69: {  	[sflag:s19] =	ssyncset.done @p2 $0x0  }
0x6a: {  	[sflag:s19] =	ssyncadd.s32 @p2 $0xFFFFC000  }
0x6b: {  	v63 =	vld [tilespmem:s28+$0xFFFFFFE0];
	_ =	sdelay $0x4  }
0x6c: {  	(v2sf) =	vpush v63, $0x0;
	_ =	sdelay $0xe  }
0x6d: {  	s14 =	spop (v2sf)  }
0x6e: {  	s13 =	sshll.u32 s14, $0xA  }
0x6f: {  	s12 =	sshll.u32 s14, $0x7;
	s13 =	sand.u32 $0xFFFFE000, s13  }
0x70: {  	s12 =	sand.u32 $0x380, s12;
	s13 =	sadd.s32 s13, s1  }
0x71: {  	s12 =	sadd.s32 s12, s13  }
0x72: {  	(v2sf) =	vpush v63, $0x1;
	[tilespmem:s30], [sflag:$0x7] =	stream.linear.gather [spmem:s12], $0x80, $0x38;
	[tilespmem:$0x1A400] =	vst v63  }
0x73: {  	s14 =	simm.s32 $0xE800;
	s13 =	sadd.s32 $0x400, s12  }
0x74: {  	[tilespmem:s14], [sflag:$0x7] =	stream.linear.gather [spmem:s13], $0x80, $0x38;
	[tilespmem:$0x1A400] =	vst v63  }
0x75: {  	s13 =	sadd.s32 $0x800, s12;
	s14 =	simm.s32 $0xEC00  }
0x76: {  	[tilespmem:s14], [sflag:$0x7] =	stream.linear.gather [spmem:s13], $0x80, $0x38;
	[tilespmem:$0x1A400] =	vst v63  }
0x77: {  	s13 =	sadd.s32 $0xC00, s12;
	s14 =	simm.s32 $0xF000  }
0x78: {  	[tilespmem:s14], [sflag:$0x7] =	stream.linear.gather [spmem:s13], $0x80, $0x38;
	[tilespmem:$0x1A400] =	vst v63  }
0x79: {  	s13 =	sadd.s32 $0x1000, s12;
	s14 =	simm.s32 $0xF400  }
0x7a: {  	[tilespmem:s14], [sflag:$0x7] =	stream.linear.gather [spmem:s13], $0x80, $0x38;
	[tilespmem:$0x1A400] =	vst v63  }
0x7b: {  	s13 =	sadd.s32 $0x1400, s12;
	s14 =	simm.s32 $0xF800  }
0x7c: {  	[tilespmem:s14], [sflag:$0x7] =	stream.linear.gather [spmem:s13], $0x80, $0x38;
	[tilespmem:$0x1A400] =	vst v63  }
0x7d: {  	s13 =	sadd.s32 $0x1800, s12;
	s14 =	simm.s32 $0xFC00  }
0x7e: {  	[tilespmem:s14], [sflag:$0x7] =	stream.linear.gather [spmem:s13], $0x80, $0x38;
	[tilespmem:$0x1A400] =	vst v63  }
0x7f: {  	s12 =	sadd.s32 $0x1C00, s12;
	s14 =	simm.s32 $0x10000  }
0x80: {  	[tilespmem:s14], [sflag:$0x7] =	stream.linear.gather [spmem:s12], $0x80, $0x38;
	[tilespmem:$0x1A400] =	vst v63  }
0x81: {  	s12 =	spop (v2sf)  }
0x82: {  	s14 =	sshll.u32 s12, $0xA  }
0x83: {  	s12 =	sshll.u32 s12, $0x7;
	s13 =	sand.u32 $0xFFFFE000, s14  }
0x84: {  	s12 =	sand.u32 $0x380, s12;
	s13 =	sadd.s32 s13, s1  }
0x85: {  	s14 =	simm.s32 $0xE480;
	s12 =	sadd.s32 s12, s13  }
0x86: {  	(v2sf) =	vpush v63, $0x2;
	[tilespmem:s14], [sflag:$0x7] =	stream.linear.gather [spmem:s12], $0x80, $0x38;
	[tilespmem:$0x1A400] =	vst v63  }
0x87: {  	s13 =	sadd.s32 $0x400, s12;
	s14 =	simm.s32 $0xE880  }
0x88: {  	[tilespmem:s14], [sflag:$0x7] =	stream.linear.gather [spmem:s13], $0x80, $0x38;
	[tilespmem:$0x1A400] =	vst v63  }
0x89: {  	s13 =	sadd.s32 $0x800, s12;
	s14 =	simm.s32 $0xEC80  }
0x8a: {  	[tilespmem:s14], [sflag:$0x7] =	stream.linear.gather [spmem:s13], $0x80, $0x38;
	[tilespmem:$0x1A400] =	vst v63  }
0x8b: {  	s13 =	sadd.s32 $0xC00, s12;
	s14 =	simm.s32 $0xF080  }
0x8c: {  	[tilespmem:s14], [sflag:$0x7] =	stream.linear.gather [spmem:s13], $0x80, $0x38;
	[tilespmem:$0x1A400] =	vst v63  }
0x8d: {  	s13 =	sadd.s32 $0x1000, s12;
	s14 =	simm.s32 $0xF480  }
0x8e: {  	[tilespmem:s14], [sflag:$0x7] =	stream.linear.gather [spmem:s13], $0x80, $0x38;
	[tilespmem:$0x1A400] =	vst v63  }
0x8f: {  	s13 =	sadd.s32 $0x1400, s12;
	s14 =	simm.s32 $0xF880  }
0x90: {  	[tilespmem:s14], [sflag:$0x7] =	stream.linear.gather [spmem:s13], $0x80, $0x38;
	[tilespmem:$0x1A400] =	vst v63  }
0x91: {  	s13 =	sadd.s32 $0x1800, s12;
	s14 =	simm.s32 $0xFC80  }
0x92: {  	[tilespmem:s14], [sflag:$0x7] =	stream.linear.gather [spmem:s13], $0x80, $0x38;
	[tilespmem:$0x1A400] =	vst v63  }
0x93: {  	s12 =	sadd.s32 $0x1C00, s12;
	s14 =	simm.s32 $0x10080  }
0x94: {  	[tilespmem:s14], [sflag:$0x7] =	stream.linear.gather [spmem:s12], $0x80, $0x38;
	[tilespmem:$0x1A400] =	vst v63  }
0x95: {  	s12 =	spop (v2sf)  }
0x96: {  	s14 =	sshll.u32 s12, $0xA  }
0x97: {  	s12 =	sshll.u32 s12, $0x7;
	s13 =	sand.u32 $0xFFFFE000, s14  }
0x98: {  	s12 =	sand.u32 $0x380, s12;
	s13 =	sadd.s32 s13, s1  }
0x99: {  	s14 =	simm.s32 $0xE500;
	s12 =	sadd.s32 s12, s13  }
0x9a: {  	(v2sf) =	vpush v63, $0x3;
	[tilespmem:s14], [sflag:$0x7] =	stream.linear.gather [spmem:s12], $0x80, $0x38;
	[tilespmem:$0x1A400] =	vst v63  }
0x9b: {  	s13 =	sadd.s32 $0x400, s12;
	s14 =	simm.s32 $0xE900  }
0x9c: {  	[tilespmem:s14], [sflag:$0x7] =	stream.linear.gather [spmem:s13], $0x80, $0x38;
	[tilespmem:$0x1A400] =	vst v63  }
0x9d: {  	s13 =	sadd.s32 $0x800, s12;
	s14 =	simm.s32 $0xED00  }
0x9e: {  	[tilespmem:s14], [sflag:$0x7] =	stream.linear.gather [spmem:s13], $0x80, $0x38;
	[tilespmem:$0x1A400] =	vst v63  }
0x9f: {  	s13 =	sadd.s32 $0xC00, s12;
	s14 =	simm.s32 $0xF100  }
0xa0: {  	[tilespmem:s14], [sflag:$0x7] =	stream.linear.gather [spmem:s13], $0x80, $0x38;
	[tilespmem:$0x1A400] =	vst v63  }
0xa1: {  	s13 =	sadd.s32 $0x1000, s12;
	s14 =	simm.s32 $0xF500  }
0xa2: {  	[tilespmem:s14], [sflag:$0x7] =	stream.linear.gather [spmem:s13], $0x80, $0x38;
	[tilespmem:$0x1A400] =	vst v63  }
0xa3: {  	s13 =	sadd.s32 $0x1400, s12;
	s14 =	simm.s32 $0xF900  }
0xa4: {  	[tilespmem:s14], [sflag:$0x7] =	stream.linear.gather [spmem:s13], $0x80, $0x38;
	[tilespmem:$0x1A400] =	vst v63  }
0xa5: {  	s13 =	sadd.s32 $0x1800, s12;
	s14 =	simm.s32 $0xFD00  }
0xa6: {  	[tilespmem:s14], [sflag:$0x7] =	stream.linear.gather [spmem:s13], $0x80, $0x38;
	[tilespmem:$0x1A400] =	vst v63  }
0xa7: {  	s12 =	sadd.s32 $0x1C00, s12;
	s14 =	simm.s32 $0x10100  }
0xa8: {  	[tilespmem:s14], [sflag:$0x7] =	stream.linear.gather [spmem:s12], $0x80, $0x38;
	[tilespmem:$0x1A400] =	vst v63  }
0xa9: {  	s12 =	spop (v2sf)  }
0xaa: {  	s14 =	sshll.u32 s12, $0xA  }
0xab: {  	s12 =	sshll.u32 s12, $0x7;
	s13 =	sand.u32 $0xFFFFE000, s14  }
0xac: {  	s12 =	sand.u32 $0x380, s12;
	s13 =	sadd.s32 s13, s1  }
0xad: {  	s14 =	simm.s32 $0xE580;
	s12 =	sadd.s32 s12, s13  }
0xae: {  	(v2sf) =	vpush v63, $0x4;
	[tilespmem:s14], [sflag:$0x7] =	stream.linear.gather [spmem:s12], $0x80, $0x38;
	[tilespmem:$0x1A400] =	vst v63  }
0xaf: {  	s13 =	sadd.s32 $0x400, s12;
	s14 =	simm.s32 $0xE980  }
0xb0: {  	[tilespmem:s14], [sflag:$0x7] =	stream.linear.gather [spmem:s13], $0x80, $0x38;
	[tilespmem:$0x1A400] =	vst v63  }
0xb1: {  	s13 =	sadd.s32 $0x800, s12;
	s14 =	simm.s32 $0xED80  }
0xb2: {  	[tilespmem:s14], [sflag:$0x7] =	stream.linear.gather [spmem:s13], $0x80, $0x38;
	[tilespmem:$0x1A400] =	vst v63  }
0xb3: {  	s13 =	sadd.s32 $0xC00, s12;
	s14 =	simm.s32 $0xF180  }
0xb4: {  	[tilespmem:s14], [sflag:$0x7] =	stream.linear.gather [spmem:s13], $0x80, $0x38;
	[tilespmem:$0x1A400] =	vst v63  }
0xb5: {  	s13 =	sadd.s32 $0x1000, s12;
	s14 =	simm.s32 $0xF580  }
0xb6: {  	[tilespmem:s14], [sflag:$0x7] =	stream.linear.gather [spmem:s13], $0x80, $0x38;
	[tilespmem:$0x1A400] =	vst v63  }
0xb7: {  	s13 =	sadd.s32 $0x1400, s12;
	s14 =	simm.s32 $0xF980  }
0xb8: {  	[tilespmem:s14], [sflag:$0x7] =	stream.linear.gather [spmem:s13], $0x80, $0x38;
	[tilespmem:$0x1A400] =	vst v63  }
0xb9: {  	s13 =	sadd.s32 $0x1800, s12;
	s14 =	simm.s32 $0xFD80  }
0xba: {  	[tilespmem:s14], [sflag:$0x7] =	stream.linear.gather [spmem:s13], $0x80, $0x38;
	[tilespmem:$0x1A400] =	vst v63  }
0xbb: {  	s12 =	sadd.s32 $0x1C00, s12;
	s14 =	simm.s32 $0x10180  }
0xbc: {  	[tilespmem:s14], [sflag:$0x7] =	stream.linear.gather [spmem:s12], $0x80, $0x38;
	[tilespmem:$0x1A400] =	vst v63  }
0xbd: {  	s12 =	spop (v2sf)  }
0xbe: {  	s14 =	sshll.u32 s12, $0xA  }
0xbf: {  	s12 =	sshll.u32 s12, $0x7;
	s13 =	sand.u32 $0xFFFFE000, s14  }
0xc0: {  	s12 =	sand.u32 $0x380, s12;
	s13 =	sadd.s32 s13, s1  }
0xc1: {  	s14 =	simm.s32 $0xE600;
	s12 =	sadd.s32 s12, s13  }
0xc2: {  	(v2sf) =	vpush v63, $0x5;
	[tilespmem:s14], [sflag:$0x7] =	stream.linear.gather [spmem:s12], $0x80, $0x38;
	[tilespmem:$0x1A400] =	vst v63  }
0xc3: {  	s13 =	sadd.s32 $0x400, s12;
	s14 =	simm.s32 $0xEA00  }
0xc4: {  	[tilespmem:s14], [sflag:$0x7] =	stream.linear.gather [spmem:s13], $0x80, $0x38;
	[tilespmem:$0x1A400] =	vst v63  }
0xc5: {  	s13 =	sadd.s32 $0x800, s12;
	s14 =	simm.s32 $0xEE00  }
0xc6: {  	[tilespmem:s14], [sflag:$0x7] =	stream.linear.gather [spmem:s13], $0x80, $0x38;
	[tilespmem:$0x1A400] =	vst v63  }
0xc7: {  	s13 =	sadd.s32 $0xC00, s12;
	s14 =	simm.s32 $0xF200  }
0xc8: {  	[tilespmem:s14], [sflag:$0x7] =	stream.linear.gather [spmem:s13], $0x80, $0x38;
	[tilespmem:$0x1A400] =	vst v63  }
0xc9: {  	s13 =	sadd.s32 $0x1000, s12;
	s14 =	simm.s32 $0xF600  }
0xca: {  	[tilespmem:s14], [sflag:$0x7] =	stream.linear.gather [spmem:s13], $0x80, $0x38;
	[tilespmem:$0x1A400] =	vst v63  }
0xcb: {  	s13 =	sadd.s32 $0x1400, s12;
	s14 =	simm.s32 $0xFA00  }
0xcc: {  	[tilespmem:s14], [sflag:$0x7] =	stream.linear.gather [spmem:s13], $0x80, $0x38;
	[tilespmem:$0x1A400] =	vst v63  }
0xcd: {  	s13 =	sadd.s32 $0x1800, s12;
	s14 =	simm.s32 $0xFE00  }
0xce: {  	[tilespmem:s14], [sflag:$0x7] =	stream.linear.gather [spmem:s13], $0x80, $0x38;
	[tilespmem:$0x1A400] =	vst v63  }
0xcf: {  	s12 =	sadd.s32 $0x1C00, s12;
	s14 =	simm.s32 $0x10200  }
0xd0: {  	[tilespmem:s14], [sflag:$0x7] =	stream.linear.gather [spmem:s12], $0x80, $0x38;
	[tilespmem:$0x1A400] =	vst v63  }
0xd1: {  	s12 =	spop (v2sf)  }
0xd2: {  	s14 =	sshll.u32 s12, $0xA  }
0xd3: {  	s12 =	sshll.u32 s12, $0x7;
	s13 =	sand.u32 $0xFFFFE000, s14  }
0xd4: {  	s12 =	sand.u32 $0x380, s12;
	s13 =	sadd.s32 s13, s1  }
0xd5: {  	s14 =	simm.s32 $0xE680;
	s12 =	sadd.s32 s12, s13  }
0xd6: {  	(v2sf) =	vpush v63, $0x6;
	[tilespmem:s14], [sflag:$0x7] =	stream.linear.gather [spmem:s12], $0x80, $0x38;
	[tilespmem:$0x1A400] =	vst v63  }
0xd7: {  	s13 =	sadd.s32 $0x400, s12;
	s14 =	simm.s32 $0xEA80  }
0xd8: {  	[tilespmem:s14], [sflag:$0x7] =	stream.linear.gather [spmem:s13], $0x80, $0x38;
	[tilespmem:$0x1A400] =	vst v63  }
0xd9: {  	s13 =	sadd.s32 $0x800, s12;
	s14 =	simm.s32 $0xEE80  }
0xda: {  	[tilespmem:s14], [sflag:$0x7] =	stream.linear.gather [spmem:s13], $0x80, $0x38;
	[tilespmem:$0x1A400] =	vst v63  }
0xdb: {  	s13 =	sadd.s32 $0xC00, s12;
	s14 =	simm.s32 $0xF280  }
0xdc: {  	[tilespmem:s14], [sflag:$0x7] =	stream.linear.gather [spmem:s13], $0x80, $0x38;
	[tilespmem:$0x1A400] =	vst v63  }
0xdd: {  	s13 =	sadd.s32 $0x1000, s12;
	s14 =	simm.s32 $0xF680  }
0xde: {  	[tilespmem:s14], [sflag:$0x7] =	stream.linear.gather [spmem:s13], $0x80, $0x38;
	[tilespmem:$0x1A400] =	vst v63  }
0xdf: {  	s13 =	sadd.s32 $0x1400, s12;
	s14 =	simm.s32 $0xFA80  }
0xe0: {  	[tilespmem:s14], [sflag:$0x7] =	stream.linear.gather [spmem:s13], $0x80, $0x38;
	[tilespmem:$0x1A400] =	vst v63  }
0xe1: {  	s13 =	sadd.s32 $0x1800, s12;
	s14 =	simm.s32 $0xFE80  }
0xe2: {  	[tilespmem:s14], [sflag:$0x7] =	stream.linear.gather [spmem:s13], $0x80, $0x38;
	[tilespmem:$0x1A400] =	vst v63  }
0xe3: {  	s12 =	sadd.s32 $0x1C00, s12;
	s14 =	simm.s32 $0x10280  }
0xe4: {  	[tilespmem:s14], [sflag:$0x7] =	stream.linear.gather [spmem:s12], $0x80, $0x38;
	[tilespmem:$0x1A400] =	vst v63  }
0xe5: {  	s12 =	spop (v2sf)  }
0xe6: {  	s14 =	sshll.u32 s12, $0xA  }
0xe7: {  	s12 =	sshll.u32 s12, $0x7;
	s13 =	sand.u32 $0xFFFFE000, s14  }
0xe8: {  	s12 =	sand.u32 $0x380, s12;
	s13 =	sadd.s32 s13, s1  }
0xe9: {  	s14 =	simm.s32 $0xE700;
	s12 =	sadd.s32 s12, s13  }
0xea: {  	(v2sf) =	vpush v63, $0x7;
	[tilespmem:s14], [sflag:$0x7] =	stream.linear.gather [spmem:s12], $0x80, $0x38;
	[tilespmem:$0x1A400] =	vst v63  }
0xeb: {  	s13 =	sadd.s32 $0x400, s12;
	s14 =	simm.s32 $0xEB00  }
0xec: {  	[tilespmem:s14], [sflag:$0x7] =	stream.linear.gather [spmem:s13], $0x80, $0x38;
	[tilespmem:$0x1A400] =	vst v63  }
0xed: {  	s13 =	sadd.s32 $0x800, s12;
	s14 =	simm.s32 $0xEF00  }
0xee: {  	[tilespmem:s14], [sflag:$0x7] =	stream.linear.gather [spmem:s13], $0x80, $0x38;
	[tilespmem:$0x1A400] =	vst v63  }
0xef: {  	s13 =	sadd.s32 $0xC00, s12;
	s14 =	simm.s32 $0xF300  }
0xf0: {  	[tilespmem:s14], [sflag:$0x7] =	stream.linear.gather [spmem:s13], $0x80, $0x38;
	[tilespmem:$0x1A400] =	vst v63  }
0xf1: {  	s13 =	sadd.s32 $0x1000, s12;
	s14 =	simm.s32 $0xF700  }
0xf2: {  	[tilespmem:s14], [sflag:$0x7] =	stream.linear.gather [spmem:s13], $0x80, $0x38;
	[tilespmem:$0x1A400] =	vst v63  }
0xf3: {  	s13 =	sadd.s32 $0x1400, s12;
	s14 =	simm.s32 $0xFB00  }
0xf4: {  	[tilespmem:s14], [sflag:$0x7] =	stream.linear.gather [spmem:s13], $0x80, $0x38;
	[tilespmem:$0x1A400] =	vst v63  }
0xf5: {  	s13 =	sadd.s32 $0x1800, s12;
	s14 =	simm.s32 $0xFF00  }
0xf6: {  	[tilespmem:s14], [sflag:$0x7] =	stream.linear.gather [spmem:s13], $0x80, $0x38;
	[tilespmem:$0x1A400] =	vst v63  }
0xf7: {  	s12 =	sadd.s32 $0x1C00, s12;
	s14 =	simm.s32 $0x10300  }
0xf8: {  	[tilespmem:s14], [sflag:$0x7] =	stream.linear.gather [spmem:s12], $0x80, $0x38;
	[tilespmem:$0x1A400] =	vst v63  }
0xf9: {  	s12 =	spop (v2sf)  }
0xfa: {  	s14 =	sshll.u32 s12, $0xA  }
0xfb: {  	s12 =	sshll.u32 s12, $0x7;
	s13 =	sand.u32 $0xFFFFE000, s14  }
0xfc: {  	s12 =	sand.u32 $0x380, s12;
	s13 =	sadd.s32 s13, s1  }
0xfd: {  	s14 =	simm.s32 $0xE780;
	s12 =	sadd.s32 s12, s13  }
0xfe: {  	(v2sf) =	vpush v63, $0x8;
	[tilespmem:s14], [sflag:$0x7] =	stream.linear.gather [spmem:s12], $0x80, $0x38;
	[tilespmem:$0x1A400] =	vst v63  }
0xff: {  	s13 =	sadd.s32 $0x400, s12;
	s14 =	simm.s32 $0xEB80  }
0x100: {  	[tilespmem:s14], [sflag:$0x7] =	stream.linear.gather [spmem:s13], $0x80, $0x38;
	[tilespmem:$0x1A400] =	vst v63  }
0x101: {  	s13 =	sadd.s32 $0x800, s12;
	s14 =	simm.s32 $0xEF80  }
0x102: {  	[tilespmem:s14], [sflag:$0x7] =	stream.linear.gather [spmem:s13], $0x80, $0x38;
	[tilespmem:$0x1A400] =	vst v63  }
0x103: {  	s13 =	sadd.s32 $0xC00, s12;
	s14 =	simm.s32 $0xF380  }
0x104: {  	[tilespmem:s14], [sflag:$0x7] =	stream.linear.gather [spmem:s13], $0x80, $0x38;
	[tilespmem:$0x1A400] =	vst v63  }
0x105: {  	s13 =	sadd.s32 $0x1000, s12;
	s14 =	simm.s32 $0xF780  }
0x106: {  	[tilespmem:s14], [sflag:$0x7] =	stream.linear.gather [spmem:s13], $0x80, $0x38;
	[tilespmem:$0x1A400] =	vst v63  }
0x107: {  	s13 =	sadd.s32 $0x1400, s12;
	s14 =	simm.s32 $0xFB80  }
0x108: {  	[tilespmem:s14], [sflag:$0x7] =	stream.linear.gather [spmem:s13], $0x80, $0x38;
	[tilespmem:$0x1A400] =	vst v63  }
0x109: {  	s13 =	sadd.s32 $0x1800, s12;
	s14 =	simm.s32 $0xFF80  }
0x10a: {  	[tilespmem:s14], [sflag:$0x7] =	stream.linear.gather [spmem:s13], $0x80, $0x38;
	[tilespmem:$0x1A400] =	vst v63  }
0x10b: {  	s12 =	sadd.s32 $0x1C00, s12;
	s14 =	simm.s32 $0x10380  }
0x10c: {  	[tilespmem:s14], [sflag:$0x7] =	stream.linear.gather [spmem:s12], $0x80, $0x38;
	[tilespmem:$0x1A400] =	vst v63  }
0x10d: {  	s12 =	spop (v2sf)  }
0x10e: {  	s14 =	sshll.u32 s12, $0xA  }
0x10f: {  	s12 =	sshll.u32 s12, $0x7;
	s13 =	sand.u32 $0xFFFFE000, s14  }
0x110: {  	s12 =	sand.u32 $0x380, s12;
	s13 =	sadd.s32 s13, s1  }
0x111: {  	s14 =	simm.s32 $0x10400;
	s12 =	sadd.s32 s12, s13  }
0x112: {  	(v2sf) =	vpush v63, $0x9;
	[tilespmem:s14], [sflag:$0x7] =	stream.linear.gather [spmem:s12], $0x80, $0x38;
	[tilespmem:$0x1A400] =	vst v63  }
0x113: {  	s13 =	sadd.s32 $0x400, s12;
	s14 =	simm.s32 $0x10800  }
0x114: {  	[tilespmem:s14], [sflag:$0x7] =	stream.linear.gather [spmem:s13], $0x80, $0x38;
	[tilespmem:$0x1A400] =	vst v63  }
0x115: {  	s13 =	sadd.s32 $0x800, s12;
	s14 =	simm.s32 $0x10C00  }
0x116: {  	[tilespmem:s14], [sflag:$0x7] =	stream.linear.gather [spmem:s13], $0x80, $0x38;
	[tilespmem:$0x1A400] =	vst v63  }
0x117: {  	s13 =	sadd.s32 $0xC00, s12;
	s14 =	simm.s32 $0x11000  }
0x118: {  	[tilespmem:s14], [sflag:$0x7] =	stream.linear.gather [spmem:s13], $0x80, $0x38;
	[tilespmem:$0x1A400] =	vst v63  }
0x119: {  	s13 =	sadd.s32 $0x1000, s12;
	s14 =	simm.s32 $0x11400  }
0x11a: {  	[tilespmem:s14], [sflag:$0x7] =	stream.linear.gather [spmem:s13], $0x80, $0x38;
	[tilespmem:$0x1A400] =	vst v63  }
0x11b: {  	s13 =	sadd.s32 $0x1400, s12;
	s14 =	simm.s32 $0x11800  }
0x11c: {  	[tilespmem:s14], [sflag:$0x7] =	stream.linear.gather [spmem:s13], $0x80, $0x38;
	[tilespmem:$0x1A400] =	vst v63  }
0x11d: {  	s13 =	sadd.s32 $0x1800, s12;
	s14 =	simm.s32 $0x11C00  }
0x11e: {  	[tilespmem:s14], [sflag:$0x7] =	stream.linear.gather [spmem:s13], $0x80, $0x38;
	[tilespmem:$0x1A400] =	vst v63  }
0x11f: {  	s12 =	sadd.s32 $0x1C00, s12;
	s14 =	simm.s32 $0x12000  }
0x120: {  	[tilespmem:s14], [sflag:$0x7] =	stream.linear.gather [spmem:s12], $0x80, $0x38;
	[tilespmem:$0x1A400] =	vst v63  }
0x121: {  	s12 =	spop (v2sf)  }
0x122: {  	s14 =	sshll.u32 s12, $0xA  }
0x123: {  	s12 =	sshll.u32 s12, $0x7;
	s13 =	sand.u32 $0xFFFFE000, s14  }
0x124: {  	s12 =	sand.u32 $0x380, s12;
	s13 =	sadd.s32 s13, s1  }
0x125: {  	s14 =	simm.s32 $0x10480;
	s12 =	sadd.s32 s12, s13  }
0x126: {  	(v2sf) =	vpush v63, $0xA;
	[tilespmem:s14], [sflag:$0x7] =	stream.linear.gather [spmem:s12], $0x80, $0x38;
	[tilespmem:$0x1A400] =	vst v63  }
0x127: {  	s13 =	sadd.s32 $0x400, s12;
	s14 =	simm.s32 $0x10880  }
0x128: {  	[tilespmem:s14], [sflag:$0x7] =	stream.linear.gather [spmem:s13], $0x80, $0x38;
	[tilespmem:$0x1A400] =	vst v63  }
0x129: {  	s13 =	sadd.s32 $0x800, s12;
	s14 =	simm.s32 $0x10C80  }
0x12a: {  	[tilespmem:s14], [sflag:$0x7] =	stream.linear.gather [spmem:s13], $0x80, $0x38;
	[tilespmem:$0x1A400] =	vst v63  }
0x12b: {  	s13 =	sadd.s32 $0xC00, s12;
	s14 =	simm.s32 $0x11080  }
0x12c: {  	[tilespmem:s14], [sflag:$0x7] =	stream.linear.gather [spmem:s13], $0x80, $0x38;
	[tilespmem:$0x1A400] =	vst v63  }
0x12d: {  	s13 =	sadd.s32 $0x1000, s12;
	s14 =	simm.s32 $0x11480  }
0x12e: {  	[tilespmem:s14], [sflag:$0x7] =	stream.linear.gather [spmem:s13], $0x80, $0x38;
	[tilespmem:$0x1A400] =	vst v63  }
0x12f: {  	s13 =	sadd.s32 $0x1400, s12;
	s14 =	simm.s32 $0x11880  }
0x130: {  	[tilespmem:s14], [sflag:$0x7] =	stream.linear.gather [spmem:s13], $0x80, $0x38;
	[tilespmem:$0x1A400] =	vst v63  }
0x131: {  	s13 =	sadd.s32 $0x1800, s12;
	s14 =	simm.s32 $0x11C80  }
0x132: {  	[tilespmem:s14], [sflag:$0x7] =	stream.linear.gather [spmem:s13], $0x80, $0x38;
	[tilespmem:$0x1A400] =	vst v63  }
0x133: {  	s12 =	sadd.s32 $0x1C00, s12;
	s14 =	simm.s32 $0x12080  }
0x134: {  	[tilespmem:s14], [sflag:$0x7] =	stream.linear.gather [spmem:s12], $0x80, $0x38;
	[tilespmem:$0x1A400] =	vst v63  }
0x135: {  	s12 =	spop (v2sf)  }
0x136: {  	s14 =	sshll.u32 s12, $0xA  }
0x137: {  	s12 =	sshll.u32 s12, $0x7;
	s13 =	sand.u32 $0xFFFFE000, s14  }
0x138: {  	s12 =	sand.u32 $0x380, s12;
	s13 =	sadd.s32 s13, s1  }
0x139: {  	s14 =	simm.s32 $0x10500;
	s12 =	sadd.s32 s12, s13  }
0x13a: {  	(v2sf) =	vpush v63, $0xB;
	[tilespmem:s14], [sflag:$0x7] =	stream.linear.gather [spmem:s12], $0x80, $0x38;
	[tilespmem:$0x1A400] =	vst v63  }
0x13b: {  	s13 =	sadd.s32 $0x400, s12;
	s14 =	simm.s32 $0x10900  }
0x13c: {  	[tilespmem:s14], [sflag:$0x7] =	stream.linear.gather [spmem:s13], $0x80, $0x38;
	[tilespmem:$0x1A400] =	vst v63  }
0x13d: {  	s13 =	sadd.s32 $0x800, s12;
	s14 =	simm.s32 $0x10D00  }
0x13e: {  	[tilespmem:s14], [sflag:$0x7] =	stream.linear.gather [spmem:s13], $0x80, $0x38;
	[tilespmem:$0x1A400] =	vst v63  }
0x13f: {  	s13 =	sadd.s32 $0xC00, s12;
	s14 =	simm.s32 $0x11100  }
0x140: {  	[tilespmem:s14], [sflag:$0x7] =	stream.linear.gather [spmem:s13], $0x80, $0x38;
	[tilespmem:$0x1A400] =	vst v63  }
0x141: {  	s13 =	sadd.s32 $0x1000, s12;
	s14 =	simm.s32 $0x11500  }
0x142: {  	[tilespmem:s14], [sflag:$0x7] =	stream.linear.gather [spmem:s13], $0x80, $0x38;
	[tilespmem:$0x1A400] =	vst v63  }
0x143: {  	s13 =	sadd.s32 $0x1400, s12;
	s14 =	simm.s32 $0x11900  }
0x144: {  	[tilespmem:s14], [sflag:$0x7] =	stream.linear.gather [spmem:s13], $0x80, $0x38;
	[tilespmem:$0x1A400] =	vst v63  }
0x145: {  	s13 =	sadd.s32 $0x1800, s12;
	s14 =	simm.s32 $0x11D00  }
0x146: {  	[tilespmem:s14], [sflag:$0x7] =	stream.linear.gather [spmem:s13], $0x80, $0x38;
	[tilespmem:$0x1A400] =	vst v63  }
0x147: {  	s12 =	sadd.s32 $0x1C00, s12;
	s14 =	simm.s32 $0x12100  }
0x148: {  	[tilespmem:s14], [sflag:$0x7] =	stream.linear.gather [spmem:s12], $0x80, $0x38;
	[tilespmem:$0x1A400] =	vst v63  }
0x149: {  	s12 =	spop (v2sf)  }
0x14a: {  	s14 =	sshll.u32 s12, $0xA  }
0x14b: {  	s12 =	sshll.u32 s12, $0x7;
	s13 =	sand.u32 $0xFFFFE000, s14  }
0x14c: {  	s12 =	sand.u32 $0x380, s12;
	s13 =	sadd.s32 s13, s1  }
0x14d: {  	s14 =	simm.s32 $0x10580;
	s12 =	sadd.s32 s12, s13  }
0x14e: {  	(v2sf) =	vpush v63, $0xC;
	[tilespmem:s14], [sflag:$0x7] =	stream.linear.gather [spmem:s12], $0x80, $0x38;
	[tilespmem:$0x1A400] =	vst v63  }
0x14f: {  	s13 =	sadd.s32 $0x400, s12;
	s14 =	simm.s32 $0x10980  }
0x150: {  	[tilespmem:s14], [sflag:$0x7] =	stream.linear.gather [spmem:s13], $0x80, $0x38;
	[tilespmem:$0x1A400] =	vst v63  }
0x151: {  	s13 =	sadd.s32 $0x800, s12;
	s14 =	simm.s32 $0x10D80  }
0x152: {  	[tilespmem:s14], [sflag:$0x7] =	stream.linear.gather [spmem:s13], $0x80, $0x38;
	[tilespmem:$0x1A400] =	vst v63  }
0x153: {  	s13 =	sadd.s32 $0xC00, s12;
	s14 =	simm.s32 $0x11180  }
0x154: {  	[tilespmem:s14], [sflag:$0x7] =	stream.linear.gather [spmem:s13], $0x80, $0x38;
	[tilespmem:$0x1A400] =	vst v63  }
0x155: {  	s13 =	sadd.s32 $0x1000, s12;
	s14 =	simm.s32 $0x11580  }
0x156: {  	[tilespmem:s14], [sflag:$0x7] =	stream.linear.gather [spmem:s13], $0x80, $0x38;
	[tilespmem:$0x1A400] =	vst v63  }
0x157: {  	s13 =	sadd.s32 $0x1400, s12;
	s14 =	simm.s32 $0x11980  }
0x158: {  	[tilespmem:s14], [sflag:$0x7] =	stream.linear.gather [spmem:s13], $0x80, $0x38;
	[tilespmem:$0x1A400] =	vst v63  }
0x159: {  	s13 =	sadd.s32 $0x1800, s12;
	s14 =	simm.s32 $0x11D80  }
0x15a: {  	[tilespmem:s14], [sflag:$0x7] =	stream.linear.gather [spmem:s13], $0x80, $0x38;
	[tilespmem:$0x1A400] =	vst v63  }
0x15b: {  	s12 =	sadd.s32 $0x1C00, s12;
	s14 =	simm.s32 $0x12180  }
0x15c: {  	[tilespmem:s14], [sflag:$0x7] =	stream.linear.gather [spmem:s12], $0x80, $0x38;
	[tilespmem:$0x1A400] =	vst v63  }
0x15d: {  	s12 =	spop (v2sf)  }
0x15e: {  	s14 =	sshll.u32 s12, $0xA  }
0x15f: {  	s12 =	sshll.u32 s12, $0x7;
	s13 =	sand.u32 $0xFFFFE000, s14  }
0x160: {  	s12 =	sand.u32 $0x380, s12;
	s13 =	sadd.s32 s13, s1  }
0x161: {  	s14 =	simm.s32 $0x10600;
	s12 =	sadd.s32 s12, s13  }
0x162: {  	(v2sf) =	vpush v63, $0xD;
	[tilespmem:s14], [sflag:$0x7] =	stream.linear.gather [spmem:s12], $0x80, $0x38;
	[tilespmem:$0x1A400] =	vst v63  }
0x163: {  	s13 =	sadd.s32 $0x400, s12;
	s14 =	simm.s32 $0x10A00  }
0x164: {  	[tilespmem:s14], [sflag:$0x7] =	stream.linear.gather [spmem:s13], $0x80, $0x38;
	[tilespmem:$0x1A400] =	vst v63  }
0x165: {  	s13 =	sadd.s32 $0x800, s12;
	s14 =	simm.s32 $0x10E00  }
0x166: {  	[tilespmem:s14], [sflag:$0x7] =	stream.linear.gather [spmem:s13], $0x80, $0x38;
	[tilespmem:$0x1A400] =	vst v63  }
0x167: {  	s13 =	sadd.s32 $0xC00, s12;
	s14 =	simm.s32 $0x11200  }
0x168: {  	[tilespmem:s14], [sflag:$0x7] =	stream.linear.gather [spmem:s13], $0x80, $0x38;
	[tilespmem:$0x1A400] =	vst v63  }
0x169: {  	s13 =	sadd.s32 $0x1000, s12;
	s14 =	simm.s32 $0x11600  }
0x16a: {  	[tilespmem:s14], [sflag:$0x7] =	stream.linear.gather [spmem:s13], $0x80, $0x38;
	[tilespmem:$0x1A400] =	vst v63  }
0x16b: {  	s13 =	sadd.s32 $0x1400, s12;
	s14 =	simm.s32 $0x11A00  }
0x16c: {  	[tilespmem:s14], [sflag:$0x7] =	stream.linear.gather [spmem:s13], $0x80, $0x38;
	[tilespmem:$0x1A400] =	vst v63  }
0x16d: {  	s13 =	sadd.s32 $0x1800, s12;
	s14 =	simm.s32 $0x11E00  }
0x16e: {  	[tilespmem:s14], [sflag:$0x7] =	stream.linear.gather [spmem:s13], $0x80, $0x38;
	[tilespmem:$0x1A400] =	vst v63  }
0x16f: {  	s12 =	sadd.s32 $0x1C00, s12;
	s14 =	simm.s32 $0x12200  }
0x170: {  	[tilespmem:s14], [sflag:$0x7] =	stream.linear.gather [spmem:s12], $0x80, $0x38;
	[tilespmem:$0x1A400] =	vst v63  }
0x171: {  	s12 =	spop (v2sf)  }
0x172: {  	s14 =	sshll.u32 s12, $0xA  }
0x173: {  	s12 =	sshll.u32 s12, $0x7;
	s13 =	sand.u32 $0xFFFFE000, s14  }
0x174: {  	s12 =	sand.u32 $0x380, s12;
	s13 =	sadd.s32 s13, s1  }
0x175: {  	s14 =	simm.s32 $0x10680;
	s12 =	sadd.s32 s12, s13  }
0x176: {  	(v2sf) =	vpush v63, $0xE;
	[tilespmem:s14], [sflag:$0x7] =	stream.linear.gather [spmem:s12], $0x80, $0x38;
	[tilespmem:$0x1A400] =	vst v63  }
0x177: {  	s13 =	sadd.s32 $0x400, s12;
	s14 =	simm.s32 $0x10A80  }
0x178: {  	[tilespmem:s14], [sflag:$0x7] =	stream.linear.gather [spmem:s13], $0x80, $0x38;
	[tilespmem:$0x1A400] =	vst v63  }
0x179: {  	s13 =	sadd.s32 $0x800, s12;
	s14 =	simm.s32 $0x10E80  }
0x17a: {  	[tilespmem:s14], [sflag:$0x7] =	stream.linear.gather [spmem:s13], $0x80, $0x38;
	[tilespmem:$0x1A400] =	vst v63  }
0x17b: {  	s13 =	sadd.s32 $0xC00, s12;
	s14 =	simm.s32 $0x11280  }
0x17c: {  	[tilespmem:s14], [sflag:$0x7] =	stream.linear.gather [spmem:s13], $0x80, $0x38;
	[tilespmem:$0x1A400] =	vst v63  }
0x17d: {  	s13 =	sadd.s32 $0x1000, s12;
	s14 =	simm.s32 $0x11680  }
0x17e: {  	[tilespmem:s14], [sflag:$0x7] =	stream.linear.gather [spmem:s13], $0x80, $0x38;
	[tilespmem:$0x1A400] =	vst v63  }
0x17f: {  	s13 =	sadd.s32 $0x1400, s12;
	s14 =	simm.s32 $0x11A80  }
0x180: {  	[tilespmem:s14], [sflag:$0x7] =	stream.linear.gather [spmem:s13], $0x80, $0x38;
	[tilespmem:$0x1A400] =	vst v63  }
0x181: {  	s13 =	sadd.s32 $0x1800, s12;
	s14 =	simm.s32 $0x11E80  }
0x182: {  	[tilespmem:s14], [sflag:$0x7] =	stream.linear.gather [spmem:s13], $0x80, $0x38;
	[tilespmem:$0x1A400] =	vst v63  }
0x183: {  	s12 =	sadd.s32 $0x1C00, s12;
	s14 =	simm.s32 $0x12280  }
0x184: {  	[tilespmem:s14], [sflag:$0x7] =	stream.linear.gather [spmem:s12], $0x80, $0x38;
	[tilespmem:$0x1A400] =	vst v63  }
0x185: {  	s12 =	spop (v2sf)  }
0x186: {  	s14 =	sshll.u32 s12, $0xA  }
0x187: {  	s12 =	sshll.u32 s12, $0x7;
	s13 =	sand.u32 $0xFFFFE000, s14  }
0x188: {  	s12 =	sand.u32 $0x380, s12;
	s13 =	sadd.s32 s13, s1  }
0x189: {  	s14 =	simm.s32 $0x10700;
	s12 =	sadd.s32 s12, s13  }
0x18a: {  	(v2sf) =	vpush v63, $0xF;
	[tilespmem:s14], [sflag:$0x7] =	stream.linear.gather [spmem:s12], $0x80, $0x38;
	[tilespmem:$0x1A400] =	vst v63  }
0x18b: {  	s13 =	sadd.s32 $0x400, s12;
	s14 =	simm.s32 $0x10B00  }
0x18c: {  	[tilespmem:s14], [sflag:$0x7] =	stream.linear.gather [spmem:s13], $0x80, $0x38;
	[tilespmem:$0x1A400] =	vst v63  }
0x18d: {  	s13 =	sadd.s32 $0x800, s12;
	s14 =	simm.s32 $0x10F00  }
0x18e: {  	[tilespmem:s14], [sflag:$0x7] =	stream.linear.gather [spmem:s13], $0x80, $0x38;
	[tilespmem:$0x1A400] =	vst v63  }
0x18f: {  	s13 =	sadd.s32 $0xC00, s12;
	s14 =	simm.s32 $0x11300  }
0x190: {  	[tilespmem:s14], [sflag:$0x7] =	stream.linear.gather [spmem:s13], $0x80, $0x38;
	[tilespmem:$0x1A400] =	vst v63  }
0x191: {  	s13 =	sadd.s32 $0x1000, s12;
	s14 =	simm.s32 $0x11700  }
0x192: {  	[tilespmem:s14], [sflag:$0x7] =	stream.linear.gather [spmem:s13], $0x80, $0x38;
	[tilespmem:$0x1A400] =	vst v63  }
0x193: {  	s13 =	sadd.s32 $0x1400, s12;
	s14 =	simm.s32 $0x11B00  }
0x194: {  	[tilespmem:s14], [sflag:$0x7] =	stream.linear.gather [spmem:s13], $0x80, $0x38;
	[tilespmem:$0x1A400] =	vst v63  }
0x195: {  	s13 =	sadd.s32 $0x1800, s12;
	s14 =	simm.s32 $0x11F00  }
0x196: {  	[tilespmem:s14], [sflag:$0x7] =	stream.linear.gather [spmem:s13], $0x80, $0x38;
	[tilespmem:$0x1A400] =	vst v63  }
0x197: {  	s12 =	sadd.s32 $0x1C00, s12;
	s14 =	simm.s32 $0x12300  }
0x198: {  	[tilespmem:s14], [sflag:$0x7] =	stream.linear.gather [spmem:s12], $0x80, $0x38;
	[tilespmem:$0x1A400] =	vst v63  }
0x199: {  	s12 =	spop (v2sf)  }
0x19a: {  	s14 =	sshll.u32 s12, $0xA  }
0x19b: {  	s12 =	sshll.u32 s12, $0x7;
	s13 =	sand.u32 $0xFFFFE000, s14  }
0x19c: {  	s12 =	sand.u32 $0x380, s12;
	s13 =	sadd.s32 s13, s1  }
0x19d: {  	s14 =	simm.s32 $0x10780;
	s12 =	sadd.s32 s12, s13  }
0x19e: {  	[tilespmem:s14], [sflag:$0x7] =	stream.linear.gather [spmem:s12], $0x80, $0x38;
	[tilespmem:$0x1A400] =	vst v63  }
0x19f: {  	s13 =	sadd.s32 $0x400, s12;
	s14 =	simm.s32 $0x10B80  }
0x1a0: {  	[tilespmem:s14], [sflag:$0x7] =	stream.linear.gather [spmem:s13], $0x80, $0x38;
	[tilespmem:$0x1A400] =	vst v63  }
0x1a1: {  	s13 =	sadd.s32 $0x800, s12;
	s14 =	simm.s32 $0x10F80  }
0x1a2: {  	[tilespmem:s14], [sflag:$0x7] =	stream.linear.gather [spmem:s13], $0x80, $0x38;
	[tilespmem:$0x1A400] =	vst v63  }
0x1a3: {  	s13 =	sadd.s32 $0xC00, s12;
	s14 =	simm.s32 $0x11380  }
0x1a4: {  	[tilespmem:s14], [sflag:$0x7] =	stream.linear.gather [spmem:s13], $0x80, $0x38;
	[tilespmem:$0x1A400] =	vst v63  }
0x1a5: {  	s13 =	sadd.s32 $0x1000, s12;
	s14 =	simm.s32 $0x11780  }
0x1a6: {  	[tilespmem:s14], [sflag:$0x7] =	stream.linear.gather [spmem:s13], $0x80, $0x38;
	[tilespmem:$0x1A400] =	vst v63  }
0x1a7: {  	s13 =	sadd.s32 $0x1400, s12;
	s14 =	simm.s32 $0x11B80  }
0x1a8: {  	[tilespmem:s14], [sflag:$0x7] =	stream.linear.gather [spmem:s13], $0x80, $0x38;
	[tilespmem:$0x1A400] =	vst v63  }
0x1a9: {  	s13 =	sadd.s32 $0x1800, s12;
	s14 =	simm.s32 $0x11F80  }
0x1aa: {  	[tilespmem:s14], [sflag:$0x7] =	stream.linear.gather [spmem:s13], $0x80, $0x38;
	[tilespmem:$0x1A400] =	vst v63  }
0x1ab: {  	s12 =	sadd.s32 $0x1C00, s12;
	s14 =	simm.s32 $0x12380  }
0x1ac: {  	[tilespmem:s14], [sflag:$0x7] =	stream.linear.gather [spmem:s12], $0x80, $0x38;
	[tilespmem:$0x1A400] =	vst v63  }
0x1ad: {  	_ =	swait.ge [sflag:s11], $0x400  }
0x1ae: {  	[sflag:s11] =	ssyncset.done $0x0  }
0x1af: {  	[sflag:s11] =	ssyncadd.s32 $0xFFFFFC00  }
0x1b0: {  	_ =	swait.ge [sflag:s11], $0x400  }
0x1b1: {  	[sflag:s11] =	ssyncset.done $0x0  }
0x1b2: {  	[sflag:s11] =	ssyncadd.s32 $0xFFFFFC00  }
0x1b3: {  	_ =	swait.ge [sflag:s11], $0x400  }
0x1b4: {  	[sflag:s11] =	ssyncset.done $0x0  }
0x1b5: {  	[sflag:s11] =	ssyncadd.s32 $0xFFFFFC00  }
0x1b6: {  	_ =	swait.ge [sflag:s11], $0x400  }
0x1b7: {  	[sflag:s11] =	ssyncset.done $0x0  }
0x1b8: {  	[sflag:s11] =	ssyncadd.s32 $0xFFFFFC00  }
0x1b9: {  	_ =	swait.ge [sflag:s11], $0x400  }
0x1ba: {  	[sflag:s11] =	ssyncset.done $0x0  }
0x1bb: {  	[sflag:s11] =	ssyncadd.s32 $0xFFFFFC00  }
0x1bc: {  	_ =	swait.ge [sflag:s11], $0x400  }
0x1bd: {  	[sflag:s11] =	ssyncset.done $0x0  }
0x1be: {  	[sflag:s11] =	ssyncadd.s32 $0xFFFFFC00  }
0x1bf: {  	_ =	swait.ge [sflag:s11], $0x400  }
0x1c0: {  	[sflag:s11] =	ssyncset.done $0x0  }
0x1c1: {  	[sflag:s11] =	ssyncadd.s32 $0xFFFFFC00  }
0x1c2: {  	_ =	swait.ge [sflag:s11], $0x400  }
0x1c3: {  	[sflag:s11] =	ssyncset.done $0x0  }
0x1c4: {  	[sflag:s11] =	ssyncadd.s32 $0xFFFFFC00  }
0x1c5: {  	_ =	swait.ge [sflag:s11], $0x400  }
0x1c6: {  	[sflag:s11] =	ssyncset.done $0x0  }
0x1c7: {  	[sflag:s11] =	ssyncadd.s32 $0xFFFFFC00  }
0x1c8: {  	_ =	swait.ge [sflag:s11], $0x400  }
0x1c9: {  	[sflag:s11] =	ssyncset.done $0x0  }
0x1ca: {  	[sflag:s11] =	ssyncadd.s32 $0xFFFFFC00  }
0x1cb: {  	_ =	swait.ge [sflag:s11], $0x400  }
0x1cc: {  	[sflag:s11] =	ssyncset.done $0x0  }
0x1cd: {  	[sflag:s11] =	ssyncadd.s32 $0xFFFFFC00  }
0x1ce: {  	_ =	swait.ge [sflag:s11], $0x400  }
0x1cf: {  	[sflag:s11] =	ssyncset.done $0x0  }
0x1d0: {  	[sflag:s11] =	ssyncadd.s32 $0xFFFFFC00  }
0x1d1: {  	_ =	swait.ge [sflag:s11], $0x400  }
0x1d2: {  	[sflag:s11] =	ssyncset.done $0x0  }
0x1d3: {  	[sflag:s11] =	ssyncadd.s32 $0xFFFFFC00  }
0x1d4: {  	_ =	swait.ge [sflag:s11], $0x400  }
0x1d5: {  	[sflag:s11] =	ssyncset.done $0x0  }
0x1d6: {  	[sflag:s11] =	ssyncadd.s32 $0xFFFFFC00  }
0x1d7: {  	_ =	swait.ge [sflag:s11], $0x400  }
0x1d8: {  	[sflag:s11] =	ssyncset.done $0x0  }
0x1d9: {  	[sflag:s11] =	ssyncadd.s32 $0xFFFFFC00  }
0x1da: {  	_ =	swait.ge [sflag:s11], $0x400  }
0x1db: {  	[sflag:s11] =	ssyncset.done $0x0  }
0x1dc: {  	s14 =	sadd.s32 $0x800, s8;
	[sflag:s11] =	ssyncadd.s32 $0xFFFFFC00  }
0x1dd: {  	[hbm4b:s14+s2] =	stream.linear.scatter [tilespmem:s30], [sflag:$0x4], $0x4000, $0x38;
	[tilespmem:$0x1A400] =	vst v63  }
0x1de: {  	_ =	swait.ge [sflag:s31], $0x4000  }
0x1df: {  	s13 =	sadd.s32 $0x1000, s8;
	[sflag:s31] =	ssyncset.done $0x0  }
0x1e0: {  	s12 =	simm.s32 @!p1 $0x5;
	s14 =	simm.s32 $0x12400;
	[sflag:s31] =	ssyncadd.s32 $0xFFFFC000  }
0x1e1: {  	[hbm4b:s13+s2] =	stream.linear.scatter [tilespmem:s14], [sflag:$0x5], $0x4000, $0x38;
	[tilespmem:$0x1A400] =	vst v63  }
0x1e2: {  	_ =	swait.ge @!p1 [sflag:s12], $0x4000  }
0x1e3: {  	[sflag:s12] =	ssyncset.done @!p1 $0x0  }
0x1e4: {  	[sflag:s12] =	ssyncadd.s32 @!p1 $0xFFFFC000  }
0x1e5: {  	v6 =	vld @!p1 [tilespmem:s28+$0x30];
	_ =	sdelay $0x4  }
0x1e6: {  	v7 =	vshll.u32 @!p1 v6, $0x3  }
0x1e7: {  	v6 =	vand.u32 @!p1 $0x7, v6;
	v7 =	vand.u32 @!p1 $0xFFFFFFC0, v7  }
0x1e8: {  	v6 =	vor.u32 @!p1 v6, v7  }
0x1e9: {  	v4 =	vperm.xlane @!p1 v6, v4;
	_ =	sdelay $0x1  }
0x1ea: {  	v4 =	vadd.s32 @!p1 v3, v4;
	_ =	sdelay $0x3  }
0x1eb: {  	s12 =	simm.s32 @!p1 $0x12400  }
0x1ec: {  	[tilespmem:s12], [sflag:$0x2] =	stream.indirect_vreg.gather @!p1 [hbm4b:s3+s10], $0x80, v4, vm1, $0xb8;
	[tilespmem:$0x1A400] =	vst v63  }
0x1ed: {  	v5 =	vperm.xlane @!p1 v6, v5;
	s12 =	simm.s32 @!p1 $0x12C00  }
0x1ee: {  	[tilespmem:s12], [sflag:$0x2] =	stream.indirect_vreg.gather @!p1 [hbm4b:s5+s10], $0x80, v4, vm1, $0xb8;
	[tilespmem:$0x1A400] =	vst v63  }
0x1ef: {  	v3 =	vadd.s32 @!p1 v3, v5;
	s12 =	simm.s32 @!p1 $0x13400  }
0x1f0: {  	[tilespmem:s12], [sflag:$0x2] =	stream.indirect_vreg.gather @!p1 [hbm4b:s6+s10], $0x80, v4, vm1, $0xb8;
	[tilespmem:$0x1A400] =	vst v63  }
0x1f1: {  	s12 =	simm.s32 @!p1 $0x13C00  }
0x1f2: {  	[tilespmem:s12], [sflag:$0x2] =	stream.indirect_vreg.gather @!p1 [hbm4b:s7+s10], $0x80, v4, vm1, $0xb8;
	[tilespmem:$0x1A400] =	vst v63  }
0x1f3: {  	s12 =	simm.s32 @!p1 $0x14400  }
0x1f4: {  	[tilespmem:s12], [sflag:$0x2] =	stream.indirect_vreg.gather @!p1 [hbm4b:s3+s10], $0x80, v3, vm1, $0xb8;
	[tilespmem:$0x1A400] =	vst v63  }
0x1f5: {  	s12 =	simm.s32 @!p1 $0x14C00  }
0x1f6: {  	[tilespmem:s12], [sflag:$0x2] =	stream.indirect_vreg.gather @!p1 [hbm4b:s5+s10], $0x80, v3, vm1, $0xb8;
	[tilespmem:$0x1A400] =	vst v63  }
0x1f7: {  	s12 =	simm.s32 @!p1 $0x15400  }
0x1f8: {  	[tilespmem:s12], [sflag:$0x2] =	stream.indirect_vreg.gather @!p1 [hbm4b:s6+s10], $0x80, v3, vm1, $0xb8;
	[tilespmem:$0x1A400] =	vst v63  }
0x1f9: {  	s12 =	simm.s32 @!p1 $0x15C00  }
0x1fa: {  	[tilespmem:s12], [sflag:$0x2] =	stream.indirect_vreg.gather @!p1 [hbm4b:s7+s10], $0x80, v3, vm1, $0xb8;
	[tilespmem:$0x1A400] =	vst v63  }
0x1fb: {  	_ =	swait.ge @p2 [sflag:s26], $0x4000  }
0x1fc: {  	[sflag:s26] =	ssyncset.done @p2 $0x0  }
0x1fd: {  	[sflag:s26] =	ssyncadd.s32 @p2 $0xFFFFC000  }
0x1fe: {  	v3 =	vld [tilespmem:s28+$0x0];
	_ =	sdelay $0x4  }
0x1ff: {  	(v2sf) =	vpush v3, $0x0;
	_ =	sdelay $0xe  }
0x200: {  	s14 =	spop (v2sf)  }
0x201: {  	s13 =	sshll.u32 s14, $0xA  }
0x202: {  	s10 =	sshll.u32 s14, $0x7;
	s12 =	sand.u32 $0xFFFFE000, s13  }
0x203: {  	(v2sf) =	vpush v3, $0x1;
	s10 =	sand.u32 $0x380, s10;
	s12 =	sadd.s32 s12, s1  }
0x204: {  	s10 =	sadd.s32 s10, s12  }
0x205: {  	[tilespmem:s0], [sflag:$0x7] =	stream.linear.gather [spmem:s10], $0x80, $0x38;
	[tilespmem:$0x1A400] =	vst v63  }
0x206: {  	s14 =	simm.s32 $0x16800;
	s12 =	sadd.s32 $0x400, s10  }
0x207: {  	[tilespmem:s14], [sflag:$0x7] =	stream.linear.gather [spmem:s12], $0x80, $0x38;
	[tilespmem:$0x1A400] =	vst v63  }
0x208: {  	s13 =	sadd.s32 $0x800, s10;
	s14 =	simm.s32 $0x16C00  }
0x209: {  	[tilespmem:s14], [sflag:$0x7] =	stream.linear.gather [spmem:s13], $0x80, $0x38;
	[tilespmem:$0x1A400] =	vst v63  }
0x20a: {  	s13 =	sadd.s32 $0xC00, s10;
	s14 =	simm.s32 $0x17000  }
0x20b: {  	[tilespmem:s14], [sflag:$0x7] =	stream.linear.gather [spmem:s13], $0x80, $0x38;
	[tilespmem:$0x1A400] =	vst v63  }
0x20c: {  	s13 =	sadd.s32 $0x1000, s10;
	s14 =	simm.s32 $0x17400  }
0x20d: {  	[tilespmem:s14], [sflag:$0x7] =	stream.linear.gather [spmem:s13], $0x80, $0x38;
	[tilespmem:$0x1A400] =	vst v63  }
0x20e: {  	s13 =	sadd.s32 $0x1400, s10;
	s14 =	simm.s32 $0x17800  }
0x20f: {  	[tilespmem:s14], [sflag:$0x7] =	stream.linear.gather [spmem:s13], $0x80, $0x38;
	[tilespmem:$0x1A400] =	vst v63  }
0x210: {  	s13 =	sadd.s32 $0x1800, s10;
	s14 =	simm.s32 $0x17C00  }
0x211: {  	[tilespmem:s14], [sflag:$0x7] =	stream.linear.gather [spmem:s13], $0x80, $0x38;
	[tilespmem:$0x1A400] =	vst v63  }
0x212: {  	s10 =	sadd.s32 $0x1C00, s10;
	s13 =	simm.s32 $0x18000;
	s14 =	spop (v2sf)  }
0x213: {  	[tilespmem:s13], [sflag:$0x7] =	stream.linear.gather [spmem:s10], $0x80, $0x38;
	[tilespmem:$0x1A400] =	vst v63  }
0x214: {  	s13 =	sshll.u32 s14, $0xA  }
0x215: {  	s10 =	sshll.u32 s14, $0x7;
	s12 =	sand.u32 $0xFFFFE000, s13  }
0x216: {  	(v2sf) =	vpush v3, $0x2;
	s10 =	sand.u32 $0x380, s10;
	s12 =	sadd.s32 s12, s1  }
0x217: {  	s14 =	simm.s32 $0x16480;
	s10 =	sadd.s32 s10, s12  }
0x218: {  	[tilespmem:s14], [sflag:$0x7] =	stream.linear.gather [spmem:s10], $0x80, $0x38;
	[tilespmem:$0x1A400] =	vst v63  }
0x219: {  	s13 =	sadd.s32 $0x400, s10;
	s14 =	simm.s32 $0x16880  }
0x21a: {  	[tilespmem:s14], [sflag:$0x7] =	stream.linear.gather [spmem:s13], $0x80, $0x38;
	[tilespmem:$0x1A400] =	vst v63  }
0x21b: {  	s13 =	sadd.s32 $0x800, s10;
	s14 =	simm.s32 $0x16C80  }
0x21c: {  	[tilespmem:s14], [sflag:$0x7] =	stream.linear.gather [spmem:s13], $0x80, $0x38;
	[tilespmem:$0x1A400] =	vst v63  }
0x21d: {  	s13 =	sadd.s32 $0xC00, s10;
	s14 =	simm.s32 $0x17080  }
0x21e: {  	[tilespmem:s14], [sflag:$0x7] =	stream.linear.gather [spmem:s13], $0x80, $0x38;
	[tilespmem:$0x1A400] =	vst v63  }
0x21f: {  	s13 =	sadd.s32 $0x1000, s10;
	s14 =	simm.s32 $0x17480  }
0x220: {  	[tilespmem:s14], [sflag:$0x7] =	stream.linear.gather [spmem:s13], $0x80, $0x38;
	[tilespmem:$0x1A400] =	vst v63  }
0x221: {  	s13 =	sadd.s32 $0x1400, s10;
	s14 =	simm.s32 $0x17880  }
0x222: {  	[tilespmem:s14], [sflag:$0x7] =	stream.linear.gather [spmem:s13], $0x80, $0x38;
	[tilespmem:$0x1A400] =	vst v63  }
0x223: {  	s13 =	sadd.s32 $0x1800, s10;
	s14 =	simm.s32 $0x17C80  }
0x224: {  	[tilespmem:s14], [sflag:$0x7] =	stream.linear.gather [spmem:s13], $0x80, $0x38;
	[tilespmem:$0x1A400] =	vst v63  }
0x225: {  	s10 =	sadd.s32 $0x1C00, s10;
	s13 =	simm.s32 $0x18080;
	s14 =	spop (v2sf)  }
0x226: {  	[tilespmem:s13], [sflag:$0x7] =	stream.linear.gather [spmem:s10], $0x80, $0x38;
	[tilespmem:$0x1A400] =	vst v63  }
0x227: {  	s13 =	sshll.u32 s14, $0xA  }
0x228: {  	s10 =	sshll.u32 s14, $0x7;
	s12 =	sand.u32 $0xFFFFE000, s13  }
0x229: {  	(v2sf) =	vpush v3, $0x3;
	s10 =	sand.u32 $0x380, s10;
	s12 =	sadd.s32 s12, s1  }
0x22a: {  	s14 =	simm.s32 $0x16500;
	s10 =	sadd.s32 s10, s12  }
0x22b: {  	[tilespmem:s14], [sflag:$0x7] =	stream.linear.gather [spmem:s10], $0x80, $0x38;
	[tilespmem:$0x1A400] =	vst v63  }
0x22c: {  	s13 =	sadd.s32 $0x400, s10;
	s14 =	simm.s32 $0x16900  }
0x22d: {  	[tilespmem:s14], [sflag:$0x7] =	stream.linear.gather [spmem:s13], $0x80, $0x38;
	[tilespmem:$0x1A400] =	vst v63  }
0x22e: {  	s13 =	sadd.s32 $0x800, s10;
	s14 =	simm.s32 $0x16D00  }
0x22f: {  	[tilespmem:s14], [sflag:$0x7] =	stream.linear.gather [spmem:s13], $0x80, $0x38;
	[tilespmem:$0x1A400] =	vst v63  }
0x230: {  	s13 =	sadd.s32 $0xC00, s10;
	s14 =	simm.s32 $0x17100  }
0x231: {  	[tilespmem:s14], [sflag:$0x7] =	stream.linear.gather [spmem:s13], $0x80, $0x38;
	[tilespmem:$0x1A400] =	vst v63  }
0x232: {  	s13 =	sadd.s32 $0x1000, s10;
	s14 =	simm.s32 $0x17500  }
0x233: {  	[tilespmem:s14], [sflag:$0x7] =	stream.linear.gather [spmem:s13], $0x80, $0x38;
	[tilespmem:$0x1A400] =	vst v63  }
0x234: {  	s13 =	sadd.s32 $0x1400, s10;
	s14 =	simm.s32 $0x17900  }
0x235: {  	[tilespmem:s14], [sflag:$0x7] =	stream.linear.gather [spmem:s13], $0x80, $0x38;
	[tilespmem:$0x1A400] =	vst v63  }
0x236: {  	s13 =	sadd.s32 $0x1800, s10;
	s14 =	simm.s32 $0x17D00  }
0x237: {  	[tilespmem:s14], [sflag:$0x7] =	stream.linear.gather [spmem:s13], $0x80, $0x38;
	[tilespmem:$0x1A400] =	vst v63  }
0x238: {  	s10 =	sadd.s32 $0x1C00, s10;
	s13 =	simm.s32 $0x18100;
	s14 =	spop (v2sf)  }
0x239: {  	[tilespmem:s13], [sflag:$0x7] =	stream.linear.gather [spmem:s10], $0x80, $0x38;
	[tilespmem:$0x1A400] =	vst v63  }
0x23a: {  	s13 =	sshll.u32 s14, $0xA  }
0x23b: {  	s10 =	sshll.u32 s14, $0x7;
	s12 =	sand.u32 $0xFFFFE000, s13  }
0x23c: {  	(v2sf) =	vpush v3, $0x4;
	s10 =	sand.u32 $0x380, s10;
	s12 =	sadd.s32 s12, s1  }
0x23d: {  	s14 =	simm.s32 $0x16580;
	s10 =	sadd.s32 s10, s12  }
0x23e: {  	[tilespmem:s14], [sflag:$0x7] =	stream.linear.gather [spmem:s10], $0x80, $0x38;
	[tilespmem:$0x1A400] =	vst v63  }
0x23f: {  	s13 =	sadd.s32 $0x400, s10;
	s14 =	simm.s32 $0x16980  }
0x240: {  	[tilespmem:s14], [sflag:$0x7] =	stream.linear.gather [spmem:s13], $0x80, $0x38;
	[tilespmem:$0x1A400] =	vst v63  }
0x241: {  	s13 =	sadd.s32 $0x800, s10;
	s14 =	simm.s32 $0x16D80  }
0x242: {  	[tilespmem:s14], [sflag:$0x7] =	stream.linear.gather [spmem:s13], $0x80, $0x38;
	[tilespmem:$0x1A400] =	vst v63  }
0x243: {  	s13 =	sadd.s32 $0xC00, s10;
	s14 =	simm.s32 $0x17180  }
0x244: {  	[tilespmem:s14], [sflag:$0x7] =	stream.linear.gather [spmem:s13], $0x80, $0x38;
	[tilespmem:$0x1A400] =	vst v63  }
0x245: {  	s13 =	sadd.s32 $0x1000, s10;
	s14 =	simm.s32 $0x17580  }
0x246: {  	[tilespmem:s14], [sflag:$0x7] =	stream.linear.gather [spmem:s13], $0x80, $0x38;
	[tilespmem:$0x1A400] =	vst v63  }
0x247: {  	s13 =	sadd.s32 $0x1400, s10;
	s14 =	simm.s32 $0x17980  }
0x248: {  	[tilespmem:s14], [sflag:$0x7] =	stream.linear.gather [spmem:s13], $0x80, $0x38;
	[tilespmem:$0x1A400] =	vst v63  }
0x249: {  	s13 =	sadd.s32 $0x1800, s10;
	s14 =	simm.s32 $0x17D80  }
0x24a: {  	[tilespmem:s14], [sflag:$0x7] =	stream.linear.gather [spmem:s13], $0x80, $0x38;
	[tilespmem:$0x1A400] =	vst v63  }
0x24b: {  	s10 =	sadd.s32 $0x1C00, s10;
	s13 =	simm.s32 $0x18180;
	s14 =	spop (v2sf)  }
0x24c: {  	[tilespmem:s13], [sflag:$0x7] =	stream.linear.gather [spmem:s10], $0x80, $0x38;
	[tilespmem:$0x1A400] =	vst v63  }
0x24d: {  	s13 =	sshll.u32 s14, $0xA  }
0x24e: {  	s10 =	sshll.u32 s14, $0x7;
	s12 =	sand.u32 $0xFFFFE000, s13  }
0x24f: {  	(v2sf) =	vpush v3, $0x5;
	s10 =	sand.u32 $0x380, s10;
	s12 =	sadd.s32 s12, s1  }
0x250: {  	s14 =	simm.s32 $0x16600;
	s10 =	sadd.s32 s10, s12  }
0x251: {  	[tilespmem:s14], [sflag:$0x7] =	stream.linear.gather [spmem:s10], $0x80, $0x38;
	[tilespmem:$0x1A400] =	vst v63  }
0x252: {  	s13 =	sadd.s32 $0x400, s10;
	s14 =	simm.s32 $0x16A00  }
0x253: {  	[tilespmem:s14], [sflag:$0x7] =	stream.linear.gather [spmem:s13], $0x80, $0x38;
	[tilespmem:$0x1A400] =	vst v63  }
0x254: {  	s13 =	sadd.s32 $0x800, s10;
	s14 =	simm.s32 $0x16E00  }
0x255: {  	[tilespmem:s14], [sflag:$0x7] =	stream.linear.gather [spmem:s13], $0x80, $0x38;
	[tilespmem:$0x1A400] =	vst v63  }
0x256: {  	s13 =	sadd.s32 $0xC00, s10;
	s14 =	simm.s32 $0x17200  }
0x257: {  	[tilespmem:s14], [sflag:$0x7] =	stream.linear.gather [spmem:s13], $0x80, $0x38;
	[tilespmem:$0x1A400] =	vst v63  }
0x258: {  	s13 =	sadd.s32 $0x1000, s10;
	s14 =	simm.s32 $0x17600  }
0x259: {  	[tilespmem:s14], [sflag:$0x7] =	stream.linear.gather [spmem:s13], $0x80, $0x38;
	[tilespmem:$0x1A400] =	vst v63  }
0x25a: {  	s13 =	sadd.s32 $0x1400, s10;
	s14 =	simm.s32 $0x17A00  }
0x25b: {  	[tilespmem:s14], [sflag:$0x7] =	stream.linear.gather [spmem:s13], $0x80, $0x38;
	[tilespmem:$0x1A400] =	vst v63  }
0x25c: {  	s13 =	sadd.s32 $0x1800, s10;
	s14 =	simm.s32 $0x17E00  }
0x25d: {  	[tilespmem:s14], [sflag:$0x7] =	stream.linear.gather [spmem:s13], $0x80, $0x38;
	[tilespmem:$0x1A400] =	vst v63  }
0x25e: {  	s10 =	sadd.s32 $0x1C00, s10;
	s13 =	simm.s32 $0x18200;
	s14 =	spop (v2sf)  }
0x25f: {  	[tilespmem:s13], [sflag:$0x7] =	stream.linear.gather [spmem:s10], $0x80, $0x38;
	[tilespmem:$0x1A400] =	vst v63  }
0x260: {  	s13 =	sshll.u32 s14, $0xA  }
0x261: {  	s10 =	sshll.u32 s14, $0x7;
	s12 =	sand.u32 $0xFFFFE000, s13  }
0x262: {  	(v2sf) =	vpush v3, $0x6;
	s10 =	sand.u32 $0x380, s10;
	s12 =	sadd.s32 s12, s1  }
0x263: {  	s14 =	simm.s32 $0x16680;
	s10 =	sadd.s32 s10, s12  }
0x264: {  	[tilespmem:s14], [sflag:$0x7] =	stream.linear.gather [spmem:s10], $0x80, $0x38;
	[tilespmem:$0x1A400] =	vst v63  }
0x265: {  	s13 =	sadd.s32 $0x400, s10;
	s14 =	simm.s32 $0x16A80  }
0x266: {  	[tilespmem:s14], [sflag:$0x7] =	stream.linear.gather [spmem:s13], $0x80, $0x38;
	[tilespmem:$0x1A400] =	vst v63  }
0x267: {  	s13 =	sadd.s32 $0x800, s10;
	s14 =	simm.s32 $0x16E80  }
0x268: {  	[tilespmem:s14], [sflag:$0x7] =	stream.linear.gather [spmem:s13], $0x80, $0x38;
	[tilespmem:$0x1A400] =	vst v63  }
0x269: {  	s13 =	sadd.s32 $0xC00, s10;
	s14 =	simm.s32 $0x17280  }
0x26a: {  	[tilespmem:s14], [sflag:$0x7] =	stream.linear.gather [spmem:s13], $0x80, $0x38;
	[tilespmem:$0x1A400] =	vst v63  }
0x26b: {  	s13 =	sadd.s32 $0x1000, s10;
	s14 =	simm.s32 $0x17680  }
0x26c: {  	[tilespmem:s14], [sflag:$0x7] =	stream.linear.gather [spmem:s13], $0x80, $0x38;
	[tilespmem:$0x1A400] =	vst v63  }
0x26d: {  	s13 =	sadd.s32 $0x1400, s10;
	s14 =	simm.s32 $0x17A80  }
0x26e: {  	[tilespmem:s14], [sflag:$0x7] =	stream.linear.gather [spmem:s13], $0x80, $0x38;
	[tilespmem:$0x1A400] =	vst v63  }
0x26f: {  	s13 =	sadd.s32 $0x1800, s10;
	s14 =	simm.s32 $0x17E80  }
0x270: {  	[tilespmem:s14], [sflag:$0x7] =	stream.linear.gather [spmem:s13], $0x80, $0x38;
	[tilespmem:$0x1A400] =	vst v63  }
0x271: {  	s10 =	sadd.s32 $0x1C00, s10;
	s13 =	simm.s32 $0x18280;
	s14 =	spop (v2sf)  }
0x272: {  	[tilespmem:s13], [sflag:$0x7] =	stream.linear.gather [spmem:s10], $0x80, $0x38;
	[tilespmem:$0x1A400] =	vst v63  }
0x273: {  	s13 =	sshll.u32 s14, $0xA  }
0x274: {  	s10 =	sshll.u32 s14, $0x7;
	s12 =	sand.u32 $0xFFFFE000, s13  }
0x275: {  	(v2sf) =	vpush v3, $0x7;
	s10 =	sand.u32 $0x380, s10;
	s12 =	sadd.s32 s12, s1  }
0x276: {  	s14 =	simm.s32 $0x16700;
	s10 =	sadd.s32 s10, s12  }
0x277: {  	[tilespmem:s14], [sflag:$0x7] =	stream.linear.gather [spmem:s10], $0x80, $0x38;
	[tilespmem:$0x1A400] =	vst v63  }
0x278: {  	s13 =	sadd.s32 $0x400, s10;
	s14 =	simm.s32 $0x16B00  }
0x279: {  	[tilespmem:s14], [sflag:$0x7] =	stream.linear.gather [spmem:s13], $0x80, $0x38;
	[tilespmem:$0x1A400] =	vst v63  }
0x27a: {  	s13 =	sadd.s32 $0x800, s10;
	s14 =	simm.s32 $0x16F00  }
0x27b: {  	[tilespmem:s14], [sflag:$0x7] =	stream.linear.gather [spmem:s13], $0x80, $0x38;
	[tilespmem:$0x1A400] =	vst v63  }
0x27c: {  	s13 =	sadd.s32 $0xC00, s10;
	s14 =	simm.s32 $0x17300  }
0x27d: {  	[tilespmem:s14], [sflag:$0x7] =	stream.linear.gather [spmem:s13], $0x80, $0x38;
	[tilespmem:$0x1A400] =	vst v63  }
0x27e: {  	s13 =	sadd.s32 $0x1000, s10;
	s14 =	simm.s32 $0x17700  }
0x27f: {  	[tilespmem:s14], [sflag:$0x7] =	stream.linear.gather [spmem:s13], $0x80, $0x38;
	[tilespmem:$0x1A400] =	vst v63  }
0x280: {  	s13 =	sadd.s32 $0x1400, s10;
	s14 =	simm.s32 $0x17B00  }
0x281: {  	[tilespmem:s14], [sflag:$0x7] =	stream.linear.gather [spmem:s13], $0x80, $0x38;
	[tilespmem:$0x1A400] =	vst v63  }
0x282: {  	s13 =	sadd.s32 $0x1800, s10;
	s14 =	simm.s32 $0x17F00  }
0x283: {  	[tilespmem:s14], [sflag:$0x7] =	stream.linear.gather [spmem:s13], $0x80, $0x38;
	[tilespmem:$0x1A400] =	vst v63  }
0x284: {  	s10 =	sadd.s32 $0x1C00, s10;
	s13 =	simm.s32 $0x18300;
	s14 =	spop (v2sf)  }
0x285: {  	[tilespmem:s13], [sflag:$0x7] =	stream.linear.gather [spmem:s10], $0x80, $0x38;
	[tilespmem:$0x1A400] =	vst v63  }
0x286: {  	s13 =	sshll.u32 s14, $0xA  }
0x287: {  	s10 =	sshll.u32 s14, $0x7;
	s12 =	sand.u32 $0xFFFFE000, s13  }
0x288: {  	(v2sf) =	vpush v3, $0x8;
	s10 =	sand.u32 $0x380, s10;
	s12 =	sadd.s32 s12, s1  }
0x289: {  	s14 =	simm.s32 $0x16780;
	s10 =	sadd.s32 s10, s12  }
0x28a: {  	[tilespmem:s14], [sflag:$0x7] =	stream.linear.gather [spmem:s10], $0x80, $0x38;
	[tilespmem:$0x1A400] =	vst v63  }
0x28b: {  	s13 =	sadd.s32 $0x400, s10;
	s14 =	simm.s32 $0x16B80  }
0x28c: {  	[tilespmem:s14], [sflag:$0x7] =	stream.linear.gather [spmem:s13], $0x80, $0x38;
	[tilespmem:$0x1A400] =	vst v63  }
0x28d: {  	s13 =	sadd.s32 $0x800, s10;
	s14 =	simm.s32 $0x16F80  }
0x28e: {  	[tilespmem:s14], [sflag:$0x7] =	stream.linear.gather [spmem:s13], $0x80, $0x38;
	[tilespmem:$0x1A400] =	vst v63  }
0x28f: {  	s13 =	sadd.s32 $0xC00, s10;
	s14 =	simm.s32 $0x17380  }
0x290: {  	[tilespmem:s14], [sflag:$0x7] =	stream.linear.gather [spmem:s13], $0x80, $0x38;
	[tilespmem:$0x1A400] =	vst v63  }
0x291: {  	s13 =	sadd.s32 $0x1000, s10;
	s14 =	simm.s32 $0x17780  }
0x292: {  	[tilespmem:s14], [sflag:$0x7] =	stream.linear.gather [spmem:s13], $0x80, $0x38;
	[tilespmem:$0x1A400] =	vst v63  }
0x293: {  	s13 =	sadd.s32 $0x1400, s10;
	s14 =	simm.s32 $0x17B80  }
0x294: {  	[tilespmem:s14], [sflag:$0x7] =	stream.linear.gather [spmem:s13], $0x80, $0x38;
	[tilespmem:$0x1A400] =	vst v63  }
0x295: {  	s13 =	sadd.s32 $0x1800, s10;
	s14 =	simm.s32 $0x17F80  }
0x296: {  	[tilespmem:s14], [sflag:$0x7] =	stream.linear.gather [spmem:s13], $0x80, $0x38;
	[tilespmem:$0x1A400] =	vst v63  }
0x297: {  	s10 =	sadd.s32 $0x1C00, s10;
	s13 =	simm.s32 $0x18380;
	s14 =	spop (v2sf)  }
0x298: {  	[tilespmem:s13], [sflag:$0x7] =	stream.linear.gather [spmem:s10], $0x80, $0x38;
	[tilespmem:$0x1A400] =	vst v63  }
0x299: {  	s13 =	sshll.u32 s14, $0xA  }
0x29a: {  	s10 =	sshll.u32 s14, $0x7;
	s12 =	sand.u32 $0xFFFFE000, s13  }
0x29b: {  	(v2sf) =	vpush v3, $0x9;
	s10 =	sand.u32 $0x380, s10;
	s12 =	sadd.s32 s12, s1  }
0x29c: {  	s14 =	simm.s32 $0x18400;
	s10 =	sadd.s32 s10, s12  }
0x29d: {  	[tilespmem:s14], [sflag:$0x7] =	stream.linear.gather [spmem:s10], $0x80, $0x38;
	[tilespmem:$0x1A400] =	vst v63  }
0x29e: {  	s13 =	sadd.s32 $0x400, s10;
	s14 =	simm.s32 $0x18800  }
0x29f: {  	[tilespmem:s14], [sflag:$0x7] =	stream.linear.gather [spmem:s13], $0x80, $0x38;
	[tilespmem:$0x1A400] =	vst v63  }
0x2a0: {  	s13 =	sadd.s32 $0x800, s10;
	s14 =	simm.s32 $0x18C00  }
0x2a1: {  	[tilespmem:s14], [sflag:$0x7] =	stream.linear.gather [spmem:s13], $0x80, $0x38;
	[tilespmem:$0x1A400] =	vst v63  }
0x2a2: {  	s13 =	sadd.s32 $0xC00, s10;
	s14 =	simm.s32 $0x19000  }
0x2a3: {  	[tilespmem:s14], [sflag:$0x7] =	stream.linear.gather [spmem:s13], $0x80, $0x38;
	[tilespmem:$0x1A400] =	vst v63  }
0x2a4: {  	s13 =	sadd.s32 $0x1000, s10;
	s14 =	simm.s32 $0x19400  }
0x2a5: {  	[tilespmem:s14], [sflag:$0x7] =	stream.linear.gather [spmem:s13], $0x80, $0x38;
	[tilespmem:$0x1A400] =	vst v63  }
0x2a6: {  	s13 =	sadd.s32 $0x1400, s10;
	s14 =	simm.s32 $0x19800  }
0x2a7: {  	[tilespmem:s14], [sflag:$0x7] =	stream.linear.gather [spmem:s13], $0x80, $0x38;
	[tilespmem:$0x1A400] =	vst v63  }
0x2a8: {  	s13 =	sadd.s32 $0x1800, s10;
	s14 =	simm.s32 $0x19C00  }
0x2a9: {  	[tilespmem:s14], [sflag:$0x7] =	stream.linear.gather [spmem:s13], $0x80, $0x38;
	[tilespmem:$0x1A400] =	vst v63  }
0x2aa: {  	s10 =	sadd.s32 $0x1C00, s10;
	s13 =	simm.s32 $0x1A000;
	s14 =	spop (v2sf)  }
0x2ab: {  	[tilespmem:s13], [sflag:$0x7] =	stream.linear.gather [spmem:s10], $0x80, $0x38;
	[tilespmem:$0x1A400] =	vst v63  }
0x2ac: {  	s13 =	sshll.u32 s14, $0xA  }
0x2ad: {  	s10 =	sshll.u32 s14, $0x7;
	s12 =	sand.u32 $0xFFFFE000, s13  }
0x2ae: {  	(v2sf) =	vpush v3, $0xA;
	s10 =	sand.u32 $0x380, s10;
	s12 =	sadd.s32 s12, s1  }
0x2af: {  	s14 =	simm.s32 $0x18480;
	s10 =	sadd.s32 s10, s12  }
0x2b0: {  	[tilespmem:s14], [sflag:$0x7] =	stream.linear.gather [spmem:s10], $0x80, $0x38;
	[tilespmem:$0x1A400] =	vst v63  }
0x2b1: {  	s13 =	sadd.s32 $0x400, s10;
	s14 =	simm.s32 $0x18880  }
0x2b2: {  	[tilespmem:s14], [sflag:$0x7] =	stream.linear.gather [spmem:s13], $0x80, $0x38;
	[tilespmem:$0x1A400] =	vst v63  }
0x2b3: {  	s13 =	sadd.s32 $0x800, s10;
	s14 =	simm.s32 $0x18C80  }
0x2b4: {  	[tilespmem:s14], [sflag:$0x7] =	stream.linear.gather [spmem:s13], $0x80, $0x38;
	[tilespmem:$0x1A400] =	vst v63  }
0x2b5: {  	s13 =	sadd.s32 $0xC00, s10;
	s14 =	simm.s32 $0x19080  }
0x2b6: {  	[tilespmem:s14], [sflag:$0x7] =	stream.linear.gather [spmem:s13], $0x80, $0x38;
	[tilespmem:$0x1A400] =	vst v63  }
0x2b7: {  	s13 =	sadd.s32 $0x1000, s10;
	s14 =	simm.s32 $0x19480  }
0x2b8: {  	[tilespmem:s14], [sflag:$0x7] =	stream.linear.gather [spmem:s13], $0x80, $0x38;
	[tilespmem:$0x1A400] =	vst v63  }
0x2b9: {  	s13 =	sadd.s32 $0x1400, s10;
	s14 =	simm.s32 $0x19880  }
0x2ba: {  	[tilespmem:s14], [sflag:$0x7] =	stream.linear.gather [spmem:s13], $0x80, $0x38;
	[tilespmem:$0x1A400] =	vst v63  }
0x2bb: {  	s13 =	sadd.s32 $0x1800, s10;
	s14 =	simm.s32 $0x19C80  }
0x2bc: {  	[tilespmem:s14], [sflag:$0x7] =	stream.linear.gather [spmem:s13], $0x80, $0x38;
	[tilespmem:$0x1A400] =	vst v63  }
0x2bd: {  	s10 =	sadd.s32 $0x1C00, s10;
	s13 =	simm.s32 $0x1A080;
	s14 =	spop (v2sf)  }
0x2be: {  	[tilespmem:s13], [sflag:$0x7] =	stream.linear.gather [spmem:s10], $0x80, $0x38;
	[tilespmem:$0x1A400] =	vst v63  }
0x2bf: {  	s13 =	sshll.u32 s14, $0xA  }
0x2c0: {  	s10 =	sshll.u32 s14, $0x7;
	s12 =	sand.u32 $0xFFFFE000, s13  }
0x2c1: {  	(v2sf) =	vpush v3, $0xB;
	s10 =	sand.u32 $0x380, s10;
	s12 =	sadd.s32 s12, s1  }
0x2c2: {  	s14 =	simm.s32 $0x18500;
	s10 =	sadd.s32 s10, s12  }
0x2c3: {  	[tilespmem:s14], [sflag:$0x7] =	stream.linear.gather [spmem:s10], $0x80, $0x38;
	[tilespmem:$0x1A400] =	vst v63  }
0x2c4: {  	s13 =	sadd.s32 $0x400, s10;
	s14 =	simm.s32 $0x18900  }
0x2c5: {  	[tilespmem:s14], [sflag:$0x7] =	stream.linear.gather [spmem:s13], $0x80, $0x38;
	[tilespmem:$0x1A400] =	vst v63  }
0x2c6: {  	s13 =	sadd.s32 $0x800, s10;
	s14 =	simm.s32 $0x18D00  }
0x2c7: {  	[tilespmem:s14], [sflag:$0x7] =	stream.linear.gather [spmem:s13], $0x80, $0x38;
	[tilespmem:$0x1A400] =	vst v63  }
0x2c8: {  	s13 =	sadd.s32 $0xC00, s10;
	s14 =	simm.s32 $0x19100  }
0x2c9: {  	[tilespmem:s14], [sflag:$0x7] =	stream.linear.gather [spmem:s13], $0x80, $0x38;
	[tilespmem:$0x1A400] =	vst v63  }
0x2ca: {  	s13 =	sadd.s32 $0x1000, s10;
	s14 =	simm.s32 $0x19500  }
0x2cb: {  	[tilespmem:s14], [sflag:$0x7] =	stream.linear.gather [spmem:s13], $0x80, $0x38;
	[tilespmem:$0x1A400] =	vst v63  }
0x2cc: {  	s13 =	sadd.s32 $0x1400, s10;
	s14 =	simm.s32 $0x19900  }
0x2cd: {  	[tilespmem:s14], [sflag:$0x7] =	stream.linear.gather [spmem:s13], $0x80, $0x38;
	[tilespmem:$0x1A400] =	vst v63  }
0x2ce: {  	s13 =	sadd.s32 $0x1800, s10;
	s14 =	simm.s32 $0x19D00  }
0x2cf: {  	[tilespmem:s14], [sflag:$0x7] =	stream.linear.gather [spmem:s13], $0x80, $0x38;
	[tilespmem:$0x1A400] =	vst v63  }
0x2d0: {  	s10 =	sadd.s32 $0x1C00, s10;
	s13 =	simm.s32 $0x1A100;
	s14 =	spop (v2sf)  }
0x2d1: {  	[tilespmem:s13], [sflag:$0x7] =	stream.linear.gather [spmem:s10], $0x80, $0x38;
	[tilespmem:$0x1A400] =	vst v63  }
0x2d2: {  	s13 =	sshll.u32 s14, $0xA  }
0x2d3: {  	s10 =	sshll.u32 s14, $0x7;
	s12 =	sand.u32 $0xFFFFE000, s13  }
0x2d4: {  	(v2sf) =	vpush v3, $0xC;
	s10 =	sand.u32 $0x380, s10;
	s12 =	sadd.s32 s12, s1  }
0x2d5: {  	s14 =	simm.s32 $0x18580;
	s10 =	sadd.s32 s10, s12  }
0x2d6: {  	[tilespmem:s14], [sflag:$0x7] =	stream.linear.gather [spmem:s10], $0x80, $0x38;
	[tilespmem:$0x1A400] =	vst v63  }
0x2d7: {  	s13 =	sadd.s32 $0x400, s10;
	s14 =	simm.s32 $0x18980  }
0x2d8: {  	[tilespmem:s14], [sflag:$0x7] =	stream.linear.gather [spmem:s13], $0x80, $0x38;
	[tilespmem:$0x1A400] =	vst v63  }
0x2d9: {  	s13 =	sadd.s32 $0x800, s10;
	s14 =	simm.s32 $0x18D80  }
0x2da: {  	[tilespmem:s14], [sflag:$0x7] =	stream.linear.gather [spmem:s13], $0x80, $0x38;
	[tilespmem:$0x1A400] =	vst v63  }
0x2db: {  	s13 =	sadd.s32 $0xC00, s10;
	s14 =	simm.s32 $0x19180  }
0x2dc: {  	[tilespmem:s14], [sflag:$0x7] =	stream.linear.gather [spmem:s13], $0x80, $0x38;
	[tilespmem:$0x1A400] =	vst v63  }
0x2dd: {  	s13 =	sadd.s32 $0x1000, s10;
	s14 =	simm.s32 $0x19580  }
0x2de: {  	[tilespmem:s14], [sflag:$0x7] =	stream.linear.gather [spmem:s13], $0x80, $0x38;
	[tilespmem:$0x1A400] =	vst v63  }
0x2df: {  	s13 =	sadd.s32 $0x1400, s10;
	s14 =	simm.s32 $0x19980  }
0x2e0: {  	[tilespmem:s14], [sflag:$0x7] =	stream.linear.gather [spmem:s13], $0x80, $0x38;
	[tilespmem:$0x1A400] =	vst v63  }
0x2e1: {  	s13 =	sadd.s32 $0x1800, s10;
	s14 =	simm.s32 $0x19D80  }
0x2e2: {  	[tilespmem:s14], [sflag:$0x7] =	stream.linear.gather [spmem:s13], $0x80, $0x38;
	[tilespmem:$0x1A400] =	vst v63  }
0x2e3: {  	s10 =	sadd.s32 $0x1C00, s10;
	s13 =	simm.s32 $0x1A180;
	s14 =	spop (v2sf)  }
0x2e4: {  	[tilespmem:s13], [sflag:$0x7] =	stream.linear.gather [spmem:s10], $0x80, $0x38;
	[tilespmem:$0x1A400] =	vst v63  }
0x2e5: {  	s13 =	sshll.u32 s14, $0xA  }
0x2e6: {  	s10 =	sshll.u32 s14, $0x7;
	s12 =	sand.u32 $0xFFFFE000, s13  }
0x2e7: {  	(v2sf) =	vpush v3, $0xD;
	s10 =	sand.u32 $0x380, s10;
	s12 =	sadd.s32 s12, s1  }
0x2e8: {  	s14 =	simm.s32 $0x18600;
	s10 =	sadd.s32 s10, s12  }
0x2e9: {  	[tilespmem:s14], [sflag:$0x7] =	stream.linear.gather [spmem:s10], $0x80, $0x38;
	[tilespmem:$0x1A400] =	vst v63  }
0x2ea: {  	s13 =	sadd.s32 $0x400, s10;
	s14 =	simm.s32 $0x18A00  }
0x2eb: {  	[tilespmem:s14], [sflag:$0x7] =	stream.linear.gather [spmem:s13], $0x80, $0x38;
	[tilespmem:$0x1A400] =	vst v63  }
0x2ec: {  	s13 =	sadd.s32 $0x800, s10;
	s14 =	simm.s32 $0x18E00  }
0x2ed: {  	[tilespmem:s14], [sflag:$0x7] =	stream.linear.gather [spmem:s13], $0x80, $0x38;
	[tilespmem:$0x1A400] =	vst v63  }
0x2ee: {  	s13 =	sadd.s32 $0xC00, s10;
	s14 =	simm.s32 $0x19200  }
0x2ef: {  	[tilespmem:s14], [sflag:$0x7] =	stream.linear.gather [spmem:s13], $0x80, $0x38;
	[tilespmem:$0x1A400] =	vst v63  }
0x2f0: {  	s13 =	sadd.s32 $0x1000, s10;
	s14 =	simm.s32 $0x19600  }
0x2f1: {  	[tilespmem:s14], [sflag:$0x7] =	stream.linear.gather [spmem:s13], $0x80, $0x38;
	[tilespmem:$0x1A400] =	vst v63  }
0x2f2: {  	s13 =	sadd.s32 $0x1400, s10;
	s14 =	simm.s32 $0x19A00  }
0x2f3: {  	[tilespmem:s14], [sflag:$0x7] =	stream.linear.gather [spmem:s13], $0x80, $0x38;
	[tilespmem:$0x1A400] =	vst v63  }
0x2f4: {  	s13 =	sadd.s32 $0x1800, s10;
	s14 =	simm.s32 $0x19E00  }
0x2f5: {  	[tilespmem:s14], [sflag:$0x7] =	stream.linear.gather [spmem:s13], $0x80, $0x38;
	[tilespmem:$0x1A400] =	vst v63  }
0x2f6: {  	s10 =	sadd.s32 $0x1C00, s10;
	s13 =	simm.s32 $0x1A200;
	s14 =	spop (v2sf)  }
0x2f7: {  	[tilespmem:s13], [sflag:$0x7] =	stream.linear.gather [spmem:s10], $0x80, $0x38;
	[tilespmem:$0x1A400] =	vst v63  }
0x2f8: {  	s13 =	sshll.u32 s14, $0xA  }
0x2f9: {  	s10 =	sshll.u32 s14, $0x7;
	s12 =	sand.u32 $0xFFFFE000, s13  }
0x2fa: {  	(v2sf) =	vpush v3, $0xE;
	s10 =	sand.u32 $0x380, s10;
	s12 =	sadd.s32 s12, s1  }
0x2fb: {  	s14 =	simm.s32 $0x18680;
	s10 =	sadd.s32 s10, s12  }
0x2fc: {  	[tilespmem:s14], [sflag:$0x7] =	stream.linear.gather [spmem:s10], $0x80, $0x38;
	[tilespmem:$0x1A400] =	vst v63  }
0x2fd: {  	s13 =	sadd.s32 $0x400, s10;
	s14 =	simm.s32 $0x18A80  }
0x2fe: {  	[tilespmem:s14], [sflag:$0x7] =	stream.linear.gather [spmem:s13], $0x80, $0x38;
	[tilespmem:$0x1A400] =	vst v63  }
0x2ff: {  	s13 =	sadd.s32 $0x800, s10;
	s14 =	simm.s32 $0x18E80  }
0x300: {  	[tilespmem:s14], [sflag:$0x7] =	stream.linear.gather [spmem:s13], $0x80, $0x38;
	[tilespmem:$0x1A400] =	vst v63  }
0x301: {  	s13 =	sadd.s32 $0xC00, s10;
	s14 =	simm.s32 $0x19280  }
0x302: {  	[tilespmem:s14], [sflag:$0x7] =	stream.linear.gather [spmem:s13], $0x80, $0x38;
	[tilespmem:$0x1A400] =	vst v63  }
0x303: {  	s13 =	sadd.s32 $0x1000, s10;
	s14 =	simm.s32 $0x19680  }
0x304: {  	[tilespmem:s14], [sflag:$0x7] =	stream.linear.gather [spmem:s13], $0x80, $0x38;
	[tilespmem:$0x1A400] =	vst v63  }
0x305: {  	s13 =	sadd.s32 $0x1400, s10;
	s14 =	simm.s32 $0x19A80  }
0x306: {  	[tilespmem:s14], [sflag:$0x7] =	stream.linear.gather [spmem:s13], $0x80, $0x38;
	[tilespmem:$0x1A400] =	vst v63  }
0x307: {  	s13 =	sadd.s32 $0x1800, s10;
	s14 =	simm.s32 $0x19E80  }
0x308: {  	[tilespmem:s14], [sflag:$0x7] =	stream.linear.gather [spmem:s13], $0x80, $0x38;
	[tilespmem:$0x1A400] =	vst v63  }
0x309: {  	s10 =	sadd.s32 $0x1C00, s10;
	s13 =	simm.s32 $0x1A280;
	s14 =	spop (v2sf)  }
0x30a: {  	[tilespmem:s13], [sflag:$0x7] =	stream.linear.gather [spmem:s10], $0x80, $0x38;
	[tilespmem:$0x1A400] =	vst v63  }
0x30b: {  	(v2sf) =	vpush v3, $0xF;
	s13 =	sshll.u32 s14, $0xA  }
0x30c: {  	s10 =	sshll.u32 s14, $0x7;
	s12 =	sand.u32 $0xFFFFE000, s13  }
0x30d: {  	s10 =	sand.u32 $0x380, s10;
	s12 =	sadd.s32 s12, s1  }
0x30e: {  	s14 =	simm.s32 $0x18700;
	s10 =	sadd.s32 s10, s12  }
0x30f: {  	[tilespmem:s14], [sflag:$0x7] =	stream.linear.gather [spmem:s10], $0x80, $0x38;
	[tilespmem:$0x1A400] =	vst v63  }
0x310: {  	s13 =	sadd.s32 $0x400, s10;
	s14 =	simm.s32 $0x18B00  }
0x311: {  	[tilespmem:s14], [sflag:$0x7] =	stream.linear.gather [spmem:s13], $0x80, $0x38;
	[tilespmem:$0x1A400] =	vst v63  }
0x312: {  	s13 =	sadd.s32 $0x800, s10;
	s14 =	simm.s32 $0x18F00  }
0x313: {  	[tilespmem:s14], [sflag:$0x7] =	stream.linear.gather [spmem:s13], $0x80, $0x38;
	[tilespmem:$0x1A400] =	vst v63  }
0x314: {  	s13 =	sadd.s32 $0xC00, s10;
	s14 =	simm.s32 $0x19300  }
0x315: {  	[tilespmem:s14], [sflag:$0x7] =	stream.linear.gather [spmem:s13], $0x80, $0x38;
	[tilespmem:$0x1A400] =	vst v63  }
0x316: {  	s13 =	sadd.s32 $0x1000, s10;
	s14 =	simm.s32 $0x19700  }
0x317: {  	[tilespmem:s14], [sflag:$0x7] =	stream.linear.gather [spmem:s13], $0x80, $0x38;
	[tilespmem:$0x1A400] =	vst v63  }
0x318: {  	s13 =	sadd.s32 $0x1400, s10;
	s14 =	simm.s32 $0x19B00  }
0x319: {  	[tilespmem:s14], [sflag:$0x7] =	stream.linear.gather [spmem:s13], $0x80, $0x38;
	[tilespmem:$0x1A400] =	vst v63  }
0x31a: {  	s13 =	sadd.s32 $0x1800, s10;
	s14 =	spop (v2sf)  }
0x31b: {  	[tilespmem:s15], [sflag:$0x7] =	stream.linear.gather [spmem:s13], $0x80, $0x38;
	[tilespmem:$0x1A400] =	vst v63  }
0x31c: {  	s10 =	sadd.s32 $0x1C00, s10;
	s13 =	sshll.u32 s14, $0xA  }
0x31d: {  	[tilespmem:s16], [sflag:$0x7] =	stream.linear.gather [spmem:s10], $0x80, $0x38;
	[tilespmem:$0x1A400] =	vst v63  }
0x31e: {  	s12 =	sand.u32 $0xFFFFE000, s13;
	s10 =	sshll.u32 s14, $0x7  }
0x31f: {  	s12 =	sadd.s32 s12, s1;
	s10 =	sand.u32 $0x380, s10  }
0x320: {  	s10 =	sadd.s32 s10, s12  }
0x321: {  	[tilespmem:s17], [sflag:$0x7] =	stream.linear.gather [spmem:s10], $0x80, $0x38;
	[tilespmem:$0x1A400] =	vst v63  }
0x322: {  	s12 =	sadd.s32 $0x400, s10  }
0x323: {  	[tilespmem:s18], [sflag:$0x7] =	stream.linear.gather [spmem:s12], $0x80, $0x38;
	[tilespmem:$0x1A400] =	vst v63  }
0x324: {  	s14 =	sadd.s32 $0x800, s10  }
0x325: {  	[tilespmem:s21], [sflag:$0x7] =	stream.linear.gather [spmem:s14], $0x80, $0x38;
	[tilespmem:$0x1A400] =	vst v63  }
0x326: {  	s13 =	sadd.s32 $0xC00, s10  }
0x327: {  	[tilespmem:s20], [sflag:$0x7] =	stream.linear.gather [spmem:s13], $0x80, $0x38;
	[tilespmem:$0x1A400] =	vst v63  }
0x328: {  	s14 =	sadd.s32 $0x1000, s10  }
0x329: {  	[tilespmem:s22], [sflag:$0x7] =	stream.linear.gather [spmem:s14], $0x80, $0x38;
	[tilespmem:$0x1A400] =	vst v63  }
0x32a: {  	s13 =	sadd.s32 $0x1400, s10  }
0x32b: {  	[tilespmem:s23], [sflag:$0x7] =	stream.linear.gather [spmem:s13], $0x80, $0x38;
	[tilespmem:$0x1A400] =	vst v63  }
0x32c: {  	s14 =	sadd.s32 $0x1800, s10  }
0x32d: {  	[tilespmem:s24], [sflag:$0x7] =	stream.linear.gather [spmem:s14], $0x80, $0x38;
	[tilespmem:$0x1A400] =	vst v63  }
0x32e: {  	s10 =	sadd.s32 $0x1C00, s10  }
0x32f: {  	[tilespmem:s25], [sflag:$0x7] =	stream.linear.gather [spmem:s10], $0x80, $0x38;
	[tilespmem:$0x1A400] =	vst v63  }
0x330: {  	_ =	swait.ge [sflag:s11], $0x400  }
0x331: {  	[sflag:s11] =	ssyncset.done $0x0  }
0x332: {  	[sflag:s11] =	ssyncadd.s32 $0xFFFFFC00  }
0x333: {  	_ =	swait.ge [sflag:s11], $0x400  }
0x334: {  	[sflag:s11] =	ssyncset.done $0x0  }
0x335: {  	[sflag:s11] =	ssyncadd.s32 $0xFFFFFC00  }
0x336: {  	_ =	swait.ge [sflag:s11], $0x400  }
0x337: {  	[sflag:s11] =	ssyncset.done $0x0  }
0x338: {  	[sflag:s11] =	ssyncadd.s32 $0xFFFFFC00  }
0x339: {  	_ =	swait.ge [sflag:s11], $0x400  }
0x33a: {  	[sflag:s11] =	ssyncset.done $0x0  }
0x33b: {  	[sflag:s11] =	ssyncadd.s32 $0xFFFFFC00  }
0x33c: {  	_ =	swait.ge [sflag:s11], $0x400  }
0x33d: {  	[sflag:s11] =	ssyncset.done $0x0  }
0x33e: {  	[sflag:s11] =	ssyncadd.s32 $0xFFFFFC00  }
0x33f: {  	_ =	swait.ge [sflag:s11], $0x400  }
0x340: {  	[sflag:s11] =	ssyncset.done $0x0  }
0x341: {  	[sflag:s11] =	ssyncadd.s32 $0xFFFFFC00  }
0x342: {  	_ =	swait.ge [sflag:s11], $0x400  }
0x343: {  	[sflag:s11] =	ssyncset.done $0x0  }
0x344: {  	[sflag:s11] =	ssyncadd.s32 $0xFFFFFC00  }
0x345: {  	_ =	swait.ge [sflag:s11], $0x400  }
0x346: {  	[sflag:s11] =	ssyncset.done $0x0  }
0x347: {  	[sflag:s11] =	ssyncadd.s32 $0xFFFFFC00  }
0x348: {  	_ =	swait.ge [sflag:s11], $0x400  }
0x349: {  	[sflag:s11] =	ssyncset.done $0x0  }
0x34a: {  	[sflag:s11] =	ssyncadd.s32 $0xFFFFFC00  }
0x34b: {  	_ =	swait.ge [sflag:s11], $0x400  }
0x34c: {  	[sflag:s11] =	ssyncset.done $0x0  }
0x34d: {  	[sflag:s11] =	ssyncadd.s32 $0xFFFFFC00  }
0x34e: {  	_ =	swait.ge [sflag:s11], $0x400  }
0x34f: {  	[sflag:s11] =	ssyncset.done $0x0  }
0x350: {  	[sflag:s11] =	ssyncadd.s32 $0xFFFFFC00  }
0x351: {  	_ =	swait.ge [sflag:s11], $0x400  }
0x352: {  	[sflag:s11] =	ssyncset.done $0x0  }
0x353: {  	[sflag:s11] =	ssyncadd.s32 $0xFFFFFC00  }
0x354: {  	_ =	swait.ge [sflag:s11], $0x400  }
0x355: {  	[sflag:s11] =	ssyncset.done $0x0  }
0x356: {  	[sflag:s11] =	ssyncadd.s32 $0xFFFFFC00  }
0x357: {  	_ =	swait.ge [sflag:s11], $0x400  }
0x358: {  	[sflag:s11] =	ssyncset.done $0x0  }
0x359: {  	[sflag:s11] =	ssyncadd.s32 $0xFFFFFC00  }
0x35a: {  	s4 =	sadd.s32 $0x2000, s4;
	_ =	swait.ge [sflag:s11], $0x400  }
0x35b: {  	p1 =	sne.s32 s4, $0x20000;
	[sflag:s11] =	ssyncset.done $0x0  }
.Ltmp0:
0x35c: {  	[sflag:s11] =	ssyncadd.s32 $0xFFFFFC00;
	(pc) =	sbr.rel @p1 .LBB2_2-.Ltmp0, $4  }
0x35d: {  	_ =	swait.ge [sflag:s11], $0x400  }
0x35e: {  	[sflag:s11] =	ssyncset.done $0x0  }
0x35f: {  	s8 =	sadd.s32 $0x1800, s8;
	s28 =	sadd.s32 $0x40, s28;
	[sflag:s11] =	ssyncadd.s32 $0xFFFFFC00  }
0x360: {  	[hbm4b:s8+s2] =	stream.linear.scatter [tilespmem:s0], [sflag:$0x6], $0x4000, $0x38;
	[tilespmem:$0x1A400] =	vst v63  }
0x361: {  	s4 =	simm.s32 $0x3  }
0x362: {  	_ =	swait.ge [sflag:s4], $0x4000  }
0x363: {  	[sflag:s4] =	ssyncset.done $0x0  }
0x364: {  	[sflag:s4] =	ssyncadd.s32 $0xFFFFC000  }
0x365: {  	_ =	swait.ge [sflag:s19], $0x4000  }
0x366: {  	[sflag:s19] =	ssyncset.done $0x0  }
0x367: {  	s14 =	simm.s32 $0x5;
	[sflag:s19] =	ssyncadd.s32 $0xFFFFC000  }
0x368: {  	_ =	swait.ge [sflag:s14], $0x4000  }
0x369: {  	[sflag:s14] =	ssyncset.done $0x0  }
0x36a: {  	[sflag:s14] =	ssyncadd.s32 $0xFFFFC000  }
0x36b: {  	_ =	swait.ge [sflag:s26], $0x4000  }
0x36c: {  	s8 =	rddreg [dreg:$0x7]  }
0x36d: {  	s28 =	rddreg [dreg:$0x5];
	s8 =	sadd.s32 $0x1, s8  }
0x36e: {  	p1 =	sne.s32 s8, s28  }
.Ltmp1:
0x36f: {  	_ = 	snop;
	(pc) =	sbr.rel @p1 .LBB2_1-.Ltmp1, $3  }
0x370: {  	_ =	sdelay $0x1  }
0x371: {  	[sflag:s26] =	ssyncset.done $0x0  }
0x372: {  	[sflag:s26] =	ssyncadd.s32 $0xFFFFC000  }
0x373: {  	_ =	sfence.sel $0x180000  }
0x374: {  	[bflag:$0x0] =	sbarrier.arrive $0xFFFF  }
0x375: {  	_ =	strace $0x90000047  }
0x376: {  	[bflag:$0x2] =	sbarrier.arrive $0xFFFF  }
0x377: {  	s0 =	rddreg [dreg:$0x3]  }
0x378: {  	s0 =	sadd.s32 @!p0 $0x100000, s0  }
0x379: {  	[sflag:s0] =	ssyncadd.tile.s32 @!p0 $0x1;
	_ =	shalt  }
.Lfunc_end2:
_tile_overlayer_lowered:
.L_overlay_start_2:
0x37a: {  	(tag) =	ssettag $0x2  }
0x37b: {  	s0 =	rddreg [dreg:$0x0];
	s2 =	stileid.u32  }
0x37c: {  	s1 =	rddreg [dreg:$0x1];
	p0 =	sne.s32 s2, $0x0  }
0x37d: {  	s3 =	rddreg [dreg:$0x2];
	[bflag:$0x3] =	sbarrier.arrive $0xFFFF;
	s2 =	simm.s32 @!p0 $0x1C08  }
0x37e: {  	[timem:s3], [sflag:s2] =	dma.local @!p0 [hbm:s0], s1  }
0x37f: {  	s0 =	simm.s32 @!p0 $0x8  }
0x380: {  	_ =	swait.ge @!p0 [sflag:s0], s1  }
0x381: {  	s1 =	ssub.s32 @!p0 $0x0, s1;
	[sflag:s0] =	ssyncset.done @!p0 $0x0  }
0x382: {  	[sflag:s0] =	ssyncadd.s32 @!p0 s1  }
0x383: {  	[bflag:$0x3] =	sbarrier.arrive $0xFFFF  }
0x384: {  	_ =	shalt  }

</sc_bundles>
